<compile_context>
chip_gen: v7x
topology: tpu7x:2x2x1
jax: 0.10.2.dev20260603
libtpu: 0.0.44.dev20260713+nightly
codegen_flags: <defaults>
</compile_context>

<pallas_src>
import functools

import jax
import jax.numpy as jnp
from jax import lax
from jax.experimental import pallas as pl
from jax.experimental.pallas import tpu as pltpu
from jax.experimental.pallas import tpu_sc as plsc

N = 10000
E = 320000
D = 128
NP = 10112
NW = 32
EPW = E // NW
CH = 128
NCH = 80
PADW = NCH * CH - EPW
RPT = NP // 16
_ROW_CHUNKS = (128, 128, 128, 128, 120)
BLK = NP // 4
FBLK = 2000

_mesh = plsc.VectorSubcoreMesh(core_axis_name="c", subcore_axis_name="s")


@functools.partial(
    pl.kernel,
    out_type=(
        jax.ShapeDtypeStruct((2 * NP,), jnp.float32),
        jax.ShapeDtypeStruct((2 * NP,), jnp.float32),
    ),
    mesh=_mesh,
    scratch_types=[
        pltpu.VMEM((NCH, CH), jnp.int32),
        pltpu.VMEM((NCH, CH), jnp.int32),
        pltpu.VMEM((CH,), jnp.float32),
        pltpu.VMEM((RPT,), jnp.float32),
        pltpu.VMEM_SHARED((NP,), jnp.float32),
        pltpu.VMEM_SHARED((NP,), jnp.float32),
    ],
)
def _degree_kernel(src_hbm, dst_hbm, ones_hbm, zcol_hbm, dego_hbm, degi_hbm,
                   idxs_v, idxd_v, ones_v, zb_v, dego_sh, degi_sh):
    c = lax.axis_index("c")
    s = lax.axis_index("s")
    wid = c * 16 + s
    r0 = s * RPT
    pltpu.sync_copy(src_hbm.at[wid], idxs_v)
    pltpu.sync_copy(dst_hbm.at[wid], idxd_v)
    pltpu.sync_copy(ones_hbm, ones_v)
    pltpu.sync_copy(zcol_hbm.at[pl.ds(r0, RPT)], zb_v)
    pltpu.sync_copy(zb_v, dego_sh.at[pl.ds(r0, RPT)])
    pltpu.sync_copy(zb_v, degi_sh.at[pl.ds(r0, RPT)])
    plsc.subcore_barrier()

    def body(g, carry):
        pltpu.sync_copy(ones_v, dego_sh.at[idxs_v.at[g]], add=True)
        pltpu.sync_copy(ones_v, degi_sh.at[idxd_v.at[g]], add=True)
        return carry

    lax.fori_loop(0, NCH, body, 0)
    plsc.subcore_barrier()
    pltpu.sync_copy(dego_sh.at[pl.ds(r0, RPT)], zb_v)
    pltpu.sync_copy(zb_v, dego_hbm.at[pl.ds(c * NP + r0, RPT)])
    pltpu.sync_copy(degi_sh.at[pl.ds(r0, RPT)], zb_v)
    pltpu.sync_copy(zb_v, degi_hbm.at[pl.ds(c * NP + r0, RPT)])


@functools.partial(
    pl.kernel,
    out_type=jax.ShapeDtypeStruct((2, NP, D), jnp.float32),
    mesh=_mesh,
    scratch_types=[
        pltpu.VMEM((NCH // 2, CH), jnp.int32),
        pltpu.VMEM((NCH // 2, CH), jnp.int32),
        pltpu.VMEM((2, CH, D), jnp.float32),
        pltpu.VMEM_SHARED((NP, D), jnp.float32),
        pltpu.SemaphoreType.DMA,
        pltpu.SemaphoreType.DMA,
        pltpu.SemaphoreType.DMA,
        pltpu.SemaphoreType.DMA,
    ],
)
def _aggregate_kernel(h_hbm, src_hbm, dst_hbm, zrows_hbm, agg_hbm,
                      idxs_v, idxd_v, buf_v, agg_sh, sem0, sem1, sem2, sem3):
    c = lax.axis_index("c")
    s = lax.axis_index("s")
    wid = c * 16 + s
    r0 = s * RPT
    for j, rows in enumerate(_ROW_CHUNKS):
        pltpu.sync_copy(zrows_hbm.at[pl.ds(r0 + 128 * j, rows)],
                        buf_v.at[0, pl.ds(0, rows)])
        pltpu.sync_copy(buf_v.at[0, pl.ds(0, rows)],
                        agg_sh.at[pl.ds(r0 + 128 * j, rows)])
    plsc.subcore_barrier()

    gsems = (sem0, sem1)
    ssems = (sem2, sem3)
    half = NCH // 2

    def gstart(g, slot):
        pltpu.async_copy(h_hbm.at[idxs_v.at[g]], buf_v.at[slot], gsems[slot])

    def gwait(slot):
        pltpu.make_async_copy(h_hbm.at[idxs_v.at[0]], buf_v.at[slot],
                              gsems[slot]).wait()

    def sstart(g, slot):
        pltpu.async_copy(buf_v.at[slot], agg_sh.at[idxd_v.at[g]], ssems[slot],
                         add=True)

    def swait(slot):
        pltpu.make_async_copy(buf_v.at[slot], agg_sh.at[idxd_v.at[0]],
                              ssems[slot]).wait()

    for p in range(2):
        pltpu.sync_copy(src_hbm.at[wid, pl.ds(p * half, half)], idxs_v)
        pltpu.sync_copy(dst_hbm.at[wid, pl.ds(p * half, half)], idxd_v)
        gstart(0, 0)
        gstart(1, 1)

        def body(i, carry):
            g = 2 * i
            gwait(0)
            sstart(g, 0)
            swait(0)
            gstart(g + 2, 0)
            gwait(1)
            sstart(g + 1, 1)
            swait(1)
            gstart(g + 3, 1)
            return carry

        lax.fori_loop(0, (half - 2) // 2, body, 0)
        gwait(0)
        sstart(half - 2, 0)
        swait(0)
        gwait(1)
        sstart(half - 1, 1)
        swait(1)

    plsc.subcore_barrier()
    for j, rows in enumerate(_ROW_CHUNKS):
        pltpu.sync_copy(agg_sh.at[pl.ds(r0 + 128 * j, rows)],
                        buf_v.at[0, pl.ds(0, rows)])
        pltpu.sync_copy(buf_v.at[0, pl.ds(0, rows)],
                        agg_hbm.at[c, pl.ds(r0 + 128 * j, rows)])


def _scale_body(x_ref, deg_ref, h_ref):
    d = deg_ref[0] + deg_ref[1]
    h_ref[...] = x_ref[...] * lax.rsqrt(jnp.maximum(d, 1.0))


def _scale_rows(x_pad, degp):
    return pl.pallas_call(
        _scale_body,
        grid=(NP // BLK,),
        in_specs=[
            pl.BlockSpec((BLK, D), lambda i: (i, 0)),
            pl.BlockSpec((2, BLK, 1), lambda i: (0, i, 0)),
        ],
        out_specs=pl.BlockSpec((BLK, D), lambda i: (i, 0)),
        out_shape=jax.ShapeDtypeStruct((NP, D), jnp.float32),
    )(x_pad, degp)


def _finish_body(agg_ref, deg_ref, w_ref, b_ref, y_ref):
    a = agg_ref[0] + agg_ref[1]
    d = deg_ref[0] + deg_ref[1]
    a = a * lax.rsqrt(jnp.maximum(d, 1.0))
    y_ref[...] = (jnp.dot(a, w_ref[...], preferred_element_type=jnp.float32)
                  + b_ref[...])


def _finish(aggp, degp, W, b2):
    return pl.pallas_call(
        _finish_body,
        grid=(N // FBLK,),
        in_specs=[
            pl.BlockSpec((2, FBLK, D), lambda i: (0, i, 0)),
            pl.BlockSpec((2, FBLK, 1), lambda i: (0, i, 0)),
            pl.BlockSpec((D, D), lambda i: (0, 0)),
            pl.BlockSpec((1, D), lambda i: (0, 0)),
        ],
        out_specs=pl.BlockSpec((FBLK, D), lambda i: (i, 0)),
        out_shape=jax.ShapeDtypeStruct((N, D), jnp.float32),
    )(aggp, degp, W, b2)


def kernel(x, edge_index, W, b):
    src = edge_index[0]
    dst = edge_index[1]

    pad = (N + (jnp.arange(NW, dtype=jnp.int32) % 16))[:, None]
    pad = jnp.broadcast_to(pad, (NW, PADW))
    srcp = jnp.concatenate([src.reshape(NW, EPW), pad], 1).reshape(NW, NCH, CH)
    dstp = jnp.concatenate([dst.reshape(NW, EPW), pad], 1).reshape(NW, NCH, CH)

    x_pad = jnp.concatenate([x, jnp.zeros((NP - N, D), jnp.float32)], 0)
    ones_col = jnp.ones((CH,), jnp.float32)
    zcol = jnp.zeros((NP,), jnp.float32)
    zrows = jnp.zeros((NP, D), jnp.float32)

    deg_out_f, deg_in_f = _degree_kernel(srcp, dstp, ones_col, zcol)
    h = _scale_rows(x_pad, deg_out_f.reshape(2, NP, 1))
    aggp = _aggregate_kernel(h, srcp, dstp, zrows)
    return _finish(aggp, deg_in_f.reshape(2, NP, 1), W, b.reshape(1, D))

# --- scband reference (transcript-rebuilt; emitter-appended) ---
"""Pipeline reference for scband-gcnencoder-44487271252060 (READ-ONLY COPY).

The authoritative reference and input builder live on the scoring server;
editing this copy changes nothing except your own understanding.
"""

import jax, jax.numpy as jnp
import numpy as np

N_NODES = 10000
N_EDGES = 320000
D_IN = 128
D_OUT = 128


def setup_inputs(seed: int = 0) -> dict:
    key = jax.random.key(seed)
    k1, k2, k3 = jax.random.split(key, 3)
    x = jax.random.normal(k1, (N_NODES, D_IN), dtype=jnp.float32)
    edge_index = jax.random.randint(k2, (2, N_EDGES), 0, N_NODES, dtype=jnp.int32)
    # GraphConv learned params (weight + bias)
    W = jax.random.normal(k3, (D_IN, D_OUT), dtype=jnp.float32) * (1.0 / np.sqrt(D_IN))
    b = jnp.zeros((D_OUT,), dtype=jnp.float32)
    return {"x": x, "edge_index": edge_index, "W": W, "b": b}


def reference(x, edge_index, W, b):
    # Faithful port of dgl.nn.GraphConv(in_dim, hid_dim) with default norm='both':
    #   h  = x * out_deg^{-1/2}
    #   a  = scatter_add over edges (src -> dst)
    #   a  = a * in_deg^{-1/2}
    #   y  = a @ W + b   (aggregate-first branch since in_feats <= out_feats)
    src = edge_index[0]
    dst = edge_index[1]

    deg_out = jnp.zeros((N_NODES,), dtype=jnp.float32).at[src].add(1.0)
    norm_src = jax.lax.rsqrt(jnp.clip(deg_out, 1.0))
    h = x * norm_src[:, None]

    # gather messages along edges, scatter-add into destination nodes
    msgs = jnp.take(h, src, axis=0)
    agg = jax.ops.segment_sum(msgs, dst, num_segments=N_NODES)

    deg_in = jnp.zeros((N_NODES,), dtype=jnp.float32).at[dst].add(1.0)
    norm_dst = jax.lax.rsqrt(jnp.clip(deg_in, 1.0))
    agg = agg * norm_dst[:, None]

    return agg @ W + b

if __name__ == "__main__":
    import jax
    _d = setup_inputs()
    print(jax.jit(kernel)(*tuple(_d.values())))

</pallas_src>

<mosaic_0001>
#map = affine_map<(d0, d1) -> (0, 0)>
#map1 = affine_map<(d0, d1) -> (0, 0, 0)>
module attributes {stable_mosaic.version = 14 : i64} {
  func.func @_aggregate_kernel(%arg0: i32, %arg1: i32, %arg2: memref<10112x128xf32, #tpu.memory_space<hbm>>, %arg3: memref<32x80x128xi32, #tpu.memory_space<hbm>>, %arg4: memref<32x80x128xi32, #tpu.memory_space<hbm>>, %arg5: memref<10112x128xf32, #tpu.memory_space<hbm>>, %arg6: memref<2x10112x128xf32, #tpu.memory_space<hbm>>, %arg7: memref<40x128xi32, #tpu.memory_space<vmem>>, %arg8: memref<40x128xi32, #tpu.memory_space<vmem>>, %arg9: memref<2x128x128xf32, #tpu.memory_space<vmem>>, %arg10: memref<10112x128xf32, #tpu.memory_space<vmem_shared>>, %arg11: memref<!tpu.dma_semaphore, #tpu.memory_space<semaphore_mem>>, %arg12: memref<!tpu.dma_semaphore, #tpu.memory_space<semaphore_mem>>, %arg13: memref<!tpu.dma_semaphore, #tpu.memory_space<semaphore_mem>>, %arg14: memref<!tpu.dma_semaphore, #tpu.memory_space<semaphore_mem>>) attributes {dimension_semantics = [#tpu.dimension_semantics<core_parallel>, #tpu.dimension_semantics<subcore_parallel>], iteration_bounds = array<i64: 2, 16>, scalar_prefetch = 0 : i64, scratch_operands = 8 : i64, tpu.core_type = #tpu.core_type<sc_vector_subcore>, window_params = [{transform_indices = #map}, {transform_indices = #map1}, {transform_indices = #map1}, {transform_indices = #map}, {transform_indices = #map1}]} {
    %mul3A = arith.constant 16 : i32
    %mul3A_0 = arith.muli %arg0, %mul3A : i32
    %add3A = arith.addi %mul3A_0, %arg1 : i32
    %mul3A_1 = arith.constant 632 : i32
    %mul3A_2 = arith.muli %arg1, %mul3A_1 : i32
    %add3A_3 = arith.constant 0 : i32
    %add3A_4 = arith.addi %mul3A_2, %add3A_3 : i32
    %run_scoped3A = arith.constant 0 : i32
    "tpu.region"() ({
      %run_scoped3A_264 = tpu.sem_alloc : memref<!tpu.dma_semaphore, #tpu.memory_space<semaphore_mem>>
      %dma_start3A_265 = arith.constant 0 : i32
      %dma_start3A_266 = arith.constant 0 : i32
      %dma_start3A_267 = tpu.memref_slice %arg9[%run_scoped3A, %dma_start3A_265, %dma_start3A_266] : memref<2x128x128xf32, #tpu.memory_space<vmem>> -> memref<1x128x128xf32, #tpu.memory_space<vmem>>
      %dma_start3A_268 = tpu.memref_squeeze %dma_start3A_267 : memref<1x128x128xf32, #tpu.memory_space<vmem>> -> memref<128x128xf32, #tpu.memory_space<vmem>>
      %dma_start3A_269 = arith.constant 0 : i32
      %dma_start3A_270 = tpu.memref_slice %arg5[%add3A_4, %dma_start3A_269] : memref<10112x128xf32, #tpu.memory_space<hbm>> -> memref<128x128xf32, #tpu.memory_space<hbm>>
      %dma_start3A_271 = arith.constant 0 : i32
      %dma_start3A_272 = arith.constant 0 : i32
      %dma_start3A_273 = tpu.memref_slice %arg9[%run_scoped3A, %dma_start3A_271, %dma_start3A_272] : memref<2x128x128xf32, #tpu.memory_space<vmem>> -> memref<1x128x128xf32, #tpu.memory_space<vmem>>
      %dma_start3A_274 = tpu.memref_squeeze %dma_start3A_273 : memref<1x128x128xf32, #tpu.memory_space<vmem>> -> memref<128x128xf32, #tpu.memory_space<vmem>>
      %dma_start3A_275 = arith.constant 0 : i32
      %dma_start3A_276 = tpu.memref_slice %arg5[%add3A_4, %dma_start3A_275] : memref<10112x128xf32, #tpu.memory_space<hbm>> -> memref<128x128xf32, #tpu.memory_space<hbm>>
      tpu.enqueue_dma source(%dma_start3A_276 : memref<128x128xf32, #tpu.memory_space<hbm>>) target(%dma_start3A_274 : memref<128x128xf32, #tpu.memory_space<vmem>>) target_semaphore(%run_scoped3A_264 : memref<!tpu.dma_semaphore, #tpu.memory_space<semaphore_mem>>)
      %dma_wait3A_277 = arith.constant 0 : i32
      %dma_wait3A_278 = arith.constant 0 : i32
      %dma_wait3A_279 = tpu.memref_slice %arg9[%run_scoped3A, %dma_wait3A_277, %dma_wait3A_278] : memref<2x128x128xf32, #tpu.memory_space<vmem>> -> memref<1x128x128xf32, #tpu.memory_space<vmem>>
      %dma_wait3A_280 = tpu.memref_squeeze %dma_wait3A_279 : memref<1x128x128xf32, #tpu.memory_space<vmem>> -> memref<128x128xf32, #tpu.memory_space<vmem>>
      %dma_wait3A_281 = arith.constant 0 : i32
      %dma_wait3A_282 = tpu.memref_slice %arg5[%add3A_4, %dma_wait3A_281] : memref<10112x128xf32, #tpu.memory_space<hbm>> -> memref<128x128xf32, #tpu.memory_space<hbm>>
      %dma_wait3A_283 = arith.constant 0 : i32
      %dma_wait3A_284 = arith.constant 0 : i32
      %dma_wait3A_285 = tpu.memref_slice %arg9[%run_scoped3A, %dma_wait3A_283, %dma_wait3A_284] : memref<2x128x128xf32, #tpu.memory_space<vmem>> -> memref<1x128x128xf32, #tpu.memory_space<vmem>>
      %dma_wait3A_286 = tpu.memref_squeeze %dma_wait3A_285 : memref<1x128x128xf32, #tpu.memory_space<vmem>> -> memref<128x128xf32, #tpu.memory_space<vmem>>
      %dma_wait3A_287 = arith.constant 0 : i32
      %dma_wait3A_288 = tpu.memref_slice %arg5[%add3A_4, %dma_wait3A_287] : memref<10112x128xf32, #tpu.memory_space<hbm>> -> memref<128x128xf32, #tpu.memory_space<hbm>>
      tpu.wait_dma2 semaphore(%run_scoped3A_264 : memref<!tpu.dma_semaphore, #tpu.memory_space<semaphore_mem>>) src(%dma_wait3A_288 : memref<128x128xf32, #tpu.memory_space<hbm>>) dst(%dma_wait3A_286 : memref<128x128xf32, #tpu.memory_space<vmem>>)
      tpu.yield
    }) : () -> ()
    %add3A_5 = arith.constant 0 : i32
    %add3A_6 = arith.addi %mul3A_2, %add3A_5 : i32
    %run_scoped3A_7 = arith.constant 0 : i32
    "tpu.region"() ({
      %run_scoped3A_264 = tpu.sem_alloc : memref<!tpu.dma_semaphore, #tpu.memory_space<semaphore_mem>>
      %dma_start3A_265 = arith.constant 0 : i32
      %dma_start3A_266 = arith.constant 0 : i32
      %dma_start3A_267 = tpu.memref_slice %arg9[%run_scoped3A_7, %dma_start3A_265, %dma_start3A_266] : memref<2x128x128xf32, #tpu.memory_space<vmem>> -> memref<1x128x128xf32, #tpu.memory_space<vmem>>
      %dma_start3A_268 = tpu.memref_squeeze %dma_start3A_267 : memref<1x128x128xf32, #tpu.memory_space<vmem>> -> memref<128x128xf32, #tpu.memory_space<vmem>>
      %dma_start3A_269 = arith.constant 0 : i32
      %dma_start3A_270 = tpu.memref_slice %arg10[%add3A_6, %dma_start3A_269] : memref<10112x128xf32, #tpu.memory_space<vmem_shared>> -> memref<128x128xf32, #tpu.memory_space<vmem_shared>>
      %dma_start3A_271 = arith.constant 0 : i32
      %dma_start3A_272 = tpu.memref_slice %arg10[%add3A_6, %dma_start3A_271] : memref<10112x128xf32, #tpu.memory_space<vmem_shared>> -> memref<128x128xf32, #tpu.memory_space<vmem_shared>>
      %dma_start3A_273 = arith.constant 0 : i32
      %dma_start3A_274 = arith.constant 0 : i32
      %dma_start3A_275 = tpu.memref_slice %arg9[%run_scoped3A_7, %dma_start3A_273, %dma_start3A_274] : memref<2x128x128xf32, #tpu.memory_space<vmem>> -> memref<1x128x128xf32, #tpu.memory_space<vmem>>
      %dma_start3A_276 = tpu.memref_squeeze %dma_start3A_275 : memref<1x128x128xf32, #tpu.memory_space<vmem>> -> memref<128x128xf32, #tpu.memory_space<vmem>>
      tpu.enqueue_dma source(%dma_start3A_276 : memref<128x128xf32, #tpu.memory_space<vmem>>) target(%dma_start3A_272 : memref<128x128xf32, #tpu.memory_space<vmem_shared>>) target_semaphore(%run_scoped3A_264 : memref<!tpu.dma_semaphore, #tpu.memory_space<semaphore_mem>>)
      %dma_wait3A_277 = arith.constant 0 : i32
      %dma_wait3A_278 = arith.constant 0 : i32
      %dma_wait3A_279 = tpu.memref_slice %arg9[%run_scoped3A_7, %dma_wait3A_277, %dma_wait3A_278] : memref<2x128x128xf32, #tpu.memory_space<vmem>> -> memref<1x128x128xf32, #tpu.memory_space<vmem>>
      %dma_wait3A_280 = tpu.memref_squeeze %dma_wait3A_279 : memref<1x128x128xf32, #tpu.memory_space<vmem>> -> memref<128x128xf32, #tpu.memory_space<vmem>>
      %dma_wait3A_281 = arith.constant 0 : i32
      %dma_wait3A_282 = tpu.memref_slice %arg10[%add3A_6, %dma_wait3A_281] : memref<10112x128xf32, #tpu.memory_space<vmem_shared>> -> memref<128x128xf32, #tpu.memory_space<vmem_shared>>
      %dma_wait3A_283 = arith.constant 0 : i32
      %dma_wait3A_284 = tpu.memref_slice %arg10[%add3A_6, %dma_wait3A_283] : memref<10112x128xf32, #tpu.memory_space<vmem_shared>> -> memref<128x128xf32, #tpu.memory_space<vmem_shared>>
      %dma_wait3A_285 = arith.constant 0 : i32
      %dma_wait3A_286 = arith.constant 0 : i32
      %dma_wait3A_287 = tpu.memref_slice %arg9[%run_scoped3A_7, %dma_wait3A_285, %dma_wait3A_286] : memref<2x128x128xf32, #tpu.memory_space<vmem>> -> memref<1x128x128xf32, #tpu.memory_space<vmem>>
      %dma_wait3A_288 = tpu.memref_squeeze %dma_wait3A_287 : memref<1x128x128xf32, #tpu.memory_space<vmem>> -> memref<128x128xf32, #tpu.memory_space<vmem>>
      tpu.wait_dma2 semaphore(%run_scoped3A_264 : memref<!tpu.dma_semaphore, #tpu.memory_space<semaphore_mem>>) src(%dma_wait3A_288 : memref<128x128xf32, #tpu.memory_space<vmem>>) dst(%dma_wait3A_284 : memref<128x128xf32, #tpu.memory_space<vmem_shared>>)
      tpu.yield
    }) : () -> ()
    %add3A_8 = arith.constant 128 : i32
    %add3A_9 = arith.addi %mul3A_2, %add3A_8 : i32
    %run_scoped3A_10 = arith.constant 0 : i32
    "tpu.region"() ({
      %run_scoped3A_264 = tpu.sem_alloc : memref<!tpu.dma_semaphore, #tpu.memory_space<semaphore_mem>>
      %dma_start3A_265 = arith.constant 0 : i32
      %dma_start3A_266 = arith.constant 0 : i32
      %dma_start3A_267 = tpu.memref_slice %arg9[%run_scoped3A_10, %dma_start3A_265, %dma_start3A_266] : memref<2x128x128xf32, #tpu.memory_space<vmem>> -> memref<1x128x128xf32, #tpu.memory_space<vmem>>
      %dma_start3A_268 = tpu.memref_squeeze %dma_start3A_267 : memref<1x128x128xf32, #tpu.memory_space<vmem>> -> memref<128x128xf32, #tpu.memory_space<vmem>>
      %dma_start3A_269 = arith.constant 0 : i32
      %dma_start3A_270 = tpu.memref_slice %arg5[%add3A_9, %dma_start3A_269] : memref<10112x128xf32, #tpu.memory_space<hbm>> -> memref<128x128xf32, #tpu.memory_space<hbm>>
      %dma_start3A_271 = arith.constant 0 : i32
      %dma_start3A_272 = arith.constant 0 : i32
      %dma_start3A_273 = tpu.memref_slice %arg9[%run_scoped3A_10, %dma_start3A_271, %dma_start3A_272] : memref<2x128x128xf32, #tpu.memory_space<vmem>> -> memref<1x128x128xf32, #tpu.memory_space<vmem>>
      %dma_start3A_274 = tpu.memref_squeeze %dma_start3A_273 : memref<1x128x128xf32, #tpu.memory_space<vmem>> -> memref<128x128xf32, #tpu.memory_space<vmem>>
      %dma_start3A_275 = arith.constant 0 : i32
      %dma_start3A_276 = tpu.memref_slice %arg5[%add3A_9, %dma_start3A_275] : memref<10112x128xf32, #tpu.memory_space<hbm>> -> memref<128x128xf32, #tpu.memory_space<hbm>>
      tpu.enqueue_dma source(%dma_start3A_276 : memref<128x128xf32, #tpu.memory_space<hbm>>) target(%dma_start3A_274 : memref<128x128xf32, #tpu.memory_space<vmem>>) target_semaphore(%run_scoped3A_264 : memref<!tpu.dma_semaphore, #tpu.memory_space<semaphore_mem>>)
      %dma_wait3A_277 = arith.constant 0 : i32
      %dma_wait3A_278 = arith.constant 0 : i32
      %dma_wait3A_279 = tpu.memref_slice %arg9[%run_scoped3A_10, %dma_wait3A_277, %dma_wait3A_278] : memref<2x128x128xf32, #tpu.memory_space<vmem>> -> memref<1x128x128xf32, #tpu.memory_space<vmem>>
      %dma_wait3A_280 = tpu.memref_squeeze %dma_wait3A_279 : memref<1x128x128xf32, #tpu.memory_space<vmem>> -> memref<128x128xf32, #tpu.memory_space<vmem>>
      %dma_wait3A_281 = arith.constant 0 : i32
      %dma_wait3A_282 = tpu.memref_slice %arg5[%add3A_9, %dma_wait3A_281] : memref<10112x128xf32, #tpu.memory_space<hbm>> -> memref<128x128xf32, #tpu.memory_space<hbm>>
      %dma_wait3A_283 = arith.constant 0 : i32
      %dma_wait3A_284 = arith.constant 0 : i32
      %dma_wait3A_285 = tpu.memref_slice %arg9[%run_scoped3A_10, %dma_wait3A_283, %dma_wait3A_284] : memref<2x128x128xf32, #tpu.memory_space<vmem>> -> memref<1x128x128xf32, #tpu.memory_space<vmem>>
      %dma_wait3A_286 = tpu.memref_squeeze %dma_wait3A_285 : memref<1x128x128xf32, #tpu.memory_space<vmem>> -> memref<128x128xf32, #tpu.memory_space<vmem>>
      %dma_wait3A_287 = arith.constant 0 : i32
      %dma_wait3A_288 = tpu.memref_slice %arg5[%add3A_9, %dma_wait3A_287] : memref<10112x128xf32, #tpu.memory_space<hbm>> -> memref<128x128xf32, #tpu.memory_space<hbm>>
      tpu.wait_dma2 semaphore(%run_scoped3A_264 : memref<!tpu.dma_semaphore, #tpu.memory_space<semaphore_mem>>) src(%dma_wait3A_288 : memref<128x128xf32, #tpu.memory_space<hbm>>) dst(%dma_wait3A_286 : memref<128x128xf32, #tpu.memory_space<vmem>>)
      tpu.yield
    }) : () -> ()
    %add3A_11 = arith.constant 128 : i32
    %add3A_12 = arith.addi %mul3A_2, %add3A_11 : i32
    %run_scoped3A_13 = arith.constant 0 : i32
    "tpu.region"() ({
      %run_scoped3A_264 = tpu.sem_alloc : memref<!tpu.dma_semaphore, #tpu.memory_space<semaphore_mem>>
      %dma_start3A_265 = arith.constant 0 : i32
      %dma_start3A_266 = arith.constant 0 : i32
      %dma_start3A_267 = tpu.memref_slice %arg9[%run_scoped3A_13, %dma_start3A_265, %dma_start3A_266] : memref<2x128x128xf32, #tpu.memory_space<vmem>> -> memref<1x128x128xf32, #tpu.memory_space<vmem>>
      %dma_start3A_268 = tpu.memref_squeeze %dma_start3A_267 : memref<1x128x128xf32, #tpu.memory_space<vmem>> -> memref<128x128xf32, #tpu.memory_space<vmem>>
      %dma_start3A_269 = arith.constant 0 : i32
      %dma_start3A_270 = tpu.memref_slice %arg10[%add3A_12, %dma_start3A_269] : memref<10112x128xf32, #tpu.memory_space<vmem_shared>> -> memref<128x128xf32, #tpu.memory_space<vmem_shared>>
      %dma_start3A_271 = arith.constant 0 : i32
      %dma_start3A_272 = tpu.memref_slice %arg10[%add3A_12, %dma_start3A_271] : memref<10112x128xf32, #tpu.memory_space<vmem_shared>> -> memref<128x128xf32, #tpu.memory_space<vmem_shared>>
      %dma_start3A_273 = arith.constant 0 : i32
      %dma_start3A_274 = arith.constant 0 : i32
      %dma_start3A_275 = tpu.memref_slice %arg9[%run_scoped3A_13, %dma_start3A_273, %dma_start3A_274] : memref<2x128x128xf32, #tpu.memory_space<vmem>> -> memref<1x128x128xf32, #tpu.memory_space<vmem>>
      %dma_start3A_276 = tpu.memref_squeeze %dma_start3A_275 : memref<1x128x128xf32, #tpu.memory_space<vmem>> -> memref<128x128xf32, #tpu.memory_space<vmem>>
      tpu.enqueue_dma source(%dma_start3A_276 : memref<128x128xf32, #tpu.memory_space<vmem>>) target(%dma_start3A_272 : memref<128x128xf32, #tpu.memory_space<vmem_shared>>) target_semaphore(%run_scoped3A_264 : memref<!tpu.dma_semaphore, #tpu.memory_space<semaphore_mem>>)
      %dma_wait3A_277 = arith.constant 0 : i32
      %dma_wait3A_278 = arith.constant 0 : i32
      %dma_wait3A_279 = tpu.memref_slice %arg9[%run_scoped3A_13, %dma_wait3A_277, %dma_wait3A_278] : memref<2x128x128xf32, #tpu.memory_space<vmem>> -> memref<1x128x128xf32, #tpu.memory_space<vmem>>
      %dma_wait3A_280 = tpu.memref_squeeze %dma_wait3A_279 : memref<1x128x128xf32, #tpu.memory_space<vmem>> -> memref<128x128xf32, #tpu.memory_space<vmem>>
      %dma_wait3A_281 = arith.constant 0 : i32
      %dma_wait3A_282 = tpu.memref_slice %arg10[%add3A_12, %dma_wait3A_281] : memref<10112x128xf32, #tpu.memory_space<vmem_shared>> -> memref<128x128xf32, #tpu.memory_space<vmem_shared>>
      %dma_wait3A_283 = arith.constant 0 : i32
      %dma_wait3A_284 = tpu.memref_slice %arg10[%add3A_12, %dma_wait3A_283] : memref<10112x128xf32, #tpu.memory_space<vmem_shared>> -> memref<128x128xf32, #tpu.memory_space<vmem_shared>>
      %dma_wait3A_285 = arith.constant 0 : i32
      %dma_wait3A_286 = arith.constant 0 : i32
      %dma_wait3A_287 = tpu.memref_slice %arg9[%run_scoped3A_13, %dma_wait3A_285, %dma_wait3A_286] : memref<2x128x128xf32, #tpu.memory_space<vmem>> -> memref<1x128x128xf32, #tpu.memory_space<vmem>>
      %dma_wait3A_288 = tpu.memref_squeeze %dma_wait3A_287 : memref<1x128x128xf32, #tpu.memory_space<vmem>> -> memref<128x128xf32, #tpu.memory_space<vmem>>
      tpu.wait_dma2 semaphore(%run_scoped3A_264 : memref<!tpu.dma_semaphore, #tpu.memory_space<semaphore_mem>>) src(%dma_wait3A_288 : memref<128x128xf32, #tpu.memory_space<vmem>>) dst(%dma_wait3A_284 : memref<128x128xf32, #tpu.memory_space<vmem_shared>>)
      tpu.yield
    }) : () -> ()
    %add3A_14 = arith.constant 256 : i32
    %add3A_15 = arith.addi %mul3A_2, %add3A_14 : i32
    %run_scoped3A_16 = arith.constant 0 : i32
    "tpu.region"() ({
      %run_scoped3A_264 = tpu.sem_alloc : memref<!tpu.dma_semaphore, #tpu.memory_space<semaphore_mem>>
      %dma_start3A_265 = arith.constant 0 : i32
      %dma_start3A_266 = arith.constant 0 : i32
      %dma_start3A_267 = tpu.memref_slice %arg9[%run_scoped3A_16, %dma_start3A_265, %dma_start3A_266] : memref<2x128x128xf32, #tpu.memory_space<vmem>> -> memref<1x128x128xf32, #tpu.memory_space<vmem>>
      %dma_start3A_268 = tpu.memref_squeeze %dma_start3A_267 : memref<1x128x128xf32, #tpu.memory_space<vmem>> -> memref<128x128xf32, #tpu.memory_space<vmem>>
      %dma_start3A_269 = arith.constant 0 : i32
      %dma_start3A_270 = tpu.memref_slice %arg5[%add3A_15, %dma_start3A_269] : memref<10112x128xf32, #tpu.memory_space<hbm>> -> memref<128x128xf32, #tpu.memory_space<hbm>>
      %dma_start3A_271 = arith.constant 0 : i32
      %dma_start3A_272 = arith.constant 0 : i32
      %dma_start3A_273 = tpu.memref_slice %arg9[%run_scoped3A_16, %dma_start3A_271, %dma_start3A_272] : memref<2x128x128xf32, #tpu.memory_space<vmem>> -> memref<1x128x128xf32, #tpu.memory_space<vmem>>
      %dma_start3A_274 = tpu.memref_squeeze %dma_start3A_273 : memref<1x128x128xf32, #tpu.memory_space<vmem>> -> memref<128x128xf32, #tpu.memory_space<vmem>>
      %dma_start3A_275 = arith.constant 0 : i32
      %dma_start3A_276 = tpu.memref_slice %arg5[%add3A_15, %dma_start3A_275] : memref<10112x128xf32, #tpu.memory_space<hbm>> -> memref<128x128xf32, #tpu.memory_space<hbm>>
      tpu.enqueue_dma source(%dma_start3A_276 : memref<128x128xf32, #tpu.memory_space<hbm>>) target(%dma_start3A_274 : memref<128x128xf32, #tpu.memory_space<vmem>>) target_semaphore(%run_scoped3A_264 : memref<!tpu.dma_semaphore, #tpu.memory_space<semaphore_mem>>)
      %dma_wait3A_277 = arith.constant 0 : i32
      %dma_wait3A_278 = arith.constant 0 : i32
      %dma_wait3A_279 = tpu.memref_slice %arg9[%run_scoped3A_16, %dma_wait3A_277, %dma_wait3A_278] : memref<2x128x128xf32, #tpu.memory_space<vmem>> -> memref<1x128x128xf32, #tpu.memory_space<vmem>>
      %dma_wait3A_280 = tpu.memref_squeeze %dma_wait3A_279 : memref<1x128x128xf32, #tpu.memory_space<vmem>> -> memref<128x128xf32, #tpu.memory_space<vmem>>
      %dma_wait3A_281 = arith.constant 0 : i32
      %dma_wait3A_282 = tpu.memref_slice %arg5[%add3A_15, %dma_wait3A_281] : memref<10112x128xf32, #tpu.memory_space<hbm>> -> memref<128x128xf32, #tpu.memory_space<hbm>>
      %dma_wait3A_283 = arith.constant 0 : i32
      %dma_wait3A_284 = arith.constant 0 : i32
      %dma_wait3A_285 = tpu.memref_slice %arg9[%run_scoped3A_16, %dma_wait3A_283, %dma_wait3A_284] : memref<2x128x128xf32, #tpu.memory_space<vmem>> -> memref<1x128x128xf32, #tpu.memory_space<vmem>>
      %dma_wait3A_286 = tpu.memref_squeeze %dma_wait3A_285 : memref<1x128x128xf32, #tpu.memory_space<vmem>> -> memref<128x128xf32, #tpu.memory_space<vmem>>
      %dma_wait3A_287 = arith.constant 0 : i32
      %dma_wait3A_288 = tpu.memref_slice %arg5[%add3A_15, %dma_wait3A_287] : memref<10112x128xf32, #tpu.memory_space<hbm>> -> memref<128x128xf32, #tpu.memory_space<hbm>>
      tpu.wait_dma2 semaphore(%run_scoped3A_264 : memref<!tpu.dma_semaphore, #tpu.memory_space<semaphore_mem>>) src(%dma_wait3A_288 : memref<128x128xf32, #tpu.memory_space<hbm>>) dst(%dma_wait3A_286 : memref<128x128xf32, #tpu.memory_space<vmem>>)
      tpu.yield
    }) : () -> ()
    %add3A_17 = arith.constant 256 : i32
    %add3A_18 = arith.addi %mul3A_2, %add3A_17 : i32
    %run_scoped3A_19 = arith.constant 0 : i32
    "tpu.region"() ({
      %run_scoped3A_264 = tpu.sem_alloc : memref<!tpu.dma_semaphore, #tpu.memory_space<semaphore_mem>>
      %dma_start3A_265 = arith.constant 0 : i32
      %dma_start3A_266 = arith.constant 0 : i32
      %dma_start3A_267 = tpu.memref_slice %arg9[%run_scoped3A_19, %dma_start3A_265, %dma_start3A_266] : memref<2x128x128xf32, #tpu.memory_space<vmem>> -> memref<1x128x128xf32, #tpu.memory_space<vmem>>
      %dma_start3A_268 = tpu.memref_squeeze %dma_start3A_267 : memref<1x128x128xf32, #tpu.memory_space<vmem>> -> memref<128x128xf32, #tpu.memory_space<vmem>>
      %dma_start3A_269 = arith.constant 0 : i32
      %dma_start3A_270 = tpu.memref_slice %arg10[%add3A_18, %dma_start3A_269] : memref<10112x128xf32, #tpu.memory_space<vmem_shared>> -> memref<128x128xf32, #tpu.memory_space<vmem_shared>>
      %dma_start3A_271 = arith.constant 0 : i32
      %dma_start3A_272 = tpu.memref_slice %arg10[%add3A_18, %dma_start3A_271] : memref<10112x128xf32, #tpu.memory_space<vmem_shared>> -> memref<128x128xf32, #tpu.memory_space<vmem_shared>>
      %dma_start3A_273 = arith.constant 0 : i32
      %dma_start3A_274 = arith.constant 0 : i32
      %dma_start3A_275 = tpu.memref_slice %arg9[%run_scoped3A_19, %dma_start3A_273, %dma_start3A_274] : memref<2x128x128xf32, #tpu.memory_space<vmem>> -> memref<1x128x128xf32, #tpu.memory_space<vmem>>
      %dma_start3A_276 = tpu.memref_squeeze %dma_start3A_275 : memref<1x128x128xf32, #tpu.memory_space<vmem>> -> memref<128x128xf32, #tpu.memory_space<vmem>>
      tpu.enqueue_dma source(%dma_start3A_276 : memref<128x128xf32, #tpu.memory_space<vmem>>) target(%dma_start3A_272 : memref<128x128xf32, #tpu.memory_space<vmem_shared>>) target_semaphore(%run_scoped3A_264 : memref<!tpu.dma_semaphore, #tpu.memory_space<semaphore_mem>>)
      %dma_wait3A_277 = arith.constant 0 : i32
      %dma_wait3A_278 = arith.constant 0 : i32
      %dma_wait3A_279 = tpu.memref_slice %arg9[%run_scoped3A_19, %dma_wait3A_277, %dma_wait3A_278] : memref<2x128x128xf32, #tpu.memory_space<vmem>> -> memref<1x128x128xf32, #tpu.memory_space<vmem>>
      %dma_wait3A_280 = tpu.memref_squeeze %dma_wait3A_279 : memref<1x128x128xf32, #tpu.memory_space<vmem>> -> memref<128x128xf32, #tpu.memory_space<vmem>>
      %dma_wait3A_281 = arith.constant 0 : i32
      %dma_wait3A_282 = tpu.memref_slice %arg10[%add3A_18, %dma_wait3A_281] : memref<10112x128xf32, #tpu.memory_space<vmem_shared>> -> memref<128x128xf32, #tpu.memory_space<vmem_shared>>
      %dma_wait3A_283 = arith.constant 0 : i32
      %dma_wait3A_284 = tpu.memref_slice %arg10[%add3A_18, %dma_wait3A_283] : memref<10112x128xf32, #tpu.memory_space<vmem_shared>> -> memref<128x128xf32, #tpu.memory_space<vmem_shared>>
      %dma_wait3A_285 = arith.constant 0 : i32
      %dma_wait3A_286 = arith.constant 0 : i32
      %dma_wait3A_287 = tpu.memref_slice %arg9[%run_scoped3A_19, %dma_wait3A_285, %dma_wait3A_286] : memref<2x128x128xf32, #tpu.memory_space<vmem>> -> memref<1x128x128xf32, #tpu.memory_space<vmem>>
      %dma_wait3A_288 = tpu.memref_squeeze %dma_wait3A_287 : memref<1x128x128xf32, #tpu.memory_space<vmem>> -> memref<128x128xf32, #tpu.memory_space<vmem>>
      tpu.wait_dma2 semaphore(%run_scoped3A_264 : memref<!tpu.dma_semaphore, #tpu.memory_space<semaphore_mem>>) src(%dma_wait3A_288 : memref<128x128xf32, #tpu.memory_space<vmem>>) dst(%dma_wait3A_284 : memref<128x128xf32, #tpu.memory_space<vmem_shared>>)
      tpu.yield
    }) : () -> ()
    %add3A_20 = arith.constant 384 : i32
    %add3A_21 = arith.addi %mul3A_2, %add3A_20 : i32
    %run_scoped3A_22 = arith.constant 0 : i32
    "tpu.region"() ({
      %run_scoped3A_264 = tpu.sem_alloc : memref<!tpu.dma_semaphore, #tpu.memory_space<semaphore_mem>>
      %dma_start3A_265 = arith.constant 0 : i32
      %dma_start3A_266 = arith.constant 0 : i32
      %dma_start3A_267 = tpu.memref_slice %arg9[%run_scoped3A_22, %dma_start3A_265, %dma_start3A_266] : memref<2x128x128xf32, #tpu.memory_space<vmem>> -> memref<1x128x128xf32, #tpu.memory_space<vmem>>
      %dma_start3A_268 = tpu.memref_squeeze %dma_start3A_267 : memref<1x128x128xf32, #tpu.memory_space<vmem>> -> memref<128x128xf32, #tpu.memory_space<vmem>>
      %dma_start3A_269 = arith.constant 0 : i32
      %dma_start3A_270 = tpu.memref_slice %arg5[%add3A_21, %dma_start3A_269] : memref<10112x128xf32, #tpu.memory_space<hbm>> -> memref<128x128xf32, #tpu.memory_space<hbm>>
      %dma_start3A_271 = arith.constant 0 : i32
      %dma_start3A_272 = arith.constant 0 : i32
      %dma_start3A_273 = tpu.memref_slice %arg9[%run_scoped3A_22, %dma_start3A_271, %dma_start3A_272] : memref<2x128x128xf32, #tpu.memory_space<vmem>> -> memref<1x128x128xf32, #tpu.memory_space<vmem>>
      %dma_start3A_274 = tpu.memref_squeeze %dma_start3A_273 : memref<1x128x128xf32, #tpu.memory_space<vmem>> -> memref<128x128xf32, #tpu.memory_space<vmem>>
      %dma_start3A_275 = arith.constant 0 : i32
      %dma_start3A_276 = tpu.memref_slice %arg5[%add3A_21, %dma_start3A_275] : memref<10112x128xf32, #tpu.memory_space<hbm>> -> memref<128x128xf32, #tpu.memory_space<hbm>>
      tpu.enqueue_dma source(%dma_start3A_276 : memref<128x128xf32, #tpu.memory_space<hbm>>) target(%dma_start3A_274 : memref<128x128xf32, #tpu.memory_space<vmem>>) target_semaphore(%run_scoped3A_264 : memref<!tpu.dma_semaphore, #tpu.memory_space<semaphore_mem>>)
      %dma_wait3A_277 = arith.constant 0 : i32
      %dma_wait3A_278 = arith.constant 0 : i32
      %dma_wait3A_279 = tpu.memref_slice %arg9[%run_scoped3A_22, %dma_wait3A_277, %dma_wait3A_278] : memref<2x128x128xf32, #tpu.memory_space<vmem>> -> memref<1x128x128xf32, #tpu.memory_space<vmem>>
      %dma_wait3A_280 = tpu.memref_squeeze %dma_wait3A_279 : memref<1x128x128xf32, #tpu.memory_space<vmem>> -> memref<128x128xf32, #tpu.memory_space<vmem>>
      %dma_wait3A_281 = arith.constant 0 : i32
      %dma_wait3A_282 = tpu.memref_slice %arg5[%add3A_21, %dma_wait3A_281] : memref<10112x128xf32, #tpu.memory_space<hbm>> -> memref<128x128xf32, #tpu.memory_space<hbm>>
      %dma_wait3A_283 = arith.constant 0 : i32
      %dma_wait3A_284 = arith.constant 0 : i32
      %dma_wait3A_285 = tpu.memref_slice %arg9[%run_scoped3A_22, %dma_wait3A_283, %dma_wait3A_284] : memref<2x128x128xf32, #tpu.memory_space<vmem>> -> memref<1x128x128xf32, #tpu.memory_space<vmem>>
      %dma_wait3A_286 = tpu.memref_squeeze %dma_wait3A_285 : memref<1x128x128xf32, #tpu.memory_space<vmem>> -> memref<128x128xf32, #tpu.memory_space<vmem>>
      %dma_wait3A_287 = arith.constant 0 : i32
      %dma_wait3A_288 = tpu.memref_slice %arg5[%add3A_21, %dma_wait3A_287] : memref<10112x128xf32, #tpu.memory_space<hbm>> -> memref<128x128xf32, #tpu.memory_space<hbm>>
      tpu.wait_dma2 semaphore(%run_scoped3A_264 : memref<!tpu.dma_semaphore, #tpu.memory_space<semaphore_mem>>) src(%dma_wait3A_288 : memref<128x128xf32, #tpu.memory_space<hbm>>) dst(%dma_wait3A_286 : memref<128x128xf32, #tpu.memory_space<vmem>>)
      tpu.yield
    }) : () -> ()
    %add3A_23 = arith.constant 384 : i32
    %add3A_24 = arith.addi %mul3A_2, %add3A_23 : i32
    %run_scoped3A_25 = arith.constant 0 : i32
    "tpu.region"() ({
      %run_scoped3A_264 = tpu.sem_alloc : memref<!tpu.dma_semaphore, #tpu.memory_space<semaphore_mem>>
      %dma_start3A_265 = arith.constant 0 : i32
      %dma_start3A_266 = arith.constant 0 : i32
      %dma_start3A_267 = tpu.memref_slice %arg9[%run_scoped3A_25, %dma_start3A_265, %dma_start3A_266] : memref<2x128x128xf32, #tpu.memory_space<vmem>> -> memref<1x128x128xf32, #tpu.memory_space<vmem>>
      %dma_start3A_268 = tpu.memref_squeeze %dma_start3A_267 : memref<1x128x128xf32, #tpu.memory_space<vmem>> -> memref<128x128xf32, #tpu.memory_space<vmem>>
      %dma_start3A_269 = arith.constant 0 : i32
      %dma_start3A_270 = tpu.memref_slice %arg10[%add3A_24, %dma_start3A_269] : memref<10112x128xf32, #tpu.memory_space<vmem_shared>> -> memref<128x128xf32, #tpu.memory_space<vmem_shared>>
      %dma_start3A_271 = arith.constant 0 : i32
      %dma_start3A_272 = tpu.memref_slice %arg10[%add3A_24, %dma_start3A_271] : memref<10112x128xf32, #tpu.memory_space<vmem_shared>> -> memref<128x128xf32, #tpu.memory_space<vmem_shared>>
      %dma_start3A_273 = arith.constant 0 : i32
      %dma_start3A_274 = arith.constant 0 : i32
      %dma_start3A_275 = tpu.memref_slice %arg9[%run_scoped3A_25, %dma_start3A_273, %dma_start3A_274] : memref<2x128x128xf32, #tpu.memory_space<vmem>> -> memref<1x128x128xf32, #tpu.memory_space<vmem>>
      %dma_start3A_276 = tpu.memref_squeeze %dma_start3A_275 : memref<1x128x128xf32, #tpu.memory_space<vmem>> -> memref<128x128xf32, #tpu.memory_space<vmem>>
      tpu.enqueue_dma source(%dma_start3A_276 : memref<128x128xf32, #tpu.memory_space<vmem>>) target(%dma_start3A_272 : memref<128x128xf32, #tpu.memory_space<vmem_shared>>) target_semaphore(%run_scoped3A_264 : memref<!tpu.dma_semaphore, #tpu.memory_space<semaphore_mem>>)
      %dma_wait3A_277 = arith.constant 0 : i32
      %dma_wait3A_278 = arith.constant 0 : i32
      %dma_wait3A_279 = tpu.memref_slice %arg9[%run_scoped3A_25, %dma_wait3A_277, %dma_wait3A_278] : memref<2x128x128xf32, #tpu.memory_space<vmem>> -> memref<1x128x128xf32, #tpu.memory_space<vmem>>
      %dma_wait3A_280 = tpu.memref_squeeze %dma_wait3A_279 : memref<1x128x128xf32, #tpu.memory_space<vmem>> -> memref<128x128xf32, #tpu.memory_space<vmem>>
      %dma_wait3A_281 = arith.constant 0 : i32
      %dma_wait3A_282 = tpu.memref_slice %arg10[%add3A_24, %dma_wait3A_281] : memref<10112x128xf32, #tpu.memory_space<vmem_shared>> -> memref<128x128xf32, #tpu.memory_space<vmem_shared>>
      %dma_wait3A_283 = arith.constant 0 : i32
      %dma_wait3A_284 = tpu.memref_slice %arg10[%add3A_24, %dma_wait3A_283] : memref<10112x128xf32, #tpu.memory_space<vmem_shared>> -> memref<128x128xf32, #tpu.memory_space<vmem_shared>>
      %dma_wait3A_285 = arith.constant 0 : i32
      %dma_wait3A_286 = arith.constant 0 : i32
      %dma_wait3A_287 = tpu.memref_slice %arg9[%run_scoped3A_25, %dma_wait3A_285, %dma_wait3A_286] : memref<2x128x128xf32, #tpu.memory_space<vmem>> -> memref<1x128x128xf32, #tpu.memory_space<vmem>>
      %dma_wait3A_288 = tpu.memref_squeeze %dma_wait3A_287 : memref<1x128x128xf32, #tpu.memory_space<vmem>> -> memref<128x128xf32, #tpu.memory_space<vmem>>
      tpu.wait_dma2 semaphore(%run_scoped3A_264 : memref<!tpu.dma_semaphore, #tpu.memory_space<semaphore_mem>>) src(%dma_wait3A_288 : memref<128x128xf32, #tpu.memory_space<vmem>>) dst(%dma_wait3A_284 : memref<128x128xf32, #tpu.memory_space<vmem_shared>>)
      tpu.yield
    }) : () -> ()
    %add3A_26 = arith.constant 512 : i32
    %add3A_27 = arith.addi %mul3A_2, %add3A_26 : i32
    %run_scoped3A_28 = arith.constant 0 : i32
    "tpu.region"() ({
      %run_scoped3A_264 = tpu.sem_alloc : memref<!tpu.dma_semaphore, #tpu.memory_space<semaphore_mem>>
      %dma_start3A_265 = arith.constant 0 : i32
      %dma_start3A_266 = arith.constant 0 : i32
      %dma_start3A_267 = tpu.memref_slice %arg9[%run_scoped3A_28, %dma_start3A_265, %dma_start3A_266] : memref<2x128x128xf32, #tpu.memory_space<vmem>> -> memref<1x120x128xf32, #tpu.memory_space<vmem>>
      %dma_start3A_268 = tpu.memref_squeeze %dma_start3A_267 : memref<1x120x128xf32, #tpu.memory_space<vmem>> -> memref<120x128xf32, #tpu.memory_space<vmem>>
      %dma_start3A_269 = arith.constant 0 : i32
      %dma_start3A_270 = tpu.memref_slice %arg5[%add3A_27, %dma_start3A_269] : memref<10112x128xf32, #tpu.memory_space<hbm>> -> memref<120x128xf32, #tpu.memory_space<hbm>>
      %dma_start3A_271 = arith.constant 0 : i32
      %dma_start3A_272 = arith.constant 0 : i32
      %dma_start3A_273 = tpu.memref_slice %arg9[%run_scoped3A_28, %dma_start3A_271, %dma_start3A_272] : memref<2x128x128xf32, #tpu.memory_space<vmem>> -> memref<1x120x128xf32, #tpu.memory_space<vmem>>
      %dma_start3A_274 = tpu.memref_squeeze %dma_start3A_273 : memref<1x120x128xf32, #tpu.memory_space<vmem>> -> memref<120x128xf32, #tpu.memory_space<vmem>>
      %dma_start3A_275 = arith.constant 0 : i32
      %dma_start3A_276 = tpu.memref_slice %arg5[%add3A_27, %dma_start3A_275] : memref<10112x128xf32, #tpu.memory_space<hbm>> -> memref<120x128xf32, #tpu.memory_space<hbm>>
      tpu.enqueue_dma source(%dma_start3A_276 : memref<120x128xf32, #tpu.memory_space<hbm>>) target(%dma_start3A_274 : memref<120x128xf32, #tpu.memory_space<vmem>>) target_semaphore(%run_scoped3A_264 : memref<!tpu.dma_semaphore, #tpu.memory_space<semaphore_mem>>)
      %dma_wait3A_277 = arith.constant 0 : i32
      %dma_wait3A_278 = arith.constant 0 : i32
      %dma_wait3A_279 = tpu.memref_slice %arg9[%run_scoped3A_28, %dma_wait3A_277, %dma_wait3A_278] : memref<2x128x128xf32, #tpu.memory_space<vmem>> -> memref<1x120x128xf32, #tpu.memory_space<vmem>>
      %dma_wait3A_280 = tpu.memref_squeeze %dma_wait3A_279 : memref<1x120x128xf32, #tpu.memory_space<vmem>> -> memref<120x128xf32, #tpu.memory_space<vmem>>
      %dma_wait3A_281 = arith.constant 0 : i32
      %dma_wait3A_282 = tpu.memref_slice %arg5[%add3A_27, %dma_wait3A_281] : memref<10112x128xf32, #tpu.memory_space<hbm>> -> memref<120x128xf32, #tpu.memory_space<hbm>>
      %dma_wait3A_283 = arith.constant 0 : i32
      %dma_wait3A_284 = arith.constant 0 : i32
      %dma_wait3A_285 = tpu.memref_slice %arg9[%run_scoped3A_28, %dma_wait3A_283, %dma_wait3A_284] : memref<2x128x128xf32, #tpu.memory_space<vmem>> -> memref<1x120x128xf32, #tpu.memory_space<vmem>>
      %dma_wait3A_286 = tpu.memref_squeeze %dma_wait3A_285 : memref<1x120x128xf32, #tpu.memory_space<vmem>> -> memref<120x128xf32, #tpu.memory_space<vmem>>
      %dma_wait3A_287 = arith.constant 0 : i32
      %dma_wait3A_288 = tpu.memref_slice %arg5[%add3A_27, %dma_wait3A_287] : memref<10112x128xf32, #tpu.memory_space<hbm>> -> memref<120x128xf32, #tpu.memory_space<hbm>>
      tpu.wait_dma2 semaphore(%run_scoped3A_264 : memref<!tpu.dma_semaphore, #tpu.memory_space<semaphore_mem>>) src(%dma_wait3A_288 : memref<120x128xf32, #tpu.memory_space<hbm>>) dst(%dma_wait3A_286 : memref<120x128xf32, #tpu.memory_space<vmem>>)
      tpu.yield
    }) : () -> ()
    %add3A_29 = arith.constant 512 : i32
    %add3A_30 = arith.addi %mul3A_2, %add3A_29 : i32
    %run_scoped3A_31 = arith.constant 0 : i32
    "tpu.region"() ({
      %run_scoped3A_264 = tpu.sem_alloc : memref<!tpu.dma_semaphore, #tpu.memory_space<semaphore_mem>>
      %dma_start3A_265 = arith.constant 0 : i32
      %dma_start3A_266 = arith.constant 0 : i32
      %dma_start3A_267 = tpu.memref_slice %arg9[%run_scoped3A_31, %dma_start3A_265, %dma_start3A_266] : memref<2x128x128xf32, #tpu.memory_space<vmem>> -> memref<1x120x128xf32, #tpu.memory_space<vmem>>
      %dma_start3A_268 = tpu.memref_squeeze %dma_start3A_267 : memref<1x120x128xf32, #tpu.memory_space<vmem>> -> memref<120x128xf32, #tpu.memory_space<vmem>>
      %dma_start3A_269 = arith.constant 0 : i32
      %dma_start3A_270 = tpu.memref_slice %arg10[%add3A_30, %dma_start3A_269] : memref<10112x128xf32, #tpu.memory_space<vmem_shared>> -> memref<120x128xf32, #tpu.memory_space<vmem_shared>>
      %dma_start3A_271 = arith.constant 0 : i32
      %dma_start3A_272 = tpu.memref_slice %arg10[%add3A_30, %dma_start3A_271] : memref<10112x128xf32, #tpu.memory_space<vmem_shared>> -> memref<120x128xf32, #tpu.memory_space<vmem_shared>>
      %dma_start3A_273 = arith.constant 0 : i32
      %dma_start3A_274 = arith.constant 0 : i32
      %dma_start3A_275 = tpu.memref_slice %arg9[%run_scoped3A_31, %dma_start3A_273, %dma_start3A_274] : memref<2x128x128xf32, #tpu.memory_space<vmem>> -> memref<1x120x128xf32, #tpu.memory_space<vmem>>
      %dma_start3A_276 = tpu.memref_squeeze %dma_start3A_275 : memref<1x120x128xf32, #tpu.memory_space<vmem>> -> memref<120x128xf32, #tpu.memory_space<vmem>>
      tpu.enqueue_dma source(%dma_start3A_276 : memref<120x128xf32, #tpu.memory_space<vmem>>) target(%dma_start3A_272 : memref<120x128xf32, #tpu.memory_space<vmem_shared>>) target_semaphore(%run_scoped3A_264 : memref<!tpu.dma_semaphore, #tpu.memory_space<semaphore_mem>>)
      %dma_wait3A_277 = arith.constant 0 : i32
      %dma_wait3A_278 = arith.constant 0 : i32
      %dma_wait3A_279 = tpu.memref_slice %arg9[%run_scoped3A_31, %dma_wait3A_277, %dma_wait3A_278] : memref<2x128x128xf32, #tpu.memory_space<vmem>> -> memref<1x120x128xf32, #tpu.memory_space<vmem>>
      %dma_wait3A_280 = tpu.memref_squeeze %dma_wait3A_279 : memref<1x120x128xf32, #tpu.memory_space<vmem>> -> memref<120x128xf32, #tpu.memory_space<vmem>>
      %dma_wait3A_281 = arith.constant 0 : i32
      %dma_wait3A_282 = tpu.memref_slice %arg10[%add3A_30, %dma_wait3A_281] : memref<10112x128xf32, #tpu.memory_space<vmem_shared>> -> memref<120x128xf32, #tpu.memory_space<vmem_shared>>
      %dma_wait3A_283 = arith.constant 0 : i32
      %dma_wait3A_284 = tpu.memref_slice %arg10[%add3A_30, %dma_wait3A_283] : memref<10112x128xf32, #tpu.memory_space<vmem_shared>> -> memref<120x128xf32, #tpu.memory_space<vmem_shared>>
      %dma_wait3A_285 = arith.constant 0 : i32
      %dma_wait3A_286 = arith.constant 0 : i32
      %dma_wait3A_287 = tpu.memref_slice %arg9[%run_scoped3A_31, %dma_wait3A_285, %dma_wait3A_286] : memref<2x128x128xf32, #tpu.memory_space<vmem>> -> memref<1x120x128xf32, #tpu.memory_space<vmem>>
      %dma_wait3A_288 = tpu.memref_squeeze %dma_wait3A_287 : memref<1x120x128xf32, #tpu.memory_space<vmem>> -> memref<120x128xf32, #tpu.memory_space<vmem>>
      tpu.wait_dma2 semaphore(%run_scoped3A_264 : memref<!tpu.dma_semaphore, #tpu.memory_space<semaphore_mem>>) src(%dma_wait3A_288 : memref<120x128xf32, #tpu.memory_space<vmem>>) dst(%dma_wait3A_284 : memref<120x128xf32, #tpu.memory_space<vmem_shared>>)
      tpu.yield
    }) : () -> ()
    %barrier3A = arith.constant 0 : index
    tpu.barrier barrier_id(%barrier3A)
    "tpu.region"() ({
      %run_scoped3A_264 = tpu.sem_alloc : memref<!tpu.dma_semaphore, #tpu.memory_space<semaphore_mem>>
      %dma_start3A_265 = arith.constant 0 : i32
      %dma_start3A_266 = arith.constant 0 : i32
      %dma_start3A_267 = tpu.memref_slice %arg3[%add3A, %dma_start3A_265, %dma_start3A_266] : memref<32x80x128xi32, #tpu.memory_space<hbm>> -> memref<1x40x128xi32, #tpu.memory_space<hbm>>
      %dma_start3A_268 = tpu.memref_squeeze %dma_start3A_267 : memref<1x40x128xi32, #tpu.memory_space<hbm>> -> memref<40x128xi32, #tpu.memory_space<hbm>>
      %dma_start3A_269 = arith.constant 0 : i32
      %dma_start3A_270 = arith.constant 0 : i32
      %dma_start3A_271 = tpu.memref_slice %arg3[%add3A, %dma_start3A_269, %dma_start3A_270] : memref<32x80x128xi32, #tpu.memory_space<hbm>> -> memref<1x40x128xi32, #tpu.memory_space<hbm>>
      %dma_start3A_272 = tpu.memref_squeeze %dma_start3A_271 : memref<1x40x128xi32, #tpu.memory_space<hbm>> -> memref<40x128xi32, #tpu.memory_space<hbm>>
      tpu.enqueue_dma source(%dma_start3A_272 : memref<40x128xi32, #tpu.memory_space<hbm>>) target(%arg7 : memref<40x128xi32, #tpu.memory_space<vmem>>) target_semaphore(%run_scoped3A_264 : memref<!tpu.dma_semaphore, #tpu.memory_space<semaphore_mem>>)
      %dma_wait3A_273 = arith.constant 0 : i32
      %dma_wait3A_274 = arith.constant 0 : i32
      %dma_wait3A_275 = tpu.memref_slice %arg3[%add3A, %dma_wait3A_273, %dma_wait3A_274] : memref<32x80x128xi32, #tpu.memory_space<hbm>> -> memref<1x40x128xi32, #tpu.memory_space<hbm>>
      %dma_wait3A_276 = tpu.memref_squeeze %dma_wait3A_275 : memref<1x40x128xi32, #tpu.memory_space<hbm>> -> memref<40x128xi32, #tpu.memory_space<hbm>>
      %dma_wait3A_277 = arith.constant 0 : i32
      %dma_wait3A_278 = arith.constant 0 : i32
      %dma_wait3A_279 = tpu.memref_slice %arg3[%add3A, %dma_wait3A_277, %dma_wait3A_278] : memref<32x80x128xi32, #tpu.memory_space<hbm>> -> memref<1x40x128xi32, #tpu.memory_space<hbm>>
      %dma_wait3A_280 = tpu.memref_squeeze %dma_wait3A_279 : memref<1x40x128xi32, #tpu.memory_space<hbm>> -> memref<40x128xi32, #tpu.memory_space<hbm>>
      tpu.wait_dma2 semaphore(%run_scoped3A_264 : memref<!tpu.dma_semaphore, #tpu.memory_space<semaphore_mem>>) src(%dma_wait3A_280 : memref<40x128xi32, #tpu.memory_space<hbm>>) dst(%arg7 : memref<40x128xi32, #tpu.memory_space<vmem>>)
      tpu.yield
    }) : () -> ()
    "tpu.region"() ({
      %run_scoped3A_264 = tpu.sem_alloc : memref<!tpu.dma_semaphore, #tpu.memory_space<semaphore_mem>>
      %dma_start3A_265 = arith.constant 0 : i32
      %dma_start3A_266 = arith.constant 0 : i32
      %dma_start3A_267 = tpu.memref_slice %arg4[%add3A, %dma_start3A_265, %dma_start3A_266] : memref<32x80x128xi32, #tpu.memory_space<hbm>> -> memref<1x40x128xi32, #tpu.memory_space<hbm>>
      %dma_start3A_268 = tpu.memref_squeeze %dma_start3A_267 : memref<1x40x128xi32, #tpu.memory_space<hbm>> -> memref<40x128xi32, #tpu.memory_space<hbm>>
      %dma_start3A_269 = arith.constant 0 : i32
      %dma_start3A_270 = arith.constant 0 : i32
      %dma_start3A_271 = tpu.memref_slice %arg4[%add3A, %dma_start3A_269, %dma_start3A_270] : memref<32x80x128xi32, #tpu.memory_space<hbm>> -> memref<1x40x128xi32, #tpu.memory_space<hbm>>
      %dma_start3A_272 = tpu.memref_squeeze %dma_start3A_271 : memref<1x40x128xi32, #tpu.memory_space<hbm>> -> memref<40x128xi32, #tpu.memory_space<hbm>>
      tpu.enqueue_dma source(%dma_start3A_272 : memref<40x128xi32, #tpu.memory_space<hbm>>) target(%arg8 : memref<40x128xi32, #tpu.memory_space<vmem>>) target_semaphore(%run_scoped3A_264 : memref<!tpu.dma_semaphore, #tpu.memory_space<semaphore_mem>>)
      %dma_wait3A_273 = arith.constant 0 : i32
      %dma_wait3A_274 = arith.constant 0 : i32
      %dma_wait3A_275 = tpu.memref_slice %arg4[%add3A, %dma_wait3A_273, %dma_wait3A_274] : memref<32x80x128xi32, #tpu.memory_space<hbm>> -> memref<1x40x128xi32, #tpu.memory_space<hbm>>
      %dma_wait3A_276 = tpu.memref_squeeze %dma_wait3A_275 : memref<1x40x128xi32, #tpu.memory_space<hbm>> -> memref<40x128xi32, #tpu.memory_space<hbm>>
      %dma_wait3A_277 = arith.constant 0 : i32
      %dma_wait3A_278 = arith.constant 0 : i32
      %dma_wait3A_279 = tpu.memref_slice %arg4[%add3A, %dma_wait3A_277, %dma_wait3A_278] : memref<32x80x128xi32, #tpu.memory_space<hbm>> -> memref<1x40x128xi32, #tpu.memory_space<hbm>>
      %dma_wait3A_280 = tpu.memref_squeeze %dma_wait3A_279 : memref<1x40x128xi32, #tpu.memory_space<hbm>> -> memref<40x128xi32, #tpu.memory_space<hbm>>
      tpu.wait_dma2 semaphore(%run_scoped3A_264 : memref<!tpu.dma_semaphore, #tpu.memory_space<semaphore_mem>>) src(%dma_wait3A_280 : memref<40x128xi32, #tpu.memory_space<hbm>>) dst(%arg8 : memref<40x128xi32, #tpu.memory_space<vmem>>)
      tpu.yield
    }) : () -> ()
    %dma_start3A = arith.constant 0 : i32
    %dma_start3A_32 = arith.constant 0 : i32
    %dma_start3A_33 = arith.constant 0 : i32
    %dma_start3A_34 = arith.constant 0 : i32
    %dma_start3A_35 = tpu.memref_slice %arg9[%dma_start3A_32, %dma_start3A_33, %dma_start3A_34] : memref<2x128x128xf32, #tpu.memory_space<vmem>> -> memref<1x128x128xf32, #tpu.memory_space<vmem>>
    %dma_start3A_36 = tpu.memref_squeeze %dma_start3A_35 : memref<1x128x128xf32, #tpu.memory_space<vmem>> -> memref<128x128xf32, #tpu.memory_space<vmem>>
    %dma_start3A_37 = arith.constant 0 : i32
    %dma_start3A_38 = tpu.memref_slice %arg7[%dma_start3A, %dma_start3A_37] : memref<40x128xi32, #tpu.memory_space<vmem>> -> memref<1x128xi32, #tpu.memory_space<vmem>>
    %dma_start3A_39 = tpu.memref_squeeze %dma_start3A_38 : memref<1x128xi32, #tpu.memory_space<vmem>> -> memref<128xi32, #tpu.memory_space<vmem>>
    %dma_start3A_40 = arith.constant 0 : i32
    %dma_start3A_41 = arith.constant 0 : i32
    %dma_start3A_42 = tpu.memref_slice %arg2[%dma_start3A_40, %dma_start3A_41] : memref<10112x128xf32, #tpu.memory_space<hbm>> -> memref<10112x128xf32, #tpu.memory_space<hbm>>
    tpu.enqueue_indirect_dma source(%dma_start3A_42 : memref<10112x128xf32, #tpu.memory_space<hbm>>) target(%dma_start3A_36 : memref<128x128xf32, #tpu.memory_space<vmem>>) offsets(%dma_start3A_39 : memref<128xi32, #tpu.memory_space<vmem>>) semaphore(%arg11 : memref<!tpu.dma_semaphore, #tpu.memory_space<semaphore_mem>>)
    %dma_start3A_43 = arith.constant 1 : i32
    %dma_start3A_44 = arith.constant 1 : i32
    %dma_start3A_45 = arith.constant 0 : i32
    %dma_start3A_46 = arith.constant 0 : i32
    %dma_start3A_47 = tpu.memref_slice %arg9[%dma_start3A_44, %dma_start3A_45, %dma_start3A_46] : memref<2x128x128xf32, #tpu.memory_space<vmem>> -> memref<1x128x128xf32, #tpu.memory_space<vmem>>
    %dma_start3A_48 = tpu.memref_squeeze %dma_start3A_47 : memref<1x128x128xf32, #tpu.memory_space<vmem>> -> memref<128x128xf32, #tpu.memory_space<vmem>>
    %dma_start3A_49 = arith.constant 0 : i32
    %dma_start3A_50 = tpu.memref_slice %arg7[%dma_start3A_43, %dma_start3A_49] : memref<40x128xi32, #tpu.memory_space<vmem>> -> memref<1x128xi32, #tpu.memory_space<vmem>>
    %dma_start3A_51 = tpu.memref_squeeze %dma_start3A_50 : memref<1x128xi32, #tpu.memory_space<vmem>> -> memref<128xi32, #tpu.memory_space<vmem>>
    %dma_start3A_52 = arith.constant 0 : i32
    %dma_start3A_53 = arith.constant 0 : i32
    %dma_start3A_54 = tpu.memref_slice %arg2[%dma_start3A_52, %dma_start3A_53] : memref<10112x128xf32, #tpu.memory_space<hbm>> -> memref<10112x128xf32, #tpu.memory_space<hbm>>
    tpu.enqueue_indirect_dma source(%dma_start3A_54 : memref<10112x128xf32, #tpu.memory_space<hbm>>) target(%dma_start3A_48 : memref<128x128xf32, #tpu.memory_space<vmem>>) offsets(%dma_start3A_51 : memref<128xi32, #tpu.memory_space<vmem>>) semaphore(%arg12 : memref<!tpu.dma_semaphore, #tpu.memory_space<semaphore_mem>>)
    %scan3A = arith.constant 0 : i32
    %scan3A_55 = arith.constant 0 : i32
    %scan3A_56 = arith.constant 19 : i32
    %scan3A_57 = arith.addi %scan3A_55, %scan3A_56 : i32
    %scan3A_58 = arith.constant 1 : i32
    scf.for %scan3A_264 = %scan3A_55 to %scan3A_57 step %scan3A_58  : i32 {
      %mul3A_265 = arith.constant 2 : i32
      %mul3A_266 = arith.muli %mul3A_265, %scan3A_264 : i32
      %dma_wait3A_267 = arith.constant 0 : i32
      %dma_wait3A_268 = arith.constant 0 : i32
      %dma_wait3A_269 = arith.constant 0 : i32
      %dma_wait3A_270 = arith.constant 0 : i32
      %dma_wait3A_271 = tpu.memref_slice %arg9[%dma_wait3A_268, %dma_wait3A_269, %dma_wait3A_270] : memref<2x128x128xf32, #tpu.memory_space<vmem>> -> memref<1x128x128xf32, #tpu.memory_space<vmem>>
      %dma_wait3A_272 = tpu.memref_squeeze %dma_wait3A_271 : memref<1x128x128xf32, #tpu.memory_space<vmem>> -> memref<128x128xf32, #tpu.memory_space<vmem>>
      %dma_wait3A_273 = arith.constant 0 : i32
      %dma_wait3A_274 = tpu.memref_slice %arg7[%dma_wait3A_267, %dma_wait3A_273] : memref<40x128xi32, #tpu.memory_space<vmem>> -> memref<1x128xi32, #tpu.memory_space<vmem>>
      %dma_wait3A_275 = tpu.memref_squeeze %dma_wait3A_274 : memref<1x128xi32, #tpu.memory_space<vmem>> -> memref<128xi32, #tpu.memory_space<vmem>>
      %dma_wait3A_276 = arith.constant 0 : i32
      %dma_wait3A_277 = arith.constant 0 : i32
      %dma_wait3A_278 = tpu.memref_slice %arg2[%dma_wait3A_276, %dma_wait3A_277] : memref<10112x128xf32, #tpu.memory_space<hbm>> -> memref<10112x128xf32, #tpu.memory_space<hbm>>
      tpu.wait_indirect_dma semaphore(%arg11 : memref<!tpu.dma_semaphore, #tpu.memory_space<semaphore_mem>>) src(%dma_wait3A_278 : memref<10112x128xf32, #tpu.memory_space<hbm>>) dst(%dma_wait3A_272 : memref<128x128xf32, #tpu.memory_space<vmem>>)
      %dma_start3A_279 = arith.constant 0 : i32
      %dma_start3A_280 = arith.constant 0 : i32
      %dma_start3A_281 = arith.constant 0 : i32
      %dma_start3A_282 = tpu.memref_slice %arg9[%dma_start3A_279, %dma_start3A_280, %dma_start3A_281] : memref<2x128x128xf32, #tpu.memory_space<vmem>> -> memref<1x128x128xf32, #tpu.memory_space<vmem>>
      %dma_start3A_283 = tpu.memref_squeeze %dma_start3A_282 : memref<1x128x128xf32, #tpu.memory_space<vmem>> -> memref<128x128xf32, #tpu.memory_space<vmem>>
      %dma_start3A_284 = arith.constant 0 : i32
      %dma_start3A_285 = tpu.memref_slice %arg8[%mul3A_266, %dma_start3A_284] : memref<40x128xi32, #tpu.memory_space<vmem>> -> memref<1x128xi32, #tpu.memory_space<vmem>>
      %dma_start3A_286 = tpu.memref_squeeze %dma_start3A_285 : memref<1x128xi32, #tpu.memory_space<vmem>> -> memref<128xi32, #tpu.memory_space<vmem>>
      %dma_start3A_287 = arith.constant 0 : i32
      %dma_start3A_288 = arith.constant 0 : i32
      %dma_start3A_289 = tpu.memref_slice %arg10[%dma_start3A_287, %dma_start3A_288] : memref<10112x128xf32, #tpu.memory_space<vmem_shared>> -> memref<10112x128xf32, #tpu.memory_space<vmem_shared>>
      tpu.enqueue_indirect_dma source(%dma_start3A_283 : memref<128x128xf32, #tpu.memory_space<vmem>>) target(%dma_start3A_289 : memref<10112x128xf32, #tpu.memory_space<vmem_shared>>) offsets(%dma_start3A_286 : memref<128xi32, #tpu.memory_space<vmem>>) semaphore(%arg13 : memref<!tpu.dma_semaphore, #tpu.memory_space<semaphore_mem>>) {add = true}
      %dma_wait3A_290 = arith.constant 0 : i32
      %dma_wait3A_291 = arith.constant 0 : i32
      %dma_wait3A_292 = arith.constant 0 : i32
      %dma_wait3A_293 = arith.constant 0 : i32
      %dma_wait3A_294 = tpu.memref_slice %arg9[%dma_wait3A_290, %dma_wait3A_292, %dma_wait3A_293] : memref<2x128x128xf32, #tpu.memory_space<vmem>> -> memref<1x128x128xf32, #tpu.memory_space<vmem>>
      %dma_wait3A_295 = tpu.memref_squeeze %dma_wait3A_294 : memref<1x128x128xf32, #tpu.memory_space<vmem>> -> memref<128x128xf32, #tpu.memory_space<vmem>>
      %dma_wait3A_296 = arith.constant 0 : i32
      %dma_wait3A_297 = tpu.memref_slice %arg8[%dma_wait3A_291, %dma_wait3A_296] : memref<40x128xi32, #tpu.memory_space<vmem>> -> memref<1x128xi32, #tpu.memory_space<vmem>>
      %dma_wait3A_298 = tpu.memref_squeeze %dma_wait3A_297 : memref<1x128xi32, #tpu.memory_space<vmem>> -> memref<128xi32, #tpu.memory_space<vmem>>
      %dma_wait3A_299 = arith.constant 0 : i32
      %dma_wait3A_300 = arith.constant 0 : i32
      %dma_wait3A_301 = tpu.memref_slice %arg10[%dma_wait3A_299, %dma_wait3A_300] : memref<10112x128xf32, #tpu.memory_space<vmem_shared>> -> memref<10112x128xf32, #tpu.memory_space<vmem_shared>>
      tpu.wait_indirect_dma semaphore(%arg13 : memref<!tpu.dma_semaphore, #tpu.memory_space<semaphore_mem>>) src(%dma_wait3A_295 : memref<128x128xf32, #tpu.memory_space<vmem>>) dst(%dma_wait3A_301 : memref<10112x128xf32, #tpu.memory_space<vmem_shared>>)
      %add3A_302 = arith.constant 2 : i32
      %add3A_303 = arith.addi %mul3A_266, %add3A_302 : i32
      %dma_start3A_304 = arith.constant 0 : i32
      %dma_start3A_305 = arith.constant 0 : i32
      %dma_start3A_306 = arith.constant 0 : i32
      %dma_start3A_307 = tpu.memref_slice %arg9[%dma_start3A_304, %dma_start3A_305, %dma_start3A_306] : memref<2x128x128xf32, #tpu.memory_space<vmem>> -> memref<1x128x128xf32, #tpu.memory_space<vmem>>
      %dma_start3A_308 = tpu.memref_squeeze %dma_start3A_307 : memref<1x128x128xf32, #tpu.memory_space<vmem>> -> memref<128x128xf32, #tpu.memory_space<vmem>>
      %dma_start3A_309 = arith.constant 0 : i32
      %dma_start3A_310 = tpu.memref_slice %arg7[%add3A_303, %dma_start3A_309] : memref<40x128xi32, #tpu.memory_space<vmem>> -> memref<1x128xi32, #tpu.memory_space<vmem>>
      %dma_start3A_311 = tpu.memref_squeeze %dma_start3A_310 : memref<1x128xi32, #tpu.memory_space<vmem>> -> memref<128xi32, #tpu.memory_space<vmem>>
      %dma_start3A_312 = arith.constant 0 : i32
      %dma_start3A_313 = arith.constant 0 : i32
      %dma_start3A_314 = tpu.memref_slice %arg2[%dma_start3A_312, %dma_start3A_313] : memref<10112x128xf32, #tpu.memory_space<hbm>> -> memref<10112x128xf32, #tpu.memory_space<hbm>>
      tpu.enqueue_indirect_dma source(%dma_start3A_314 : memref<10112x128xf32, #tpu.memory_space<hbm>>) target(%dma_start3A_308 : memref<128x128xf32, #tpu.memory_space<vmem>>) offsets(%dma_start3A_311 : memref<128xi32, #tpu.memory_space<vmem>>) semaphore(%arg11 : memref<!tpu.dma_semaphore, #tpu.memory_space<semaphore_mem>>)
      %dma_wait3A_315 = arith.constant 0 : i32
      %dma_wait3A_316 = arith.constant 1 : i32
      %dma_wait3A_317 = arith.constant 0 : i32
      %dma_wait3A_318 = arith.constant 0 : i32
      %dma_wait3A_319 = tpu.memref_slice %arg9[%dma_wait3A_316, %dma_wait3A_317, %dma_wait3A_318] : memref<2x128x128xf32, #tpu.memory_space<vmem>> -> memref<1x128x128xf32, #tpu.memory_space<vmem>>
      %dma_wait3A_320 = tpu.memref_squeeze %dma_wait3A_319 : memref<1x128x128xf32, #tpu.memory_space<vmem>> -> memref<128x128xf32, #tpu.memory_space<vmem>>
      %dma_wait3A_321 = arith.constant 0 : i32
      %dma_wait3A_322 = tpu.memref_slice %arg7[%dma_wait3A_315, %dma_wait3A_321] : memref<40x128xi32, #tpu.memory_space<vmem>> -> memref<1x128xi32, #tpu.memory_space<vmem>>
      %dma_wait3A_323 = tpu.memref_squeeze %dma_wait3A_322 : memref<1x128xi32, #tpu.memory_space<vmem>> -> memref<128xi32, #tpu.memory_space<vmem>>
      %dma_wait3A_324 = arith.constant 0 : i32
      %dma_wait3A_325 = arith.constant 0 : i32
      %dma_wait3A_326 = tpu.memref_slice %arg2[%dma_wait3A_324, %dma_wait3A_325] : memref<10112x128xf32, #tpu.memory_space<hbm>> -> memref<10112x128xf32, #tpu.memory_space<hbm>>
      tpu.wait_indirect_dma semaphore(%arg12 : memref<!tpu.dma_semaphore, #tpu.memory_space<semaphore_mem>>) src(%dma_wait3A_326 : memref<10112x128xf32, #tpu.memory_space<hbm>>) dst(%dma_wait3A_320 : memref<128x128xf32, #tpu.memory_space<vmem>>)
      %add3A_327 = arith.constant 1 : i32
      %add3A_328 = arith.addi %mul3A_266, %add3A_327 : i32
      %dma_start3A_329 = arith.constant 1 : i32
      %dma_start3A_330 = arith.constant 0 : i32
      %dma_start3A_331 = arith.constant 0 : i32
      %dma_start3A_332 = tpu.memref_slice %arg9[%dma_start3A_329, %dma_start3A_330, %dma_start3A_331] : memref<2x128x128xf32, #tpu.memory_space<vmem>> -> memref<1x128x128xf32, #tpu.memory_space<vmem>>
      %dma_start3A_333 = tpu.memref_squeeze %dma_start3A_332 : memref<1x128x128xf32, #tpu.memory_space<vmem>> -> memref<128x128xf32, #tpu.memory_space<vmem>>
      %dma_start3A_334 = arith.constant 0 : i32
      %dma_start3A_335 = tpu.memref_slice %arg8[%add3A_328, %dma_start3A_334] : memref<40x128xi32, #tpu.memory_space<vmem>> -> memref<1x128xi32, #tpu.memory_space<vmem>>
      %dma_start3A_336 = tpu.memref_squeeze %dma_start3A_335 : memref<1x128xi32, #tpu.memory_space<vmem>> -> memref<128xi32, #tpu.memory_space<vmem>>
      %dma_start3A_337 = arith.constant 0 : i32
      %dma_start3A_338 = arith.constant 0 : i32
      %dma_start3A_339 = tpu.memref_slice %arg10[%dma_start3A_337, %dma_start3A_338] : memref<10112x128xf32, #tpu.memory_space<vmem_shared>> -> memref<10112x128xf32, #tpu.memory_space<vmem_shared>>
      tpu.enqueue_indirect_dma source(%dma_start3A_333 : memref<128x128xf32, #tpu.memory_space<vmem>>) target(%dma_start3A_339 : memref<10112x128xf32, #tpu.memory_space<vmem_shared>>) offsets(%dma_start3A_336 : memref<128xi32, #tpu.memory_space<vmem>>) semaphore(%arg14 : memref<!tpu.dma_semaphore, #tpu.memory_space<semaphore_mem>>) {add = true}
      %dma_wait3A_340 = arith.constant 1 : i32
      %dma_wait3A_341 = arith.constant 0 : i32
      %dma_wait3A_342 = arith.constant 0 : i32
      %dma_wait3A_343 = arith.constant 0 : i32
      %dma_wait3A_344 = tpu.memref_slice %arg9[%dma_wait3A_340, %dma_wait3A_342, %dma_wait3A_343] : memref<2x128x128xf32, #tpu.memory_space<vmem>> -> memref<1x128x128xf32, #tpu.memory_space<vmem>>
      %dma_wait3A_345 = tpu.memref_squeeze %dma_wait3A_344 : memref<1x128x128xf32, #tpu.memory_space<vmem>> -> memref<128x128xf32, #tpu.memory_space<vmem>>
      %dma_wait3A_346 = arith.constant 0 : i32
      %dma_wait3A_347 = tpu.memref_slice %arg8[%dma_wait3A_341, %dma_wait3A_346] : memref<40x128xi32, #tpu.memory_space<vmem>> -> memref<1x128xi32, #tpu.memory_space<vmem>>
      %dma_wait3A_348 = tpu.memref_squeeze %dma_wait3A_347 : memref<1x128xi32, #tpu.memory_space<vmem>> -> memref<128xi32, #tpu.memory_space<vmem>>
      %dma_wait3A_349 = arith.constant 0 : i32
      %dma_wait3A_350 = arith.constant 0 : i32
      %dma_wait3A_351 = tpu.memref_slice %arg10[%dma_wait3A_349, %dma_wait3A_350] : memref<10112x128xf32, #tpu.memory_space<vmem_shared>> -> memref<10112x128xf32, #tpu.memory_space<vmem_shared>>
      tpu.wait_indirect_dma semaphore(%arg14 : memref<!tpu.dma_semaphore, #tpu.memory_space<semaphore_mem>>) src(%dma_wait3A_345 : memref<128x128xf32, #tpu.memory_space<vmem>>) dst(%dma_wait3A_351 : memref<10112x128xf32, #tpu.memory_space<vmem_shared>>)
      %add3A_352 = arith.constant 3 : i32
      %add3A_353 = arith.addi %mul3A_266, %add3A_352 : i32
      %dma_start3A_354 = arith.constant 1 : i32
      %dma_start3A_355 = arith.constant 0 : i32
      %dma_start3A_356 = arith.constant 0 : i32
      %dma_start3A_357 = tpu.memref_slice %arg9[%dma_start3A_354, %dma_start3A_355, %dma_start3A_356] : memref<2x128x128xf32, #tpu.memory_space<vmem>> -> memref<1x128x128xf32, #tpu.memory_space<vmem>>
      %dma_start3A_358 = tpu.memref_squeeze %dma_start3A_357 : memref<1x128x128xf32, #tpu.memory_space<vmem>> -> memref<128x128xf32, #tpu.memory_space<vmem>>
      %dma_start3A_359 = arith.constant 0 : i32
      %dma_start3A_360 = tpu.memref_slice %arg7[%add3A_353, %dma_start3A_359] : memref<40x128xi32, #tpu.memory_space<vmem>> -> memref<1x128xi32, #tpu.memory_space<vmem>>
      %dma_start3A_361 = tpu.memref_squeeze %dma_start3A_360 : memref<1x128xi32, #tpu.memory_space<vmem>> -> memref<128xi32, #tpu.memory_space<vmem>>
      %dma_start3A_362 = arith.constant 0 : i32
      %dma_start3A_363 = arith.constant 0 : i32
      %dma_start3A_364 = tpu.memref_slice %arg2[%dma_start3A_362, %dma_start3A_363] : memref<10112x128xf32, #tpu.memory_space<hbm>> -> memref<10112x128xf32, #tpu.memory_space<hbm>>
      tpu.enqueue_indirect_dma source(%dma_start3A_364 : memref<10112x128xf32, #tpu.memory_space<hbm>>) target(%dma_start3A_358 : memref<128x128xf32, #tpu.memory_space<vmem>>) offsets(%dma_start3A_361 : memref<128xi32, #tpu.memory_space<vmem>>) semaphore(%arg12 : memref<!tpu.dma_semaphore, #tpu.memory_space<semaphore_mem>>)
    }
    %scan3A_59 = arith.constant 19 : i32
    %dma_wait3A = arith.constant 0 : i32
    %dma_wait3A_60 = arith.constant 0 : i32
    %dma_wait3A_61 = arith.constant 0 : i32
    %dma_wait3A_62 = arith.constant 0 : i32
    %dma_wait3A_63 = tpu.memref_slice %arg9[%dma_wait3A_60, %dma_wait3A_61, %dma_wait3A_62] : memref<2x128x128xf32, #tpu.memory_space<vmem>> -> memref<1x128x128xf32, #tpu.memory_space<vmem>>
    %dma_wait3A_64 = tpu.memref_squeeze %dma_wait3A_63 : memref<1x128x128xf32, #tpu.memory_space<vmem>> -> memref<128x128xf32, #tpu.memory_space<vmem>>
    %dma_wait3A_65 = arith.constant 0 : i32
    %dma_wait3A_66 = tpu.memref_slice %arg7[%dma_wait3A, %dma_wait3A_65] : memref<40x128xi32, #tpu.memory_space<vmem>> -> memref<1x128xi32, #tpu.memory_space<vmem>>
    %dma_wait3A_67 = tpu.memref_squeeze %dma_wait3A_66 : memref<1x128xi32, #tpu.memory_space<vmem>> -> memref<128xi32, #tpu.memory_space<vmem>>
    %dma_wait3A_68 = arith.constant 0 : i32
    %dma_wait3A_69 = arith.constant 0 : i32
    %dma_wait3A_70 = tpu.memref_slice %arg2[%dma_wait3A_68, %dma_wait3A_69] : memref<10112x128xf32, #tpu.memory_space<hbm>> -> memref<10112x128xf32, #tpu.memory_space<hbm>>
    tpu.wait_indirect_dma semaphore(%arg11 : memref<!tpu.dma_semaphore, #tpu.memory_space<semaphore_mem>>) src(%dma_wait3A_70 : memref<10112x128xf32, #tpu.memory_space<hbm>>) dst(%dma_wait3A_64 : memref<128x128xf32, #tpu.memory_space<vmem>>)
    %dma_start3A_71 = arith.constant 0 : i32
    %dma_start3A_72 = arith.constant 38 : i32
    %dma_start3A_73 = arith.constant 0 : i32
    %dma_start3A_74 = arith.constant 0 : i32
    %dma_start3A_75 = tpu.memref_slice %arg9[%dma_start3A_71, %dma_start3A_73, %dma_start3A_74] : memref<2x128x128xf32, #tpu.memory_space<vmem>> -> memref<1x128x128xf32, #tpu.memory_space<vmem>>
    %dma_start3A_76 = tpu.memref_squeeze %dma_start3A_75 : memref<1x128x128xf32, #tpu.memory_space<vmem>> -> memref<128x128xf32, #tpu.memory_space<vmem>>
    %dma_start3A_77 = arith.constant 0 : i32
    %dma_start3A_78 = tpu.memref_slice %arg8[%dma_start3A_72, %dma_start3A_77] : memref<40x128xi32, #tpu.memory_space<vmem>> -> memref<1x128xi32, #tpu.memory_space<vmem>>
    %dma_start3A_79 = tpu.memref_squeeze %dma_start3A_78 : memref<1x128xi32, #tpu.memory_space<vmem>> -> memref<128xi32, #tpu.memory_space<vmem>>
    %dma_start3A_80 = arith.constant 0 : i32
    %dma_start3A_81 = arith.constant 0 : i32
    %dma_start3A_82 = tpu.memref_slice %arg10[%dma_start3A_80, %dma_start3A_81] : memref<10112x128xf32, #tpu.memory_space<vmem_shared>> -> memref<10112x128xf32, #tpu.memory_space<vmem_shared>>
    tpu.enqueue_indirect_dma source(%dma_start3A_76 : memref<128x128xf32, #tpu.memory_space<vmem>>) target(%dma_start3A_82 : memref<10112x128xf32, #tpu.memory_space<vmem_shared>>) offsets(%dma_start3A_79 : memref<128xi32, #tpu.memory_space<vmem>>) semaphore(%arg13 : memref<!tpu.dma_semaphore, #tpu.memory_space<semaphore_mem>>) {add = true}
    %dma_wait3A_83 = arith.constant 0 : i32
    %dma_wait3A_84 = arith.constant 0 : i32
    %dma_wait3A_85 = arith.constant 0 : i32
    %dma_wait3A_86 = arith.constant 0 : i32
    %dma_wait3A_87 = tpu.memref_slice %arg9[%dma_wait3A_83, %dma_wait3A_85, %dma_wait3A_86] : memref<2x128x128xf32, #tpu.memory_space<vmem>> -> memref<1x128x128xf32, #tpu.memory_space<vmem>>
    %dma_wait3A_88 = tpu.memref_squeeze %dma_wait3A_87 : memref<1x128x128xf32, #tpu.memory_space<vmem>> -> memref<128x128xf32, #tpu.memory_space<vmem>>
    %dma_wait3A_89 = arith.constant 0 : i32
    %dma_wait3A_90 = tpu.memref_slice %arg8[%dma_wait3A_84, %dma_wait3A_89] : memref<40x128xi32, #tpu.memory_space<vmem>> -> memref<1x128xi32, #tpu.memory_space<vmem>>
    %dma_wait3A_91 = tpu.memref_squeeze %dma_wait3A_90 : memref<1x128xi32, #tpu.memory_space<vmem>> -> memref<128xi32, #tpu.memory_space<vmem>>
    %dma_wait3A_92 = arith.constant 0 : i32
    %dma_wait3A_93 = arith.constant 0 : i32
    %dma_wait3A_94 = tpu.memref_slice %arg10[%dma_wait3A_92, %dma_wait3A_93] : memref<10112x128xf32, #tpu.memory_space<vmem_shared>> -> memref<10112x128xf32, #tpu.memory_space<vmem_shared>>
    tpu.wait_indirect_dma semaphore(%arg13 : memref<!tpu.dma_semaphore, #tpu.memory_space<semaphore_mem>>) src(%dma_wait3A_88 : memref<128x128xf32, #tpu.memory_space<vmem>>) dst(%dma_wait3A_94 : memref<10112x128xf32, #tpu.memory_space<vmem_shared>>)
    %dma_wait3A_95 = arith.constant 0 : i32
    %dma_wait3A_96 = arith.constant 1 : i32
    %dma_wait3A_97 = arith.constant 0 : i32
    %dma_wait3A_98 = arith.constant 0 : i32
    %dma_wait3A_99 = tpu.memref_slice %arg9[%dma_wait3A_96, %dma_wait3A_97, %dma_wait3A_98] : memref<2x128x128xf32, #tpu.memory_space<vmem>> -> memref<1x128x128xf32, #tpu.memory_space<vmem>>
    %dma_wait3A_100 = tpu.memref_squeeze %dma_wait3A_99 : memref<1x128x128xf32, #tpu.memory_space<vmem>> -> memref<128x128xf32, #tpu.memory_space<vmem>>
    %dma_wait3A_101 = arith.constant 0 : i32
    %dma_wait3A_102 = tpu.memref_slice %arg7[%dma_wait3A_95, %dma_wait3A_101] : memref<40x128xi32, #tpu.memory_space<vmem>> -> memref<1x128xi32, #tpu.memory_space<vmem>>
    %dma_wait3A_103 = tpu.memref_squeeze %dma_wait3A_102 : memref<1x128xi32, #tpu.memory_space<vmem>> -> memref<128xi32, #tpu.memory_space<vmem>>
    %dma_wait3A_104 = arith.constant 0 : i32
    %dma_wait3A_105 = arith.constant 0 : i32
    %dma_wait3A_106 = tpu.memref_slice %arg2[%dma_wait3A_104, %dma_wait3A_105] : memref<10112x128xf32, #tpu.memory_space<hbm>> -> memref<10112x128xf32, #tpu.memory_space<hbm>>
    tpu.wait_indirect_dma semaphore(%arg12 : memref<!tpu.dma_semaphore, #tpu.memory_space<semaphore_mem>>) src(%dma_wait3A_106 : memref<10112x128xf32, #tpu.memory_space<hbm>>) dst(%dma_wait3A_100 : memref<128x128xf32, #tpu.memory_space<vmem>>)
    %dma_start3A_107 = arith.constant 1 : i32
    %dma_start3A_108 = arith.constant 39 : i32
    %dma_start3A_109 = arith.constant 0 : i32
    %dma_start3A_110 = arith.constant 0 : i32
    %dma_start3A_111 = tpu.memref_slice %arg9[%dma_start3A_107, %dma_start3A_109, %dma_start3A_110] : memref<2x128x128xf32, #tpu.memory_space<vmem>> -> memref<1x128x128xf32, #tpu.memory_space<vmem>>
    %dma_start3A_112 = tpu.memref_squeeze %dma_start3A_111 : memref<1x128x128xf32, #tpu.memory_space<vmem>> -> memref<128x128xf32, #tpu.memory_space<vmem>>
    %dma_start3A_113 = arith.constant 0 : i32
    %dma_start3A_114 = tpu.memref_slice %arg8[%dma_start3A_108, %dma_start3A_113] : memref<40x128xi32, #tpu.memory_space<vmem>> -> memref<1x128xi32, #tpu.memory_space<vmem>>
    %dma_start3A_115 = tpu.memref_squeeze %dma_start3A_114 : memref<1x128xi32, #tpu.memory_space<vmem>> -> memref<128xi32, #tpu.memory_space<vmem>>
    %dma_start3A_116 = arith.constant 0 : i32
    %dma_start3A_117 = arith.constant 0 : i32
    %dma_start3A_118 = tpu.memref_slice %arg10[%dma_start3A_116, %dma_start3A_117] : memref<10112x128xf32, #tpu.memory_space<vmem_shared>> -> memref<10112x128xf32, #tpu.memory_space<vmem_shared>>
    tpu.enqueue_indirect_dma source(%dma_start3A_112 : memref<128x128xf32, #tpu.memory_space<vmem>>) target(%dma_start3A_118 : memref<10112x128xf32, #tpu.memory_space<vmem_shared>>) offsets(%dma_start3A_115 : memref<128xi32, #tpu.memory_space<vmem>>) semaphore(%arg14 : memref<!tpu.dma_semaphore, #tpu.memory_space<semaphore_mem>>) {add = true}
    %dma_wait3A_119 = arith.constant 1 : i32
    %dma_wait3A_120 = arith.constant 0 : i32
    %dma_wait3A_121 = arith.constant 0 : i32
    %dma_wait3A_122 = arith.constant 0 : i32
    %dma_wait3A_123 = tpu.memref_slice %arg9[%dma_wait3A_119, %dma_wait3A_121, %dma_wait3A_122] : memref<2x128x128xf32, #tpu.memory_space<vmem>> -> memref<1x128x128xf32, #tpu.memory_space<vmem>>
    %dma_wait3A_124 = tpu.memref_squeeze %dma_wait3A_123 : memref<1x128x128xf32, #tpu.memory_space<vmem>> -> memref<128x128xf32, #tpu.memory_space<vmem>>
    %dma_wait3A_125 = arith.constant 0 : i32
    %dma_wait3A_126 = tpu.memref_slice %arg8[%dma_wait3A_120, %dma_wait3A_125] : memref<40x128xi32, #tpu.memory_space<vmem>> -> memref<1x128xi32, #tpu.memory_space<vmem>>
    %dma_wait3A_127 = tpu.memref_squeeze %dma_wait3A_126 : memref<1x128xi32, #tpu.memory_space<vmem>> -> memref<128xi32, #tpu.memory_space<vmem>>
    %dma_wait3A_128 = arith.constant 0 : i32
    %dma_wait3A_129 = arith.constant 0 : i32
    %dma_wait3A_130 = tpu.memref_slice %arg10[%dma_wait3A_128, %dma_wait3A_129] : memref<10112x128xf32, #tpu.memory_space<vmem_shared>> -> memref<10112x128xf32, #tpu.memory_space<vmem_shared>>
    tpu.wait_indirect_dma semaphore(%arg14 : memref<!tpu.dma_semaphore, #tpu.memory_space<semaphore_mem>>) src(%dma_wait3A_124 : memref<128x128xf32, #tpu.memory_space<vmem>>) dst(%dma_wait3A_130 : memref<10112x128xf32, #tpu.memory_space<vmem_shared>>)
    "tpu.region"() ({
      %run_scoped3A_264 = tpu.sem_alloc : memref<!tpu.dma_semaphore, #tpu.memory_space<semaphore_mem>>
      %dma_start3A_265 = arith.constant 40 : i32
      %dma_start3A_266 = arith.constant 0 : i32
      %dma_start3A_267 = tpu.memref_slice %arg3[%add3A, %dma_start3A_265, %dma_start3A_266] : memref<32x80x128xi32, #tpu.memory_space<hbm>> -> memref<1x40x128xi32, #tpu.memory_space<hbm>>
      %dma_start3A_268 = tpu.memref_squeeze %dma_start3A_267 : memref<1x40x128xi32, #tpu.memory_space<hbm>> -> memref<40x128xi32, #tpu.memory_space<hbm>>
      %dma_start3A_269 = arith.constant 40 : i32
      %dma_start3A_270 = arith.constant 0 : i32
      %dma_start3A_271 = tpu.memref_slice %arg3[%add3A, %dma_start3A_269, %dma_start3A_270] : memref<32x80x128xi32, #tpu.memory_space<hbm>> -> memref<1x40x128xi32, #tpu.memory_space<hbm>>
      %dma_start3A_272 = tpu.memref_squeeze %dma_start3A_271 : memref<1x40x128xi32, #tpu.memory_space<hbm>> -> memref<40x128xi32, #tpu.memory_space<hbm>>
      tpu.enqueue_dma source(%dma_start3A_272 : memref<40x128xi32, #tpu.memory_space<hbm>>) target(%arg7 : memref<40x128xi32, #tpu.memory_space<vmem>>) target_semaphore(%run_scoped3A_264 : memref<!tpu.dma_semaphore, #tpu.memory_space<semaphore_mem>>)
      %dma_wait3A_273 = arith.constant 40 : i32
      %dma_wait3A_274 = arith.constant 0 : i32
      %dma_wait3A_275 = tpu.memref_slice %arg3[%add3A, %dma_wait3A_273, %dma_wait3A_274] : memref<32x80x128xi32, #tpu.memory_space<hbm>> -> memref<1x40x128xi32, #tpu.memory_space<hbm>>
      %dma_wait3A_276 = tpu.memref_squeeze %dma_wait3A_275 : memref<1x40x128xi32, #tpu.memory_space<hbm>> -> memref<40x128xi32, #tpu.memory_space<hbm>>
      %dma_wait3A_277 = arith.constant 40 : i32
      %dma_wait3A_278 = arith.constant 0 : i32
      %dma_wait3A_279 = tpu.memref_slice %arg3[%add3A, %dma_wait3A_277, %dma_wait3A_278] : memref<32x80x128xi32, #tpu.memory_space<hbm>> -> memref<1x40x128xi32, #tpu.memory_space<hbm>>
      %dma_wait3A_280 = tpu.memref_squeeze %dma_wait3A_279 : memref<1x40x128xi32, #tpu.memory_space<hbm>> -> memref<40x128xi32, #tpu.memory_space<hbm>>
      tpu.wait_dma2 semaphore(%run_scoped3A_264 : memref<!tpu.dma_semaphore, #tpu.memory_space<semaphore_mem>>) src(%dma_wait3A_280 : memref<40x128xi32, #tpu.memory_space<hbm>>) dst(%arg7 : memref<40x128xi32, #tpu.memory_space<vmem>>)
      tpu.yield
    }) : () -> ()
    "tpu.region"() ({
      %run_scoped3A_264 = tpu.sem_alloc : memref<!tpu.dma_semaphore, #tpu.memory_space<semaphore_mem>>
      %dma_start3A_265 = arith.constant 40 : i32
      %dma_start3A_266 = arith.constant 0 : i32
      %dma_start3A_267 = tpu.memref_slice %arg4[%add3A, %dma_start3A_265, %dma_start3A_266] : memref<32x80x128xi32, #tpu.memory_space<hbm>> -> memref<1x40x128xi32, #tpu.memory_space<hbm>>
      %dma_start3A_268 = tpu.memref_squeeze %dma_start3A_267 : memref<1x40x128xi32, #tpu.memory_space<hbm>> -> memref<40x128xi32, #tpu.memory_space<hbm>>
      %dma_start3A_269 = arith.constant 40 : i32
      %dma_start3A_270 = arith.constant 0 : i32
      %dma_start3A_271 = tpu.memref_slice %arg4[%add3A, %dma_start3A_269, %dma_start3A_270] : memref<32x80x128xi32, #tpu.memory_space<hbm>> -> memref<1x40x128xi32, #tpu.memory_space<hbm>>
      %dma_start3A_272 = tpu.memref_squeeze %dma_start3A_271 : memref<1x40x128xi32, #tpu.memory_space<hbm>> -> memref<40x128xi32, #tpu.memory_space<hbm>>
      tpu.enqueue_dma source(%dma_start3A_272 : memref<40x128xi32, #tpu.memory_space<hbm>>) target(%arg8 : memref<40x128xi32, #tpu.memory_space<vmem>>) target_semaphore(%run_scoped3A_264 : memref<!tpu.dma_semaphore, #tpu.memory_space<semaphore_mem>>)
      %dma_wait3A_273 = arith.constant 40 : i32
      %dma_wait3A_274 = arith.constant 0 : i32
      %dma_wait3A_275 = tpu.memref_slice %arg4[%add3A, %dma_wait3A_273, %dma_wait3A_274] : memref<32x80x128xi32, #tpu.memory_space<hbm>> -> memref<1x40x128xi32, #tpu.memory_space<hbm>>
      %dma_wait3A_276 = tpu.memref_squeeze %dma_wait3A_275 : memref<1x40x128xi32, #tpu.memory_space<hbm>> -> memref<40x128xi32, #tpu.memory_space<hbm>>
      %dma_wait3A_277 = arith.constant 40 : i32
      %dma_wait3A_278 = arith.constant 0 : i32
      %dma_wait3A_279 = tpu.memref_slice %arg4[%add3A, %dma_wait3A_277, %dma_wait3A_278] : memref<32x80x128xi32, #tpu.memory_space<hbm>> -> memref<1x40x128xi32, #tpu.memory_space<hbm>>
      %dma_wait3A_280 = tpu.memref_squeeze %dma_wait3A_279 : memref<1x40x128xi32, #tpu.memory_space<hbm>> -> memref<40x128xi32, #tpu.memory_space<hbm>>
      tpu.wait_dma2 semaphore(%run_scoped3A_264 : memref<!tpu.dma_semaphore, #tpu.memory_space<semaphore_mem>>) src(%dma_wait3A_280 : memref<40x128xi32, #tpu.memory_space<hbm>>) dst(%arg8 : memref<40x128xi32, #tpu.memory_space<vmem>>)
      tpu.yield
    }) : () -> ()
    %dma_start3A_131 = arith.constant 0 : i32
    %dma_start3A_132 = arith.constant 0 : i32
    %dma_start3A_133 = arith.constant 0 : i32
    %dma_start3A_134 = arith.constant 0 : i32
    %dma_start3A_135 = tpu.memref_slice %arg9[%dma_start3A_132, %dma_start3A_133, %dma_start3A_134] : memref<2x128x128xf32, #tpu.memory_space<vmem>> -> memref<1x128x128xf32, #tpu.memory_space<vmem>>
    %dma_start3A_136 = tpu.memref_squeeze %dma_start3A_135 : memref<1x128x128xf32, #tpu.memory_space<vmem>> -> memref<128x128xf32, #tpu.memory_space<vmem>>
    %dma_start3A_137 = arith.constant 0 : i32
    %dma_start3A_138 = tpu.memref_slice %arg7[%dma_start3A_131, %dma_start3A_137] : memref<40x128xi32, #tpu.memory_space<vmem>> -> memref<1x128xi32, #tpu.memory_space<vmem>>
    %dma_start3A_139 = tpu.memref_squeeze %dma_start3A_138 : memref<1x128xi32, #tpu.memory_space<vmem>> -> memref<128xi32, #tpu.memory_space<vmem>>
    %dma_start3A_140 = arith.constant 0 : i32
    %dma_start3A_141 = arith.constant 0 : i32
    %dma_start3A_142 = tpu.memref_slice %arg2[%dma_start3A_140, %dma_start3A_141] : memref<10112x128xf32, #tpu.memory_space<hbm>> -> memref<10112x128xf32, #tpu.memory_space<hbm>>
    tpu.enqueue_indirect_dma source(%dma_start3A_142 : memref<10112x128xf32, #tpu.memory_space<hbm>>) target(%dma_start3A_136 : memref<128x128xf32, #tpu.memory_space<vmem>>) offsets(%dma_start3A_139 : memref<128xi32, #tpu.memory_space<vmem>>) semaphore(%arg11 : memref<!tpu.dma_semaphore, #tpu.memory_space<semaphore_mem>>)
    %dma_start3A_143 = arith.constant 1 : i32
    %dma_start3A_144 = arith.constant 1 : i32
    %dma_start3A_145 = arith.constant 0 : i32
    %dma_start3A_146 = arith.constant 0 : i32
    %dma_start3A_147 = tpu.memref_slice %arg9[%dma_start3A_144, %dma_start3A_145, %dma_start3A_146] : memref<2x128x128xf32, #tpu.memory_space<vmem>> -> memref<1x128x128xf32, #tpu.memory_space<vmem>>
    %dma_start3A_148 = tpu.memref_squeeze %dma_start3A_147 : memref<1x128x128xf32, #tpu.memory_space<vmem>> -> memref<128x128xf32, #tpu.memory_space<vmem>>
    %dma_start3A_149 = arith.constant 0 : i32
    %dma_start3A_150 = tpu.memref_slice %arg7[%dma_start3A_143, %dma_start3A_149] : memref<40x128xi32, #tpu.memory_space<vmem>> -> memref<1x128xi32, #tpu.memory_space<vmem>>
    %dma_start3A_151 = tpu.memref_squeeze %dma_start3A_150 : memref<1x128xi32, #tpu.memory_space<vmem>> -> memref<128xi32, #tpu.memory_space<vmem>>
    %dma_start3A_152 = arith.constant 0 : i32
    %dma_start3A_153 = arith.constant 0 : i32
    %dma_start3A_154 = tpu.memref_slice %arg2[%dma_start3A_152, %dma_start3A_153] : memref<10112x128xf32, #tpu.memory_space<hbm>> -> memref<10112x128xf32, #tpu.memory_space<hbm>>
    tpu.enqueue_indirect_dma source(%dma_start3A_154 : memref<10112x128xf32, #tpu.memory_space<hbm>>) target(%dma_start3A_148 : memref<128x128xf32, #tpu.memory_space<vmem>>) offsets(%dma_start3A_151 : memref<128xi32, #tpu.memory_space<vmem>>) semaphore(%arg12 : memref<!tpu.dma_semaphore, #tpu.memory_space<semaphore_mem>>)
    %scan3A_155 = arith.constant 0 : i32
    %scan3A_156 = arith.constant 0 : i32
    %scan3A_157 = arith.constant 19 : i32
    %scan3A_158 = arith.addi %scan3A_156, %scan3A_157 : i32
    %scan3A_159 = arith.constant 1 : i32
    scf.for %scan3A_264 = %scan3A_156 to %scan3A_158 step %scan3A_159  : i32 {
      %mul3A_265 = arith.constant 2 : i32
      %mul3A_266 = arith.muli %mul3A_265, %scan3A_264 : i32
      %dma_wait3A_267 = arith.constant 0 : i32
      %dma_wait3A_268 = arith.constant 0 : i32
      %dma_wait3A_269 = arith.constant 0 : i32
      %dma_wait3A_270 = arith.constant 0 : i32
      %dma_wait3A_271 = tpu.memref_slice %arg9[%dma_wait3A_268, %dma_wait3A_269, %dma_wait3A_270] : memref<2x128x128xf32, #tpu.memory_space<vmem>> -> memref<1x128x128xf32, #tpu.memory_space<vmem>>
      %dma_wait3A_272 = tpu.memref_squeeze %dma_wait3A_271 : memref<1x128x128xf32, #tpu.memory_space<vmem>> -> memref<128x128xf32, #tpu.memory_space<vmem>>
      %dma_wait3A_273 = arith.constant 0 : i32
      %dma_wait3A_274 = tpu.memref_slice %arg7[%dma_wait3A_267, %dma_wait3A_273] : memref<40x128xi32, #tpu.memory_space<vmem>> -> memref<1x128xi32, #tpu.memory_space<vmem>>
      %dma_wait3A_275 = tpu.memref_squeeze %dma_wait3A_274 : memref<1x128xi32, #tpu.memory_space<vmem>> -> memref<128xi32, #tpu.memory_space<vmem>>
      %dma_wait3A_276 = arith.constant 0 : i32
      %dma_wait3A_277 = arith.constant 0 : i32
      %dma_wait3A_278 = tpu.memref_slice %arg2[%dma_wait3A_276, %dma_wait3A_277] : memref<10112x128xf32, #tpu.memory_space<hbm>> -> memref<10112x128xf32, #tpu.memory_space<hbm>>
      tpu.wait_indirect_dma semaphore(%arg11 : memref<!tpu.dma_semaphore, #tpu.memory_space<semaphore_mem>>) src(%dma_wait3A_278 : memref<10112x128xf32, #tpu.memory_space<hbm>>) dst(%dma_wait3A_272 : memref<128x128xf32, #tpu.memory_space<vmem>>)
      %dma_start3A_279 = arith.constant 0 : i32
      %dma_start3A_280 = arith.constant 0 : i32
      %dma_start3A_281 = arith.constant 0 : i32
      %dma_start3A_282 = tpu.memref_slice %arg9[%dma_start3A_279, %dma_start3A_280, %dma_start3A_281] : memref<2x128x128xf32, #tpu.memory_space<vmem>> -> memref<1x128x128xf32, #tpu.memory_space<vmem>>
      %dma_start3A_283 = tpu.memref_squeeze %dma_start3A_282 : memref<1x128x128xf32, #tpu.memory_space<vmem>> -> memref<128x128xf32, #tpu.memory_space<vmem>>
      %dma_start3A_284 = arith.constant 0 : i32
      %dma_start3A_285 = tpu.memref_slice %arg8[%mul3A_266, %dma_start3A_284] : memref<40x128xi32, #tpu.memory_space<vmem>> -> memref<1x128xi32, #tpu.memory_space<vmem>>
      %dma_start3A_286 = tpu.memref_squeeze %dma_start3A_285 : memref<1x128xi32, #tpu.memory_space<vmem>> -> memref<128xi32, #tpu.memory_space<vmem>>
      %dma_start3A_287 = arith.constant 0 : i32
      %dma_start3A_288 = arith.constant 0 : i32
      %dma_start3A_289 = tpu.memref_slice %arg10[%dma_start3A_287, %dma_start3A_288] : memref<10112x128xf32, #tpu.memory_space<vmem_shared>> -> memref<10112x128xf32, #tpu.memory_space<vmem_shared>>
      tpu.enqueue_indirect_dma source(%dma_start3A_283 : memref<128x128xf32, #tpu.memory_space<vmem>>) target(%dma_start3A_289 : memref<10112x128xf32, #tpu.memory_space<vmem_shared>>) offsets(%dma_start3A_286 : memref<128xi32, #tpu.memory_space<vmem>>) semaphore(%arg13 : memref<!tpu.dma_semaphore, #tpu.memory_space<semaphore_mem>>) {add = true}
      %dma_wait3A_290 = arith.constant 0 : i32
      %dma_wait3A_291 = arith.constant 0 : i32
      %dma_wait3A_292 = arith.constant 0 : i32
      %dma_wait3A_293 = arith.constant 0 : i32
      %dma_wait3A_294 = tpu.memref_slice %arg9[%dma_wait3A_290, %dma_wait3A_292, %dma_wait3A_293] : memref<2x128x128xf32, #tpu.memory_space<vmem>> -> memref<1x128x128xf32, #tpu.memory_space<vmem>>
      %dma_wait3A_295 = tpu.memref_squeeze %dma_wait3A_294 : memref<1x128x128xf32, #tpu.memory_space<vmem>> -> memref<128x128xf32, #tpu.memory_space<vmem>>
      %dma_wait3A_296 = arith.constant 0 : i32
      %dma_wait3A_297 = tpu.memref_slice %arg8[%dma_wait3A_291, %dma_wait3A_296] : memref<40x128xi32, #tpu.memory_space<vmem>> -> memref<1x128xi32, #tpu.memory_space<vmem>>
      %dma_wait3A_298 = tpu.memref_squeeze %dma_wait3A_297 : memref<1x128xi32, #tpu.memory_space<vmem>> -> memref<128xi32, #tpu.memory_space<vmem>>
      %dma_wait3A_299 = arith.constant 0 : i32
      %dma_wait3A_300 = arith.constant 0 : i32
      %dma_wait3A_301 = tpu.memref_slice %arg10[%dma_wait3A_299, %dma_wait3A_300] : memref<10112x128xf32, #tpu.memory_space<vmem_shared>> -> memref<10112x128xf32, #tpu.memory_space<vmem_shared>>
      tpu.wait_indirect_dma semaphore(%arg13 : memref<!tpu.dma_semaphore, #tpu.memory_space<semaphore_mem>>) src(%dma_wait3A_295 : memref<128x128xf32, #tpu.memory_space<vmem>>) dst(%dma_wait3A_301 : memref<10112x128xf32, #tpu.memory_space<vmem_shared>>)
      %add3A_302 = arith.constant 2 : i32
      %add3A_303 = arith.addi %mul3A_266, %add3A_302 : i32
      %dma_start3A_304 = arith.constant 0 : i32
      %dma_start3A_305 = arith.constant 0 : i32
      %dma_start3A_306 = arith.constant 0 : i32
      %dma_start3A_307 = tpu.memref_slice %arg9[%dma_start3A_304, %dma_start3A_305, %dma_start3A_306] : memref<2x128x128xf32, #tpu.memory_space<vmem>> -> memref<1x128x128xf32, #tpu.memory_space<vmem>>
      %dma_start3A_308 = tpu.memref_squeeze %dma_start3A_307 : memref<1x128x128xf32, #tpu.memory_space<vmem>> -> memref<128x128xf32, #tpu.memory_space<vmem>>
      %dma_start3A_309 = arith.constant 0 : i32
      %dma_start3A_310 = tpu.memref_slice %arg7[%add3A_303, %dma_start3A_309] : memref<40x128xi32, #tpu.memory_space<vmem>> -> memref<1x128xi32, #tpu.memory_space<vmem>>
      %dma_start3A_311 = tpu.memref_squeeze %dma_start3A_310 : memref<1x128xi32, #tpu.memory_space<vmem>> -> memref<128xi32, #tpu.memory_space<vmem>>
      %dma_start3A_312 = arith.constant 0 : i32
      %dma_start3A_313 = arith.constant 0 : i32
      %dma_start3A_314 = tpu.memref_slice %arg2[%dma_start3A_312, %dma_start3A_313] : memref<10112x128xf32, #tpu.memory_space<hbm>> -> memref<10112x128xf32, #tpu.memory_space<hbm>>
      tpu.enqueue_indirect_dma source(%dma_start3A_314 : memref<10112x128xf32, #tpu.memory_space<hbm>>) target(%dma_start3A_308 : memref<128x128xf32, #tpu.memory_space<vmem>>) offsets(%dma_start3A_311 : memref<128xi32, #tpu.memory_space<vmem>>) semaphore(%arg11 : memref<!tpu.dma_semaphore, #tpu.memory_space<semaphore_mem>>)
      %dma_wait3A_315 = arith.constant 0 : i32
      %dma_wait3A_316 = arith.constant 1 : i32
      %dma_wait3A_317 = arith.constant 0 : i32
      %dma_wait3A_318 = arith.constant 0 : i32
      %dma_wait3A_319 = tpu.memref_slice %arg9[%dma_wait3A_316, %dma_wait3A_317, %dma_wait3A_318] : memref<2x128x128xf32, #tpu.memory_space<vmem>> -> memref<1x128x128xf32, #tpu.memory_space<vmem>>
      %dma_wait3A_320 = tpu.memref_squeeze %dma_wait3A_319 : memref<1x128x128xf32, #tpu.memory_space<vmem>> -> memref<128x128xf32, #tpu.memory_space<vmem>>
      %dma_wait3A_321 = arith.constant 0 : i32
      %dma_wait3A_322 = tpu.memref_slice %arg7[%dma_wait3A_315, %dma_wait3A_321] : memref<40x128xi32, #tpu.memory_space<vmem>> -> memref<1x128xi32, #tpu.memory_space<vmem>>
      %dma_wait3A_323 = tpu.memref_squeeze %dma_wait3A_322 : memref<1x128xi32, #tpu.memory_space<vmem>> -> memref<128xi32, #tpu.memory_space<vmem>>
      %dma_wait3A_324 = arith.constant 0 : i32
      %dma_wait3A_325 = arith.constant 0 : i32
      %dma_wait3A_326 = tpu.memref_slice %arg2[%dma_wait3A_324, %dma_wait3A_325] : memref<10112x128xf32, #tpu.memory_space<hbm>> -> memref<10112x128xf32, #tpu.memory_space<hbm>>
      tpu.wait_indirect_dma semaphore(%arg12 : memref<!tpu.dma_semaphore, #tpu.memory_space<semaphore_mem>>) src(%dma_wait3A_326 : memref<10112x128xf32, #tpu.memory_space<hbm>>) dst(%dma_wait3A_320 : memref<128x128xf32, #tpu.memory_space<vmem>>)
      %add3A_327 = arith.constant 1 : i32
      %add3A_328 = arith.addi %mul3A_266, %add3A_327 : i32
      %dma_start3A_329 = arith.constant 1 : i32
      %dma_start3A_330 = arith.constant 0 : i32
      %dma_start3A_331 = arith.constant 0 : i32
      %dma_start3A_332 = tpu.memref_slice %arg9[%dma_start3A_329, %dma_start3A_330, %dma_start3A_331] : memref<2x128x128xf32, #tpu.memory_space<vmem>> -> memref<1x128x128xf32, #tpu.memory_space<vmem>>
      %dma_start3A_333 = tpu.memref_squeeze %dma_start3A_332 : memref<1x128x128xf32, #tpu.memory_space<vmem>> -> memref<128x128xf32, #tpu.memory_space<vmem>>
      %dma_start3A_334 = arith.constant 0 : i32
      %dma_start3A_335 = tpu.memref_slice %arg8[%add3A_328, %dma_start3A_334] : memref<40x128xi32, #tpu.memory_space<vmem>> -> memref<1x128xi32, #tpu.memory_space<vmem>>
      %dma_start3A_336 = tpu.memref_squeeze %dma_start3A_335 : memref<1x128xi32, #tpu.memory_space<vmem>> -> memref<128xi32, #tpu.memory_space<vmem>>
      %dma_start3A_337 = arith.constant 0 : i32
      %dma_start3A_338 = arith.constant 0 : i32
      %dma_start3A_339 = tpu.memref_slice %arg10[%dma_start3A_337, %dma_start3A_338] : memref<10112x128xf32, #tpu.memory_space<vmem_shared>> -> memref<10112x128xf32, #tpu.memory_space<vmem_shared>>
      tpu.enqueue_indirect_dma source(%dma_start3A_333 : memref<128x128xf32, #tpu.memory_space<vmem>>) target(%dma_start3A_339 : memref<10112x128xf32, #tpu.memory_space<vmem_shared>>) offsets(%dma_start3A_336 : memref<128xi32, #tpu.memory_space<vmem>>) semaphore(%arg14 : memref<!tpu.dma_semaphore, #tpu.memory_space<semaphore_mem>>) {add = true}
      %dma_wait3A_340 = arith.constant 1 : i32
      %dma_wait3A_341 = arith.constant 0 : i32
      %dma_wait3A_342 = arith.constant 0 : i32
      %dma_wait3A_343 = arith.constant 0 : i32
      %dma_wait3A_344 = tpu.memref_slice %arg9[%dma_wait3A_340, %dma_wait3A_342, %dma_wait3A_343] : memref<2x128x128xf32, #tpu.memory_space<vmem>> -> memref<1x128x128xf32, #tpu.memory_space<vmem>>
      %dma_wait3A_345 = tpu.memref_squeeze %dma_wait3A_344 : memref<1x128x128xf32, #tpu.memory_space<vmem>> -> memref<128x128xf32, #tpu.memory_space<vmem>>
      %dma_wait3A_346 = arith.constant 0 : i32
      %dma_wait3A_347 = tpu.memref_slice %arg8[%dma_wait3A_341, %dma_wait3A_346] : memref<40x128xi32, #tpu.memory_space<vmem>> -> memref<1x128xi32, #tpu.memory_space<vmem>>
      %dma_wait3A_348 = tpu.memref_squeeze %dma_wait3A_347 : memref<1x128xi32, #tpu.memory_space<vmem>> -> memref<128xi32, #tpu.memory_space<vmem>>
      %dma_wait3A_349 = arith.constant 0 : i32
      %dma_wait3A_350 = arith.constant 0 : i32
      %dma_wait3A_351 = tpu.memref_slice %arg10[%dma_wait3A_349, %dma_wait3A_350] : memref<10112x128xf32, #tpu.memory_space<vmem_shared>> -> memref<10112x128xf32, #tpu.memory_space<vmem_shared>>
      tpu.wait_indirect_dma semaphore(%arg14 : memref<!tpu.dma_semaphore, #tpu.memory_space<semaphore_mem>>) src(%dma_wait3A_345 : memref<128x128xf32, #tpu.memory_space<vmem>>) dst(%dma_wait3A_351 : memref<10112x128xf32, #tpu.memory_space<vmem_shared>>)
      %add3A_352 = arith.constant 3 : i32
      %add3A_353 = arith.addi %mul3A_266, %add3A_352 : i32
      %dma_start3A_354 = arith.constant 1 : i32
      %dma_start3A_355 = arith.constant 0 : i32
      %dma_start3A_356 = arith.constant 0 : i32
      %dma_start3A_357 = tpu.memref_slice %arg9[%dma_start3A_354, %dma_start3A_355, %dma_start3A_356] : memref<2x128x128xf32, #tpu.memory_space<vmem>> -> memref<1x128x128xf32, #tpu.memory_space<vmem>>
      %dma_start3A_358 = tpu.memref_squeeze %dma_start3A_357 : memref<1x128x128xf32, #tpu.memory_space<vmem>> -> memref<128x128xf32, #tpu.memory_space<vmem>>
      %dma_start3A_359 = arith.constant 0 : i32
      %dma_start3A_360 = tpu.memref_slice %arg7[%add3A_353, %dma_start3A_359] : memref<40x128xi32, #tpu.memory_space<vmem>> -> memref<1x128xi32, #tpu.memory_space<vmem>>
      %dma_start3A_361 = tpu.memref_squeeze %dma_start3A_360 : memref<1x128xi32, #tpu.memory_space<vmem>> -> memref<128xi32, #tpu.memory_space<vmem>>
      %dma_start3A_362 = arith.constant 0 : i32
      %dma_start3A_363 = arith.constant 0 : i32
      %dma_start3A_364 = tpu.memref_slice %arg2[%dma_start3A_362, %dma_start3A_363] : memref<10112x128xf32, #tpu.memory_space<hbm>> -> memref<10112x128xf32, #tpu.memory_space<hbm>>
      tpu.enqueue_indirect_dma source(%dma_start3A_364 : memref<10112x128xf32, #tpu.memory_space<hbm>>) target(%dma_start3A_358 : memref<128x128xf32, #tpu.memory_space<vmem>>) offsets(%dma_start3A_361 : memref<128xi32, #tpu.memory_space<vmem>>) semaphore(%arg12 : memref<!tpu.dma_semaphore, #tpu.memory_space<semaphore_mem>>)
    }
    %scan3A_160 = arith.constant 19 : i32
    %dma_wait3A_161 = arith.constant 0 : i32
    %dma_wait3A_162 = arith.constant 0 : i32
    %dma_wait3A_163 = arith.constant 0 : i32
    %dma_wait3A_164 = arith.constant 0 : i32
    %dma_wait3A_165 = tpu.memref_slice %arg9[%dma_wait3A_162, %dma_wait3A_163, %dma_wait3A_164] : memref<2x128x128xf32, #tpu.memory_space<vmem>> -> memref<1x128x128xf32, #tpu.memory_space<vmem>>
    %dma_wait3A_166 = tpu.memref_squeeze %dma_wait3A_165 : memref<1x128x128xf32, #tpu.memory_space<vmem>> -> memref<128x128xf32, #tpu.memory_space<vmem>>
    %dma_wait3A_167 = arith.constant 0 : i32
    %dma_wait3A_168 = tpu.memref_slice %arg7[%dma_wait3A_161, %dma_wait3A_167] : memref<40x128xi32, #tpu.memory_space<vmem>> -> memref<1x128xi32, #tpu.memory_space<vmem>>
    %dma_wait3A_169 = tpu.memref_squeeze %dma_wait3A_168 : memref<1x128xi32, #tpu.memory_space<vmem>> -> memref<128xi32, #tpu.memory_space<vmem>>
    %dma_wait3A_170 = arith.constant 0 : i32
    %dma_wait3A_171 = arith.constant 0 : i32
    %dma_wait3A_172 = tpu.memref_slice %arg2[%dma_wait3A_170, %dma_wait3A_171] : memref<10112x128xf32, #tpu.memory_space<hbm>> -> memref<10112x128xf32, #tpu.memory_space<hbm>>
    tpu.wait_indirect_dma semaphore(%arg11 : memref<!tpu.dma_semaphore, #tpu.memory_space<semaphore_mem>>) src(%dma_wait3A_172 : memref<10112x128xf32, #tpu.memory_space<hbm>>) dst(%dma_wait3A_166 : memref<128x128xf32, #tpu.memory_space<vmem>>)
    %dma_start3A_173 = arith.constant 0 : i32
    %dma_start3A_174 = arith.constant 38 : i32
    %dma_start3A_175 = arith.constant 0 : i32
    %dma_start3A_176 = arith.constant 0 : i32
    %dma_start3A_177 = tpu.memref_slice %arg9[%dma_start3A_173, %dma_start3A_175, %dma_start3A_176] : memref<2x128x128xf32, #tpu.memory_space<vmem>> -> memref<1x128x128xf32, #tpu.memory_space<vmem>>
    %dma_start3A_178 = tpu.memref_squeeze %dma_start3A_177 : memref<1x128x128xf32, #tpu.memory_space<vmem>> -> memref<128x128xf32, #tpu.memory_space<vmem>>
    %dma_start3A_179 = arith.constant 0 : i32
    %dma_start3A_180 = tpu.memref_slice %arg8[%dma_start3A_174, %dma_start3A_179] : memref<40x128xi32, #tpu.memory_space<vmem>> -> memref<1x128xi32, #tpu.memory_space<vmem>>
    %dma_start3A_181 = tpu.memref_squeeze %dma_start3A_180 : memref<1x128xi32, #tpu.memory_space<vmem>> -> memref<128xi32, #tpu.memory_space<vmem>>
    %dma_start3A_182 = arith.constant 0 : i32
    %dma_start3A_183 = arith.constant 0 : i32
    %dma_start3A_184 = tpu.memref_slice %arg10[%dma_start3A_182, %dma_start3A_183] : memref<10112x128xf32, #tpu.memory_space<vmem_shared>> -> memref<10112x128xf32, #tpu.memory_space<vmem_shared>>
    tpu.enqueue_indirect_dma source(%dma_start3A_178 : memref<128x128xf32, #tpu.memory_space<vmem>>) target(%dma_start3A_184 : memref<10112x128xf32, #tpu.memory_space<vmem_shared>>) offsets(%dma_start3A_181 : memref<128xi32, #tpu.memory_space<vmem>>) semaphore(%arg13 : memref<!tpu.dma_semaphore, #tpu.memory_space<semaphore_mem>>) {add = true}
    %dma_wait3A_185 = arith.constant 0 : i32
    %dma_wait3A_186 = arith.constant 0 : i32
    %dma_wait3A_187 = arith.constant 0 : i32
    %dma_wait3A_188 = arith.constant 0 : i32
    %dma_wait3A_189 = tpu.memref_slice %arg9[%dma_wait3A_185, %dma_wait3A_187, %dma_wait3A_188] : memref<2x128x128xf32, #tpu.memory_space<vmem>> -> memref<1x128x128xf32, #tpu.memory_space<vmem>>
    %dma_wait3A_190 = tpu.memref_squeeze %dma_wait3A_189 : memref<1x128x128xf32, #tpu.memory_space<vmem>> -> memref<128x128xf32, #tpu.memory_space<vmem>>
    %dma_wait3A_191 = arith.constant 0 : i32
    %dma_wait3A_192 = tpu.memref_slice %arg8[%dma_wait3A_186, %dma_wait3A_191] : memref<40x128xi32, #tpu.memory_space<vmem>> -> memref<1x128xi32, #tpu.memory_space<vmem>>
    %dma_wait3A_193 = tpu.memref_squeeze %dma_wait3A_192 : memref<1x128xi32, #tpu.memory_space<vmem>> -> memref<128xi32, #tpu.memory_space<vmem>>
    %dma_wait3A_194 = arith.constant 0 : i32
    %dma_wait3A_195 = arith.constant 0 : i32
    %dma_wait3A_196 = tpu.memref_slice %arg10[%dma_wait3A_194, %dma_wait3A_195] : memref<10112x128xf32, #tpu.memory_space<vmem_shared>> -> memref<10112x128xf32, #tpu.memory_space<vmem_shared>>
    tpu.wait_indirect_dma semaphore(%arg13 : memref<!tpu.dma_semaphore, #tpu.memory_space<semaphore_mem>>) src(%dma_wait3A_190 : memref<128x128xf32, #tpu.memory_space<vmem>>) dst(%dma_wait3A_196 : memref<10112x128xf32, #tpu.memory_space<vmem_shared>>)
    %dma_wait3A_197 = arith.constant 0 : i32
    %dma_wait3A_198 = arith.constant 1 : i32
    %dma_wait3A_199 = arith.constant 0 : i32
    %dma_wait3A_200 = arith.constant 0 : i32
    %dma_wait3A_201 = tpu.memref_slice %arg9[%dma_wait3A_198, %dma_wait3A_199, %dma_wait3A_200] : memref<2x128x128xf32, #tpu.memory_space<vmem>> -> memref<1x128x128xf32, #tpu.memory_space<vmem>>
    %dma_wait3A_202 = tpu.memref_squeeze %dma_wait3A_201 : memref<1x128x128xf32, #tpu.memory_space<vmem>> -> memref<128x128xf32, #tpu.memory_space<vmem>>
    %dma_wait3A_203 = arith.constant 0 : i32
    %dma_wait3A_204 = tpu.memref_slice %arg7[%dma_wait3A_197, %dma_wait3A_203] : memref<40x128xi32, #tpu.memory_space<vmem>> -> memref<1x128xi32, #tpu.memory_space<vmem>>
    %dma_wait3A_205 = tpu.memref_squeeze %dma_wait3A_204 : memref<1x128xi32, #tpu.memory_space<vmem>> -> memref<128xi32, #tpu.memory_space<vmem>>
    %dma_wait3A_206 = arith.constant 0 : i32
    %dma_wait3A_207 = arith.constant 0 : i32
    %dma_wait3A_208 = tpu.memref_slice %arg2[%dma_wait3A_206, %dma_wait3A_207] : memref<10112x128xf32, #tpu.memory_space<hbm>> -> memref<10112x128xf32, #tpu.memory_space<hbm>>
    tpu.wait_indirect_dma semaphore(%arg12 : memref<!tpu.dma_semaphore, #tpu.memory_space<semaphore_mem>>) src(%dma_wait3A_208 : memref<10112x128xf32, #tpu.memory_space<hbm>>) dst(%dma_wait3A_202 : memref<128x128xf32, #tpu.memory_space<vmem>>)
    %dma_start3A_209 = arith.constant 1 : i32
    %dma_start3A_210 = arith.constant 39 : i32
    %dma_start3A_211 = arith.constant 0 : i32
    %dma_start3A_212 = arith.constant 0 : i32
    %dma_start3A_213 = tpu.memref_slice %arg9[%dma_start3A_209, %dma_start3A_211, %dma_start3A_212] : memref<2x128x128xf32, #tpu.memory_space<vmem>> -> memref<1x128x128xf32, #tpu.memory_space<vmem>>
    %dma_start3A_214 = tpu.memref_squeeze %dma_start3A_213 : memref<1x128x128xf32, #tpu.memory_space<vmem>> -> memref<128x128xf32, #tpu.memory_space<vmem>>
    %dma_start3A_215 = arith.constant 0 : i32
    %dma_start3A_216 = tpu.memref_slice %arg8[%dma_start3A_210, %dma_start3A_215] : memref<40x128xi32, #tpu.memory_space<vmem>> -> memref<1x128xi32, #tpu.memory_space<vmem>>
    %dma_start3A_217 = tpu.memref_squeeze %dma_start3A_216 : memref<1x128xi32, #tpu.memory_space<vmem>> -> memref<128xi32, #tpu.memory_space<vmem>>
    %dma_start3A_218 = arith.constant 0 : i32
    %dma_start3A_219 = arith.constant 0 : i32
    %dma_start3A_220 = tpu.memref_slice %arg10[%dma_start3A_218, %dma_start3A_219] : memref<10112x128xf32, #tpu.memory_space<vmem_shared>> -> memref<10112x128xf32, #tpu.memory_space<vmem_shared>>
    tpu.enqueue_indirect_dma source(%dma_start3A_214 : memref<128x128xf32, #tpu.memory_space<vmem>>) target(%dma_start3A_220 : memref<10112x128xf32, #tpu.memory_space<vmem_shared>>) offsets(%dma_start3A_217 : memref<128xi32, #tpu.memory_space<vmem>>) semaphore(%arg14 : memref<!tpu.dma_semaphore, #tpu.memory_space<semaphore_mem>>) {add = true}
    %dma_wait3A_221 = arith.constant 1 : i32
    %dma_wait3A_222 = arith.constant 0 : i32
    %dma_wait3A_223 = arith.constant 0 : i32
    %dma_wait3A_224 = arith.constant 0 : i32
    %dma_wait3A_225 = tpu.memref_slice %arg9[%dma_wait3A_221, %dma_wait3A_223, %dma_wait3A_224] : memref<2x128x128xf32, #tpu.memory_space<vmem>> -> memref<1x128x128xf32, #tpu.memory_space<vmem>>
    %dma_wait3A_226 = tpu.memref_squeeze %dma_wait3A_225 : memref<1x128x128xf32, #tpu.memory_space<vmem>> -> memref<128x128xf32, #tpu.memory_space<vmem>>
    %dma_wait3A_227 = arith.constant 0 : i32
    %dma_wait3A_228 = tpu.memref_slice %arg8[%dma_wait3A_222, %dma_wait3A_227] : memref<40x128xi32, #tpu.memory_space<vmem>> -> memref<1x128xi32, #tpu.memory_space<vmem>>
    %dma_wait3A_229 = tpu.memref_squeeze %dma_wait3A_228 : memref<1x128xi32, #tpu.memory_space<vmem>> -> memref<128xi32, #tpu.memory_space<vmem>>
    %dma_wait3A_230 = arith.constant 0 : i32
    %dma_wait3A_231 = arith.constant 0 : i32
    %dma_wait3A_232 = tpu.memref_slice %arg10[%dma_wait3A_230, %dma_wait3A_231] : memref<10112x128xf32, #tpu.memory_space<vmem_shared>> -> memref<10112x128xf32, #tpu.memory_space<vmem_shared>>
    tpu.wait_indirect_dma semaphore(%arg14 : memref<!tpu.dma_semaphore, #tpu.memory_space<semaphore_mem>>) src(%dma_wait3A_226 : memref<128x128xf32, #tpu.memory_space<vmem>>) dst(%dma_wait3A_232 : memref<10112x128xf32, #tpu.memory_space<vmem_shared>>)
    %barrier3A_233 = arith.constant 0 : index
    tpu.barrier barrier_id(%barrier3A_233)
    %add3A_234 = arith.constant 0 : i32
    %add3A_235 = arith.addi %mul3A_2, %add3A_234 : i32
    %run_scoped3A_236 = arith.constant 0 : i32
    "tpu.region"() ({
      %run_scoped3A_264 = tpu.sem_alloc : memref<!tpu.dma_semaphore, #tpu.memory_space<semaphore_mem>>
      %dma_start3A_265 = arith.constant 0 : i32
      %dma_start3A_266 = arith.constant 0 : i32
      %dma_start3A_267 = tpu.memref_slice %arg9[%run_scoped3A_236, %dma_start3A_265, %dma_start3A_266] : memref<2x128x128xf32, #tpu.memory_space<vmem>> -> memref<1x128x128xf32, #tpu.memory_space<vmem>>
      %dma_start3A_268 = tpu.memref_squeeze %dma_start3A_267 : memref<1x128x128xf32, #tpu.memory_space<vmem>> -> memref<128x128xf32, #tpu.memory_space<vmem>>
      %dma_start3A_269 = arith.constant 0 : i32
      %dma_start3A_270 = tpu.memref_slice %arg10[%add3A_235, %dma_start3A_269] : memref<10112x128xf32, #tpu.memory_space<vmem_shared>> -> memref<128x128xf32, #tpu.memory_space<vmem_shared>>
      %dma_start3A_271 = arith.constant 0 : i32
      %dma_start3A_272 = arith.constant 0 : i32
      %dma_start3A_273 = tpu.memref_slice %arg9[%run_scoped3A_236, %dma_start3A_271, %dma_start3A_272] : memref<2x128x128xf32, #tpu.memory_space<vmem>> -> memref<1x128x128xf32, #tpu.memory_space<vmem>>
      %dma_start3A_274 = tpu.memref_squeeze %dma_start3A_273 : memref<1x128x128xf32, #tpu.memory_space<vmem>> -> memref<128x128xf32, #tpu.memory_space<vmem>>
      %dma_start3A_275 = arith.constant 0 : i32
      %dma_start3A_276 = tpu.memref_slice %arg10[%add3A_235, %dma_start3A_275] : memref<10112x128xf32, #tpu.memory_space<vmem_shared>> -> memref<128x128xf32, #tpu.memory_space<vmem_shared>>
      tpu.enqueue_dma source(%dma_start3A_276 : memref<128x128xf32, #tpu.memory_space<vmem_shared>>) target(%dma_start3A_274 : memref<128x128xf32, #tpu.memory_space<vmem>>) target_semaphore(%run_scoped3A_264 : memref<!tpu.dma_semaphore, #tpu.memory_space<semaphore_mem>>)
      %dma_wait3A_277 = arith.constant 0 : i32
      %dma_wait3A_278 = arith.constant 0 : i32
      %dma_wait3A_279 = tpu.memref_slice %arg9[%run_scoped3A_236, %dma_wait3A_277, %dma_wait3A_278] : memref<2x128x128xf32, #tpu.memory_space<vmem>> -> memref<1x128x128xf32, #tpu.memory_space<vmem>>
      %dma_wait3A_280 = tpu.memref_squeeze %dma_wait3A_279 : memref<1x128x128xf32, #tpu.memory_space<vmem>> -> memref<128x128xf32, #tpu.memory_space<vmem>>
      %dma_wait3A_281 = arith.constant 0 : i32
      %dma_wait3A_282 = tpu.memref_slice %arg10[%add3A_235, %dma_wait3A_281] : memref<10112x128xf32, #tpu.memory_space<vmem_shared>> -> memref<128x128xf32, #tpu.memory_space<vmem_shared>>
      %dma_wait3A_283 = arith.constant 0 : i32
      %dma_wait3A_284 = arith.constant 0 : i32
      %dma_wait3A_285 = tpu.memref_slice %arg9[%run_scoped3A_236, %dma_wait3A_283, %dma_wait3A_284] : memref<2x128x128xf32, #tpu.memory_space<vmem>> -> memref<1x128x128xf32, #tpu.memory_space<vmem>>
      %dma_wait3A_286 = tpu.memref_squeeze %dma_wait3A_285 : memref<1x128x128xf32, #tpu.memory_space<vmem>> -> memref<128x128xf32, #tpu.memory_space<vmem>>
      %dma_wait3A_287 = arith.constant 0 : i32
      %dma_wait3A_288 = tpu.memref_slice %arg10[%add3A_235, %dma_wait3A_287] : memref<10112x128xf32, #tpu.memory_space<vmem_shared>> -> memref<128x128xf32, #tpu.memory_space<vmem_shared>>
      tpu.wait_dma2 semaphore(%run_scoped3A_264 : memref<!tpu.dma_semaphore, #tpu.memory_space<semaphore_mem>>) src(%dma_wait3A_288 : memref<128x128xf32, #tpu.memory_space<vmem_shared>>) dst(%dma_wait3A_286 : memref<128x128xf32, #tpu.memory_space<vmem>>)
      tpu.yield
    }) : () -> ()
    %add3A_237 = arith.constant 0 : i32
    %add3A_238 = arith.addi %mul3A_2, %add3A_237 : i32
    %run_scoped3A_239 = arith.constant 0 : i32
    "tpu.region"() ({
      %run_scoped3A_264 = tpu.sem_alloc : memref<!tpu.dma_semaphore, #tpu.memory_space<semaphore_mem>>
      %dma_start3A_265 = arith.constant 0 : i32
      %dma_start3A_266 = arith.constant 0 : i32
      %dma_start3A_267 = tpu.memref_slice %arg9[%run_scoped3A_239, %dma_start3A_265, %dma_start3A_266] : memref<2x128x128xf32, #tpu.memory_space<vmem>> -> memref<1x128x128xf32, #tpu.memory_space<vmem>>
      %dma_start3A_268 = tpu.memref_squeeze %dma_start3A_267 : memref<1x128x128xf32, #tpu.memory_space<vmem>> -> memref<128x128xf32, #tpu.memory_space<vmem>>
      %dma_start3A_269 = arith.constant 0 : i32
      %dma_start3A_270 = tpu.memref_slice %arg6[%arg0, %add3A_238, %dma_start3A_269] : memref<2x10112x128xf32, #tpu.memory_space<hbm>> -> memref<1x128x128xf32, #tpu.memory_space<hbm>>
      %dma_start3A_271 = tpu.memref_squeeze %dma_start3A_270 : memref<1x128x128xf32, #tpu.memory_space<hbm>> -> memref<128x128xf32, #tpu.memory_space<hbm>>
      %dma_start3A_272 = arith.constant 0 : i32
      %dma_start3A_273 = tpu.memref_slice %arg6[%arg0, %add3A_238, %dma_start3A_272] : memref<2x10112x128xf32, #tpu.memory_space<hbm>> -> memref<1x128x128xf32, #tpu.memory_space<hbm>>
      %dma_start3A_274 = tpu.memref_squeeze %dma_start3A_273 : memref<1x128x128xf32, #tpu.memory_space<hbm>> -> memref<128x128xf32, #tpu.memory_space<hbm>>
      %dma_start3A_275 = arith.constant 0 : i32
      %dma_start3A_276 = arith.constant 0 : i32
      %dma_start3A_277 = tpu.memref_slice %arg9[%run_scoped3A_239, %dma_start3A_275, %dma_start3A_276] : memref<2x128x128xf32, #tpu.memory_space<vmem>> -> memref<1x128x128xf32, #tpu.memory_space<vmem>>
      %dma_start3A_278 = tpu.memref_squeeze %dma_start3A_277 : memref<1x128x128xf32, #tpu.memory_space<vmem>> -> memref<128x128xf32, #tpu.memory_space<vmem>>
      tpu.enqueue_dma source(%dma_start3A_278 : memref<128x128xf32, #tpu.memory_space<vmem>>) target(%dma_start3A_274 : memref<128x128xf32, #tpu.memory_space<hbm>>) target_semaphore(%run_scoped3A_264 : memref<!tpu.dma_semaphore, #tpu.memory_space<semaphore_mem>>)
      %dma_wait3A_279 = arith.constant 0 : i32
      %dma_wait3A_280 = arith.constant 0 : i32
      %dma_wait3A_281 = tpu.memref_slice %arg9[%run_scoped3A_239, %dma_wait3A_279, %dma_wait3A_280] : memref<2x128x128xf32, #tpu.memory_space<vmem>> -> memref<1x128x128xf32, #tpu.memory_space<vmem>>
      %dma_wait3A_282 = tpu.memref_squeeze %dma_wait3A_281 : memref<1x128x128xf32, #tpu.memory_space<vmem>> -> memref<128x128xf32, #tpu.memory_space<vmem>>
      %dma_wait3A_283 = arith.constant 0 : i32
      %dma_wait3A_284 = tpu.memref_slice %arg6[%arg0, %add3A_238, %dma_wait3A_283] : memref<2x10112x128xf32, #tpu.memory_space<hbm>> -> memref<1x128x128xf32, #tpu.memory_space<hbm>>
      %dma_wait3A_285 = tpu.memref_squeeze %dma_wait3A_284 : memref<1x128x128xf32, #tpu.memory_space<hbm>> -> memref<128x128xf32, #tpu.memory_space<hbm>>
      %dma_wait3A_286 = arith.constant 0 : i32
      %dma_wait3A_287 = tpu.memref_slice %arg6[%arg0, %add3A_238, %dma_wait3A_286] : memref<2x10112x128xf32, #tpu.memory_space<hbm>> -> memref<1x128x128xf32, #tpu.memory_space<hbm>>
      %dma_wait3A_288 = tpu.memref_squeeze %dma_wait3A_287 : memref<1x128x128xf32, #tpu.memory_space<hbm>> -> memref<128x128xf32, #tpu.memory_space<hbm>>
      %dma_wait3A_289 = arith.constant 0 : i32
      %dma_wait3A_290 = arith.constant 0 : i32
      %dma_wait3A_291 = tpu.memref_slice %arg9[%run_scoped3A_239, %dma_wait3A_289, %dma_wait3A_290] : memref<2x128x128xf32, #tpu.memory_space<vmem>> -> memref<1x128x128xf32, #tpu.memory_space<vmem>>
      %dma_wait3A_292 = tpu.memref_squeeze %dma_wait3A_291 : memref<1x128x128xf32, #tpu.memory_space<vmem>> -> memref<128x128xf32, #tpu.memory_space<vmem>>
      tpu.wait_dma2 semaphore(%run_scoped3A_264 : memref<!tpu.dma_semaphore, #tpu.memory_space<semaphore_mem>>) src(%dma_wait3A_292 : memref<128x128xf32, #tpu.memory_space<vmem>>) dst(%dma_wait3A_288 : memref<128x128xf32, #tpu.memory_space<hbm>>)
      tpu.yield
    }) : () -> ()
    %add3A_240 = arith.constant 128 : i32
    %add3A_241 = arith.addi %mul3A_2, %add3A_240 : i32
    %run_scoped3A_242 = arith.constant 0 : i32
    "tpu.region"() ({
      %run_scoped3A_264 = tpu.sem_alloc : memref<!tpu.dma_semaphore, #tpu.memory_space<semaphore_mem>>
      %dma_start3A_265 = arith.constant 0 : i32
      %dma_start3A_266 = arith.constant 0 : i32
      %dma_start3A_267 = tpu.memref_slice %arg9[%run_scoped3A_242, %dma_start3A_265, %dma_start3A_266] : memref<2x128x128xf32, #tpu.memory_space<vmem>> -> memref<1x128x128xf32, #tpu.memory_space<vmem>>
      %dma_start3A_268 = tpu.memref_squeeze %dma_start3A_267 : memref<1x128x128xf32, #tpu.memory_space<vmem>> -> memref<128x128xf32, #tpu.memory_space<vmem>>
      %dma_start3A_269 = arith.constant 0 : i32
      %dma_start3A_270 = tpu.memref_slice %arg10[%add3A_241, %dma_start3A_269] : memref<10112x128xf32, #tpu.memory_space<vmem_shared>> -> memref<128x128xf32, #tpu.memory_space<vmem_shared>>
      %dma_start3A_271 = arith.constant 0 : i32
      %dma_start3A_272 = arith.constant 0 : i32
      %dma_start3A_273 = tpu.memref_slice %arg9[%run_scoped3A_242, %dma_start3A_271, %dma_start3A_272] : memref<2x128x128xf32, #tpu.memory_space<vmem>> -> memref<1x128x128xf32, #tpu.memory_space<vmem>>
      %dma_start3A_274 = tpu.memref_squeeze %dma_start3A_273 : memref<1x128x128xf32, #tpu.memory_space<vmem>> -> memref<128x128xf32, #tpu.memory_space<vmem>>
      %dma_start3A_275 = arith.constant 0 : i32
      %dma_start3A_276 = tpu.memref_slice %arg10[%add3A_241, %dma_start3A_275] : memref<10112x128xf32, #tpu.memory_space<vmem_shared>> -> memref<128x128xf32, #tpu.memory_space<vmem_shared>>
      tpu.enqueue_dma source(%dma_start3A_276 : memref<128x128xf32, #tpu.memory_space<vmem_shared>>) target(%dma_start3A_274 : memref<128x128xf32, #tpu.memory_space<vmem>>) target_semaphore(%run_scoped3A_264 : memref<!tpu.dma_semaphore, #tpu.memory_space<semaphore_mem>>)
      %dma_wait3A_277 = arith.constant 0 : i32
      %dma_wait3A_278 = arith.constant 0 : i32
      %dma_wait3A_279 = tpu.memref_slice %arg9[%run_scoped3A_242, %dma_wait3A_277, %dma_wait3A_278] : memref<2x128x128xf32, #tpu.memory_space<vmem>> -> memref<1x128x128xf32, #tpu.memory_space<vmem>>
      %dma_wait3A_280 = tpu.memref_squeeze %dma_wait3A_279 : memref<1x128x128xf32, #tpu.memory_space<vmem>> -> memref<128x128xf32, #tpu.memory_space<vmem>>
      %dma_wait3A_281 = arith.constant 0 : i32
      %dma_wait3A_282 = tpu.memref_slice %arg10[%add3A_241, %dma_wait3A_281] : memref<10112x128xf32, #tpu.memory_space<vmem_shared>> -> memref<128x128xf32, #tpu.memory_space<vmem_shared>>
      %dma_wait3A_283 = arith.constant 0 : i32
      %dma_wait3A_284 = arith.constant 0 : i32
      %dma_wait3A_285 = tpu.memref_slice %arg9[%run_scoped3A_242, %dma_wait3A_283, %dma_wait3A_284] : memref<2x128x128xf32, #tpu.memory_space<vmem>> -> memref<1x128x128xf32, #tpu.memory_space<vmem>>
      %dma_wait3A_286 = tpu.memref_squeeze %dma_wait3A_285 : memref<1x128x128xf32, #tpu.memory_space<vmem>> -> memref<128x128xf32, #tpu.memory_space<vmem>>
      %dma_wait3A_287 = arith.constant 0 : i32
      %dma_wait3A_288 = tpu.memref_slice %arg10[%add3A_241, %dma_wait3A_287] : memref<10112x128xf32, #tpu.memory_space<vmem_shared>> -> memref<128x128xf32, #tpu.memory_space<vmem_shared>>
      tpu.wait_dma2 semaphore(%run_scoped3A_264 : memref<!tpu.dma_semaphore, #tpu.memory_space<semaphore_mem>>) src(%dma_wait3A_288 : memref<128x128xf32, #tpu.memory_space<vmem_shared>>) dst(%dma_wait3A_286 : memref<128x128xf32, #tpu.memory_space<vmem>>)
      tpu.yield
    }) : () -> ()
    %add3A_243 = arith.constant 128 : i32
    %add3A_244 = arith.addi %mul3A_2, %add3A_243 : i32
    %run_scoped3A_245 = arith.constant 0 : i32
    "tpu.region"() ({
      %run_scoped3A_264 = tpu.sem_alloc : memref<!tpu.dma_semaphore, #tpu.memory_space<semaphore_mem>>
      %dma_start3A_265 = arith.constant 0 : i32
      %dma_start3A_266 = arith.constant 0 : i32
      %dma_start3A_267 = tpu.memref_slice %arg9[%run_scoped3A_245, %dma_start3A_265, %dma_start3A_266] : memref<2x128x128xf32, #tpu.memory_space<vmem>> -> memref<1x128x128xf32, #tpu.memory_space<vmem>>
      %dma_start3A_268 = tpu.memref_squeeze %dma_start3A_267 : memref<1x128x128xf32, #tpu.memory_space<vmem>> -> memref<128x128xf32, #tpu.memory_space<vmem>>
      %dma_start3A_269 = arith.constant 0 : i32
      %dma_start3A_270 = tpu.memref_slice %arg6[%arg0, %add3A_244, %dma_start3A_269] : memref<2x10112x128xf32, #tpu.memory_space<hbm>> -> memref<1x128x128xf32, #tpu.memory_space<hbm>>
      %dma_start3A_271 = tpu.memref_squeeze %dma_start3A_270 : memref<1x128x128xf32, #tpu.memory_space<hbm>> -> memref<128x128xf32, #tpu.memory_space<hbm>>
      %dma_start3A_272 = arith.constant 0 : i32
      %dma_start3A_273 = tpu.memref_slice %arg6[%arg0, %add3A_244, %dma_start3A_272] : memref<2x10112x128xf32, #tpu.memory_space<hbm>> -> memref<1x128x128xf32, #tpu.memory_space<hbm>>
      %dma_start3A_274 = tpu.memref_squeeze %dma_start3A_273 : memref<1x128x128xf32, #tpu.memory_space<hbm>> -> memref<128x128xf32, #tpu.memory_space<hbm>>
      %dma_start3A_275 = arith.constant 0 : i32
      %dma_start3A_276 = arith.constant 0 : i32
      %dma_start3A_277 = tpu.memref_slice %arg9[%run_scoped3A_245, %dma_start3A_275, %dma_start3A_276] : memref<2x128x128xf32, #tpu.memory_space<vmem>> -> memref<1x128x128xf32, #tpu.memory_space<vmem>>
      %dma_start3A_278 = tpu.memref_squeeze %dma_start3A_277 : memref<1x128x128xf32, #tpu.memory_space<vmem>> -> memref<128x128xf32, #tpu.memory_space<vmem>>
      tpu.enqueue_dma source(%dma_start3A_278 : memref<128x128xf32, #tpu.memory_space<vmem>>) target(%dma_start3A_274 : memref<128x128xf32, #tpu.memory_space<hbm>>) target_semaphore(%run_scoped3A_264 : memref<!tpu.dma_semaphore, #tpu.memory_space<semaphore_mem>>)
      %dma_wait3A_279 = arith.constant 0 : i32
      %dma_wait3A_280 = arith.constant 0 : i32
      %dma_wait3A_281 = tpu.memref_slice %arg9[%run_scoped3A_245, %dma_wait3A_279, %dma_wait3A_280] : memref<2x128x128xf32, #tpu.memory_space<vmem>> -> memref<1x128x128xf32, #tpu.memory_space<vmem>>
      %dma_wait3A_282 = tpu.memref_squeeze %dma_wait3A_281 : memref<1x128x128xf32, #tpu.memory_space<vmem>> -> memref<128x128xf32, #tpu.memory_space<vmem>>
      %dma_wait3A_283 = arith.constant 0 : i32
      %dma_wait3A_284 = tpu.memref_slice %arg6[%arg0, %add3A_244, %dma_wait3A_283] : memref<2x10112x128xf32, #tpu.memory_space<hbm>> -> memref<1x128x128xf32, #tpu.memory_space<hbm>>
      %dma_wait3A_285 = tpu.memref_squeeze %dma_wait3A_284 : memref<1x128x128xf32, #tpu.memory_space<hbm>> -> memref<128x128xf32, #tpu.memory_space<hbm>>
      %dma_wait3A_286 = arith.constant 0 : i32
      %dma_wait3A_287 = tpu.memref_slice %arg6[%arg0, %add3A_244, %dma_wait3A_286] : memref<2x10112x128xf32, #tpu.memory_space<hbm>> -> memref<1x128x128xf32, #tpu.memory_space<hbm>>
      %dma_wait3A_288 = tpu.memref_squeeze %dma_wait3A_287 : memref<1x128x128xf32, #tpu.memory_space<hbm>> -> memref<128x128xf32, #tpu.memory_space<hbm>>
      %dma_wait3A_289 = arith.constant 0 : i32
      %dma_wait3A_290 = arith.constant 0 : i32
      %dma_wait3A_291 = tpu.memref_slice %arg9[%run_scoped3A_245, %dma_wait3A_289, %dma_wait3A_290] : memref<2x128x128xf32, #tpu.memory_space<vmem>> -> memref<1x128x128xf32, #tpu.memory_space<vmem>>
      %dma_wait3A_292 = tpu.memref_squeeze %dma_wait3A_291 : memref<1x128x128xf32, #tpu.memory_space<vmem>> -> memref<128x128xf32, #tpu.memory_space<vmem>>
      tpu.wait_dma2 semaphore(%run_scoped3A_264 : memref<!tpu.dma_semaphore, #tpu.memory_space<semaphore_mem>>) src(%dma_wait3A_292 : memref<128x128xf32, #tpu.memory_space<vmem>>) dst(%dma_wait3A_288 : memref<128x128xf32, #tpu.memory_space<hbm>>)
      tpu.yield
    }) : () -> ()
    %add3A_246 = arith.constant 256 : i32
    %add3A_247 = arith.addi %mul3A_2, %add3A_246 : i32
    %run_scoped3A_248 = arith.constant 0 : i32
    "tpu.region"() ({
      %run_scoped3A_264 = tpu.sem_alloc : memref<!tpu.dma_semaphore, #tpu.memory_space<semaphore_mem>>
      %dma_start3A_265 = arith.constant 0 : i32
      %dma_start3A_266 = arith.constant 0 : i32
      %dma_start3A_267 = tpu.memref_slice %arg9[%run_scoped3A_248, %dma_start3A_265, %dma_start3A_266] : memref<2x128x128xf32, #tpu.memory_space<vmem>> -> memref<1x128x128xf32, #tpu.memory_space<vmem>>
      %dma_start3A_268 = tpu.memref_squeeze %dma_start3A_267 : memref<1x128x128xf32, #tpu.memory_space<vmem>> -> memref<128x128xf32, #tpu.memory_space<vmem>>
      %dma_start3A_269 = arith.constant 0 : i32
      %dma_start3A_270 = tpu.memref_slice %arg10[%add3A_247, %dma_start3A_269] : memref<10112x128xf32, #tpu.memory_space<vmem_shared>> -> memref<128x128xf32, #tpu.memory_space<vmem_shared>>
      %dma_start3A_271 = arith.constant 0 : i32
      %dma_start3A_272 = arith.constant 0 : i32
      %dma_start3A_273 = tpu.memref_slice %arg9[%run_scoped3A_248, %dma_start3A_271, %dma_start3A_272] : memref<2x128x128xf32, #tpu.memory_space<vmem>> -> memref<1x128x128xf32, #tpu.memory_space<vmem>>
      %dma_start3A_274 = tpu.memref_squeeze %dma_start3A_273 : memref<1x128x128xf32, #tpu.memory_space<vmem>> -> memref<128x128xf32, #tpu.memory_space<vmem>>
      %dma_start3A_275 = arith.constant 0 : i32
      %dma_start3A_276 = tpu.memref_slice %arg10[%add3A_247, %dma_start3A_275] : memref<10112x128xf32, #tpu.memory_space<vmem_shared>> -> memref<128x128xf32, #tpu.memory_space<vmem_shared>>
      tpu.enqueue_dma source(%dma_start3A_276 : memref<128x128xf32, #tpu.memory_space<vmem_shared>>) target(%dma_start3A_274 : memref<128x128xf32, #tpu.memory_space<vmem>>) target_semaphore(%run_scoped3A_264 : memref<!tpu.dma_semaphore, #tpu.memory_space<semaphore_mem>>)
      %dma_wait3A_277 = arith.constant 0 : i32
      %dma_wait3A_278 = arith.constant 0 : i32
      %dma_wait3A_279 = tpu.memref_slice %arg9[%run_scoped3A_248, %dma_wait3A_277, %dma_wait3A_278] : memref<2x128x128xf32, #tpu.memory_space<vmem>> -> memref<1x128x128xf32, #tpu.memory_space<vmem>>
      %dma_wait3A_280 = tpu.memref_squeeze %dma_wait3A_279 : memref<1x128x128xf32, #tpu.memory_space<vmem>> -> memref<128x128xf32, #tpu.memory_space<vmem>>
      %dma_wait3A_281 = arith.constant 0 : i32
      %dma_wait3A_282 = tpu.memref_slice %arg10[%add3A_247, %dma_wait3A_281] : memref<10112x128xf32, #tpu.memory_space<vmem_shared>> -> memref<128x128xf32, #tpu.memory_space<vmem_shared>>
      %dma_wait3A_283 = arith.constant 0 : i32
      %dma_wait3A_284 = arith.constant 0 : i32
      %dma_wait3A_285 = tpu.memref_slice %arg9[%run_scoped3A_248, %dma_wait3A_283, %dma_wait3A_284] : memref<2x128x128xf32, #tpu.memory_space<vmem>> -> memref<1x128x128xf32, #tpu.memory_space<vmem>>
      %dma_wait3A_286 = tpu.memref_squeeze %dma_wait3A_285 : memref<1x128x128xf32, #tpu.memory_space<vmem>> -> memref<128x128xf32, #tpu.memory_space<vmem>>
      %dma_wait3A_287 = arith.constant 0 : i32
      %dma_wait3A_288 = tpu.memref_slice %arg10[%add3A_247, %dma_wait3A_287] : memref<10112x128xf32, #tpu.memory_space<vmem_shared>> -> memref<128x128xf32, #tpu.memory_space<vmem_shared>>
      tpu.wait_dma2 semaphore(%run_scoped3A_264 : memref<!tpu.dma_semaphore, #tpu.memory_space<semaphore_mem>>) src(%dma_wait3A_288 : memref<128x128xf32, #tpu.memory_space<vmem_shared>>) dst(%dma_wait3A_286 : memref<128x128xf32, #tpu.memory_space<vmem>>)
      tpu.yield
    }) : () -> ()
    %add3A_249 = arith.constant 256 : i32
    %add3A_250 = arith.addi %mul3A_2, %add3A_249 : i32
    %run_scoped3A_251 = arith.constant 0 : i32
    "tpu.region"() ({
      %run_scoped3A_264 = tpu.sem_alloc : memref<!tpu.dma_semaphore, #tpu.memory_space<semaphore_mem>>
      %dma_start3A_265 = arith.constant 0 : i32
      %dma_start3A_266 = arith.constant 0 : i32
      %dma_start3A_267 = tpu.memref_slice %arg9[%run_scoped3A_251, %dma_start3A_265, %dma_start3A_266] : memref<2x128x128xf32, #tpu.memory_space<vmem>> -> memref<1x128x128xf32, #tpu.memory_space<vmem>>
      %dma_start3A_268 = tpu.memref_squeeze %dma_start3A_267 : memref<1x128x128xf32, #tpu.memory_space<vmem>> -> memref<128x128xf32, #tpu.memory_space<vmem>>
      %dma_start3A_269 = arith.constant 0 : i32
      %dma_start3A_270 = tpu.memref_slice %arg6[%arg0, %add3A_250, %dma_start3A_269] : memref<2x10112x128xf32, #tpu.memory_space<hbm>> -> memref<1x128x128xf32, #tpu.memory_space<hbm>>
      %dma_start3A_271 = tpu.memref_squeeze %dma_start3A_270 : memref<1x128x128xf32, #tpu.memory_space<hbm>> -> memref<128x128xf32, #tpu.memory_space<hbm>>
      %dma_start3A_272 = arith.constant 0 : i32
      %dma_start3A_273 = tpu.memref_slice %arg6[%arg0, %add3A_250, %dma_start3A_272] : memref<2x10112x128xf32, #tpu.memory_space<hbm>> -> memref<1x128x128xf32, #tpu.memory_space<hbm>>
      %dma_start3A_274 = tpu.memref_squeeze %dma_start3A_273 : memref<1x128x128xf32, #tpu.memory_space<hbm>> -> memref<128x128xf32, #tpu.memory_space<hbm>>
      %dma_start3A_275 = arith.constant 0 : i32
      %dma_start3A_276 = arith.constant 0 : i32
      %dma_start3A_277 = tpu.memref_slice %arg9[%run_scoped3A_251, %dma_start3A_275, %dma_start3A_276] : memref<2x128x128xf32, #tpu.memory_space<vmem>> -> memref<1x128x128xf32, #tpu.memory_space<vmem>>
      %dma_start3A_278 = tpu.memref_squeeze %dma_start3A_277 : memref<1x128x128xf32, #tpu.memory_space<vmem>> -> memref<128x128xf32, #tpu.memory_space<vmem>>
      tpu.enqueue_dma source(%dma_start3A_278 : memref<128x128xf32, #tpu.memory_space<vmem>>) target(%dma_start3A_274 : memref<128x128xf32, #tpu.memory_space<hbm>>) target_semaphore(%run_scoped3A_264 : memref<!tpu.dma_semaphore, #tpu.memory_space<semaphore_mem>>)
      %dma_wait3A_279 = arith.constant 0 : i32
      %dma_wait3A_280 = arith.constant 0 : i32
      %dma_wait3A_281 = tpu.memref_slice %arg9[%run_scoped3A_251, %dma_wait3A_279, %dma_wait3A_280] : memref<2x128x128xf32, #tpu.memory_space<vmem>> -> memref<1x128x128xf32, #tpu.memory_space<vmem>>
      %dma_wait3A_282 = tpu.memref_squeeze %dma_wait3A_281 : memref<1x128x128xf32, #tpu.memory_space<vmem>> -> memref<128x128xf32, #tpu.memory_space<vmem>>
      %dma_wait3A_283 = arith.constant 0 : i32
      %dma_wait3A_284 = tpu.memref_slice %arg6[%arg0, %add3A_250, %dma_wait3A_283] : memref<2x10112x128xf32, #tpu.memory_space<hbm>> -> memref<1x128x128xf32, #tpu.memory_space<hbm>>
      %dma_wait3A_285 = tpu.memref_squeeze %dma_wait3A_284 : memref<1x128x128xf32, #tpu.memory_space<hbm>> -> memref<128x128xf32, #tpu.memory_space<hbm>>
      %dma_wait3A_286 = arith.constant 0 : i32
      %dma_wait3A_287 = tpu.memref_slice %arg6[%arg0, %add3A_250, %dma_wait3A_286] : memref<2x10112x128xf32, #tpu.memory_space<hbm>> -> memref<1x128x128xf32, #tpu.memory_space<hbm>>
      %dma_wait3A_288 = tpu.memref_squeeze %dma_wait3A_287 : memref<1x128x128xf32, #tpu.memory_space<hbm>> -> memref<128x128xf32, #tpu.memory_space<hbm>>
      %dma_wait3A_289 = arith.constant 0 : i32
      %dma_wait3A_290 = arith.constant 0 : i32
      %dma_wait3A_291 = tpu.memref_slice %arg9[%run_scoped3A_251, %dma_wait3A_289, %dma_wait3A_290] : memref<2x128x128xf32, #tpu.memory_space<vmem>> -> memref<1x128x128xf32, #tpu.memory_space<vmem>>
      %dma_wait3A_292 = tpu.memref_squeeze %dma_wait3A_291 : memref<1x128x128xf32, #tpu.memory_space<vmem>> -> memref<128x128xf32, #tpu.memory_space<vmem>>
      tpu.wait_dma2 semaphore(%run_scoped3A_264 : memref<!tpu.dma_semaphore, #tpu.memory_space<semaphore_mem>>) src(%dma_wait3A_292 : memref<128x128xf32, #tpu.memory_space<vmem>>) dst(%dma_wait3A_288 : memref<128x128xf32, #tpu.memory_space<hbm>>)
      tpu.yield
    }) : () -> ()
    %add3A_252 = arith.constant 384 : i32
    %add3A_253 = arith.addi %mul3A_2, %add3A_252 : i32
    %run_scoped3A_254 = arith.constant 0 : i32
    "tpu.region"() ({
      %run_scoped3A_264 = tpu.sem_alloc : memref<!tpu.dma_semaphore, #tpu.memory_space<semaphore_mem>>
      %dma_start3A_265 = arith.constant 0 : i32
      %dma_start3A_266 = arith.constant 0 : i32
      %dma_start3A_267 = tpu.memref_slice %arg9[%run_scoped3A_254, %dma_start3A_265, %dma_start3A_266] : memref<2x128x128xf32, #tpu.memory_space<vmem>> -> memref<1x128x128xf32, #tpu.memory_space<vmem>>
      %dma_start3A_268 = tpu.memref_squeeze %dma_start3A_267 : memref<1x128x128xf32, #tpu.memory_space<vmem>> -> memref<128x128xf32, #tpu.memory_space<vmem>>
      %dma_start3A_269 = arith.constant 0 : i32
      %dma_start3A_270 = tpu.memref_slice %arg10[%add3A_253, %dma_start3A_269] : memref<10112x128xf32, #tpu.memory_space<vmem_shared>> -> memref<128x128xf32, #tpu.memory_space<vmem_shared>>
      %dma_start3A_271 = arith.constant 0 : i32
      %dma_start3A_272 = arith.constant 0 : i32
      %dma_start3A_273 = tpu.memref_slice %arg9[%run_scoped3A_254, %dma_start3A_271, %dma_start3A_272] : memref<2x128x128xf32, #tpu.memory_space<vmem>> -> memref<1x128x128xf32, #tpu.memory_space<vmem>>
      %dma_start3A_274 = tpu.memref_squeeze %dma_start3A_273 : memref<1x128x128xf32, #tpu.memory_space<vmem>> -> memref<128x128xf32, #tpu.memory_space<vmem>>
      %dma_start3A_275 = arith.constant 0 : i32
      %dma_start3A_276 = tpu.memref_slice %arg10[%add3A_253, %dma_start3A_275] : memref<10112x128xf32, #tpu.memory_space<vmem_shared>> -> memref<128x128xf32, #tpu.memory_space<vmem_shared>>
      tpu.enqueue_dma source(%dma_start3A_276 : memref<128x128xf32, #tpu.memory_space<vmem_shared>>) target(%dma_start3A_274 : memref<128x128xf32, #tpu.memory_space<vmem>>) target_semaphore(%run_scoped3A_264 : memref<!tpu.dma_semaphore, #tpu.memory_space<semaphore_mem>>)
      %dma_wait3A_277 = arith.constant 0 : i32
      %dma_wait3A_278 = arith.constant 0 : i32
      %dma_wait3A_279 = tpu.memref_slice %arg9[%run_scoped3A_254, %dma_wait3A_277, %dma_wait3A_278] : memref<2x128x128xf32, #tpu.memory_space<vmem>> -> memref<1x128x128xf32, #tpu.memory_space<vmem>>
      %dma_wait3A_280 = tpu.memref_squeeze %dma_wait3A_279 : memref<1x128x128xf32, #tpu.memory_space<vmem>> -> memref<128x128xf32, #tpu.memory_space<vmem>>
      %dma_wait3A_281 = arith.constant 0 : i32
      %dma_wait3A_282 = tpu.memref_slice %arg10[%add3A_253, %dma_wait3A_281] : memref<10112x128xf32, #tpu.memory_space<vmem_shared>> -> memref<128x128xf32, #tpu.memory_space<vmem_shared>>
      %dma_wait3A_283 = arith.constant 0 : i32
      %dma_wait3A_284 = arith.constant 0 : i32
      %dma_wait3A_285 = tpu.memref_slice %arg9[%run_scoped3A_254, %dma_wait3A_283, %dma_wait3A_284] : memref<2x128x128xf32, #tpu.memory_space<vmem>> -> memref<1x128x128xf32, #tpu.memory_space<vmem>>
      %dma_wait3A_286 = tpu.memref_squeeze %dma_wait3A_285 : memref<1x128x128xf32, #tpu.memory_space<vmem>> -> memref<128x128xf32, #tpu.memory_space<vmem>>
      %dma_wait3A_287 = arith.constant 0 : i32
      %dma_wait3A_288 = tpu.memref_slice %arg10[%add3A_253, %dma_wait3A_287] : memref<10112x128xf32, #tpu.memory_space<vmem_shared>> -> memref<128x128xf32, #tpu.memory_space<vmem_shared>>
      tpu.wait_dma2 semaphore(%run_scoped3A_264 : memref<!tpu.dma_semaphore, #tpu.memory_space<semaphore_mem>>) src(%dma_wait3A_288 : memref<128x128xf32, #tpu.memory_space<vmem_shared>>) dst(%dma_wait3A_286 : memref<128x128xf32, #tpu.memory_space<vmem>>)
      tpu.yield
    }) : () -> ()
    %add3A_255 = arith.constant 384 : i32
    %add3A_256 = arith.addi %mul3A_2, %add3A_255 : i32
    %run_scoped3A_257 = arith.constant 0 : i32
    "tpu.region"() ({
      %run_scoped3A_264 = tpu.sem_alloc : memref<!tpu.dma_semaphore, #tpu.memory_space<semaphore_mem>>
      %dma_start3A_265 = arith.constant 0 : i32
      %dma_start3A_266 = arith.constant 0 : i32
      %dma_start3A_267 = tpu.memref_slice %arg9[%run_scoped3A_257, %dma_start3A_265, %dma_start3A_266] : memref<2x128x128xf32, #tpu.memory_space<vmem>> -> memref<1x128x128xf32, #tpu.memory_space<vmem>>
      %dma_start3A_268 = tpu.memref_squeeze %dma_start3A_267 : memref<1x128x128xf32, #tpu.memory_space<vmem>> -> memref<128x128xf32, #tpu.memory_space<vmem>>
      %dma_start3A_269 = arith.constant 0 : i32
      %dma_start3A_270 = tpu.memref_slice %arg6[%arg0, %add3A_256, %dma_start3A_269] : memref<2x10112x128xf32, #tpu.memory_space<hbm>> -> memref<1x128x128xf32, #tpu.memory_space<hbm>>
      %dma_start3A_271 = tpu.memref_squeeze %dma_start3A_270 : memref<1x128x128xf32, #tpu.memory_space<hbm>> -> memref<128x128xf32, #tpu.memory_space<hbm>>
      %dma_start3A_272 = arith.constant 0 : i32
      %dma_start3A_273 = tpu.memref_slice %arg6[%arg0, %add3A_256, %dma_start3A_272] : memref<2x10112x128xf32, #tpu.memory_space<hbm>> -> memref<1x128x128xf32, #tpu.memory_space<hbm>>
      %dma_start3A_274 = tpu.memref_squeeze %dma_start3A_273 : memref<1x128x128xf32, #tpu.memory_space<hbm>> -> memref<128x128xf32, #tpu.memory_space<hbm>>
      %dma_start3A_275 = arith.constant 0 : i32
      %dma_start3A_276 = arith.constant 0 : i32
      %dma_start3A_277 = tpu.memref_slice %arg9[%run_scoped3A_257, %dma_start3A_275, %dma_start3A_276] : memref<2x128x128xf32, #tpu.memory_space<vmem>> -> memref<1x128x128xf32, #tpu.memory_space<vmem>>
      %dma_start3A_278 = tpu.memref_squeeze %dma_start3A_277 : memref<1x128x128xf32, #tpu.memory_space<vmem>> -> memref<128x128xf32, #tpu.memory_space<vmem>>
      tpu.enqueue_dma source(%dma_start3A_278 : memref<128x128xf32, #tpu.memory_space<vmem>>) target(%dma_start3A_274 : memref<128x128xf32, #tpu.memory_space<hbm>>) target_semaphore(%run_scoped3A_264 : memref<!tpu.dma_semaphore, #tpu.memory_space<semaphore_mem>>)
      %dma_wait3A_279 = arith.constant 0 : i32
      %dma_wait3A_280 = arith.constant 0 : i32
      %dma_wait3A_281 = tpu.memref_slice %arg9[%run_scoped3A_257, %dma_wait3A_279, %dma_wait3A_280] : memref<2x128x128xf32, #tpu.memory_space<vmem>> -> memref<1x128x128xf32, #tpu.memory_space<vmem>>
      %dma_wait3A_282 = tpu.memref_squeeze %dma_wait3A_281 : memref<1x128x128xf32, #tpu.memory_space<vmem>> -> memref<128x128xf32, #tpu.memory_space<vmem>>
      %dma_wait3A_283 = arith.constant 0 : i32
      %dma_wait3A_284 = tpu.memref_slice %arg6[%arg0, %add3A_256, %dma_wait3A_283] : memref<2x10112x128xf32, #tpu.memory_space<hbm>> -> memref<1x128x128xf32, #tpu.memory_space<hbm>>
      %dma_wait3A_285 = tpu.memref_squeeze %dma_wait3A_284 : memref<1x128x128xf32, #tpu.memory_space<hbm>> -> memref<128x128xf32, #tpu.memory_space<hbm>>
      %dma_wait3A_286 = arith.constant 0 : i32
      %dma_wait3A_287 = tpu.memref_slice %arg6[%arg0, %add3A_256, %dma_wait3A_286] : memref<2x10112x128xf32, #tpu.memory_space<hbm>> -> memref<1x128x128xf32, #tpu.memory_space<hbm>>
      %dma_wait3A_288 = tpu.memref_squeeze %dma_wait3A_287 : memref<1x128x128xf32, #tpu.memory_space<hbm>> -> memref<128x128xf32, #tpu.memory_space<hbm>>
      %dma_wait3A_289 = arith.constant 0 : i32
      %dma_wait3A_290 = arith.constant 0 : i32
      %dma_wait3A_291 = tpu.memref_slice %arg9[%run_scoped3A_257, %dma_wait3A_289, %dma_wait3A_290] : memref<2x128x128xf32, #tpu.memory_space<vmem>> -> memref<1x128x128xf32, #tpu.memory_space<vmem>>
      %dma_wait3A_292 = tpu.memref_squeeze %dma_wait3A_291 : memref<1x128x128xf32, #tpu.memory_space<vmem>> -> memref<128x128xf32, #tpu.memory_space<vmem>>
      tpu.wait_dma2 semaphore(%run_scoped3A_264 : memref<!tpu.dma_semaphore, #tpu.memory_space<semaphore_mem>>) src(%dma_wait3A_292 : memref<128x128xf32, #tpu.memory_space<vmem>>) dst(%dma_wait3A_288 : memref<128x128xf32, #tpu.memory_space<hbm>>)
      tpu.yield
    }) : () -> ()
    %add3A_258 = arith.constant 512 : i32
    %add3A_259 = arith.addi %mul3A_2, %add3A_258 : i32
    %run_scoped3A_260 = arith.constant 0 : i32
    "tpu.region"() ({
      %run_scoped3A_264 = tpu.sem_alloc : memref<!tpu.dma_semaphore, #tpu.memory_space<semaphore_mem>>
      %dma_start3A_265 = arith.constant 0 : i32
      %dma_start3A_266 = arith.constant 0 : i32
      %dma_start3A_267 = tpu.memref_slice %arg9[%run_scoped3A_260, %dma_start3A_265, %dma_start3A_266] : memref<2x128x128xf32, #tpu.memory_space<vmem>> -> memref<1x120x128xf32, #tpu.memory_space<vmem>>
      %dma_start3A_268 = tpu.memref_squeeze %dma_start3A_267 : memref<1x120x128xf32, #tpu.memory_space<vmem>> -> memref<120x128xf32, #tpu.memory_space<vmem>>
      %dma_start3A_269 = arith.constant 0 : i32
      %dma_start3A_270 = tpu.memref_slice %arg10[%add3A_259, %dma_start3A_269] : memref<10112x128xf32, #tpu.memory_space<vmem_shared>> -> memref<120x128xf32, #tpu.memory_space<vmem_shared>>
      %dma_start3A_271 = arith.constant 0 : i32
      %dma_start3A_272 = arith.constant 0 : i32
      %dma_start3A_273 = tpu.memref_slice %arg9[%run_scoped3A_260, %dma_start3A_271, %dma_start3A_272] : memref<2x128x128xf32, #tpu.memory_space<vmem>> -> memref<1x120x128xf32, #tpu.memory_space<vmem>>
      %dma_start3A_274 = tpu.memref_squeeze %dma_start3A_273 : memref<1x120x128xf32, #tpu.memory_space<vmem>> -> memref<120x128xf32, #tpu.memory_space<vmem>>
      %dma_start3A_275 = arith.constant 0 : i32
      %dma_start3A_276 = tpu.memref_slice %arg10[%add3A_259, %dma_start3A_275] : memref<10112x128xf32, #tpu.memory_space<vmem_shared>> -> memref<120x128xf32, #tpu.memory_space<vmem_shared>>
      tpu.enqueue_dma source(%dma_start3A_276 : memref<120x128xf32, #tpu.memory_space<vmem_shared>>) target(%dma_start3A_274 : memref<120x128xf32, #tpu.memory_space<vmem>>) target_semaphore(%run_scoped3A_264 : memref<!tpu.dma_semaphore, #tpu.memory_space<semaphore_mem>>)
      %dma_wait3A_277 = arith.constant 0 : i32
      %dma_wait3A_278 = arith.constant 0 : i32
      %dma_wait3A_279 = tpu.memref_slice %arg9[%run_scoped3A_260, %dma_wait3A_277, %dma_wait3A_278] : memref<2x128x128xf32, #tpu.memory_space<vmem>> -> memref<1x120x128xf32, #tpu.memory_space<vmem>>
      %dma_wait3A_280 = tpu.memref_squeeze %dma_wait3A_279 : memref<1x120x128xf32, #tpu.memory_space<vmem>> -> memref<120x128xf32, #tpu.memory_space<vmem>>
      %dma_wait3A_281 = arith.constant 0 : i32
      %dma_wait3A_282 = tpu.memref_slice %arg10[%add3A_259, %dma_wait3A_281] : memref<10112x128xf32, #tpu.memory_space<vmem_shared>> -> memref<120x128xf32, #tpu.memory_space<vmem_shared>>
      %dma_wait3A_283 = arith.constant 0 : i32
      %dma_wait3A_284 = arith.constant 0 : i32
      %dma_wait3A_285 = tpu.memref_slice %arg9[%run_scoped3A_260, %dma_wait3A_283, %dma_wait3A_284] : memref<2x128x128xf32, #tpu.memory_space<vmem>> -> memref<1x120x128xf32, #tpu.memory_space<vmem>>
      %dma_wait3A_286 = tpu.memref_squeeze %dma_wait3A_285 : memref<1x120x128xf32, #tpu.memory_space<vmem>> -> memref<120x128xf32, #tpu.memory_space<vmem>>
      %dma_wait3A_287 = arith.constant 0 : i32
      %dma_wait3A_288 = tpu.memref_slice %arg10[%add3A_259, %dma_wait3A_287] : memref<10112x128xf32, #tpu.memory_space<vmem_shared>> -> memref<120x128xf32, #tpu.memory_space<vmem_shared>>
      tpu.wait_dma2 semaphore(%run_scoped3A_264 : memref<!tpu.dma_semaphore, #tpu.memory_space<semaphore_mem>>) src(%dma_wait3A_288 : memref<120x128xf32, #tpu.memory_space<vmem_shared>>) dst(%dma_wait3A_286 : memref<120x128xf32, #tpu.memory_space<vmem>>)
      tpu.yield
    }) : () -> ()
    %add3A_261 = arith.constant 512 : i32
    %add3A_262 = arith.addi %mul3A_2, %add3A_261 : i32
    %run_scoped3A_263 = arith.constant 0 : i32
    "tpu.region"() ({
      %run_scoped3A_264 = tpu.sem_alloc : memref<!tpu.dma_semaphore, #tpu.memory_space<semaphore_mem>>
      %dma_start3A_265 = arith.constant 0 : i32
      %dma_start3A_266 = arith.constant 0 : i32
      %dma_start3A_267 = tpu.memref_slice %arg9[%run_scoped3A_263, %dma_start3A_265, %dma_start3A_266] : memref<2x128x128xf32, #tpu.memory_space<vmem>> -> memref<1x120x128xf32, #tpu.memory_space<vmem>>
      %dma_start3A_268 = tpu.memref_squeeze %dma_start3A_267 : memref<1x120x128xf32, #tpu.memory_space<vmem>> -> memref<120x128xf32, #tpu.memory_space<vmem>>
      %dma_start3A_269 = arith.constant 0 : i32
      %dma_start3A_270 = tpu.memref_slice %arg6[%arg0, %add3A_262, %dma_start3A_269] : memref<2x10112x128xf32, #tpu.memory_space<hbm>> -> memref<1x120x128xf32, #tpu.memory_space<hbm>>
      %dma_start3A_271 = tpu.memref_squeeze %dma_start3A_270 : memref<1x120x128xf32, #tpu.memory_space<hbm>> -> memref<120x128xf32, #tpu.memory_space<hbm>>
      %dma_start3A_272 = arith.constant 0 : i32
      %dma_start3A_273 = tpu.memref_slice %arg6[%arg0, %add3A_262, %dma_start3A_272] : memref<2x10112x128xf32, #tpu.memory_space<hbm>> -> memref<1x120x128xf32, #tpu.memory_space<hbm>>
      %dma_start3A_274 = tpu.memref_squeeze %dma_start3A_273 : memref<1x120x128xf32, #tpu.memory_space<hbm>> -> memref<120x128xf32, #tpu.memory_space<hbm>>
      %dma_start3A_275 = arith.constant 0 : i32
      %dma_start3A_276 = arith.constant 0 : i32
      %dma_start3A_277 = tpu.memref_slice %arg9[%run_scoped3A_263, %dma_start3A_275, %dma_start3A_276] : memref<2x128x128xf32, #tpu.memory_space<vmem>> -> memref<1x120x128xf32, #tpu.memory_space<vmem>>
      %dma_start3A_278 = tpu.memref_squeeze %dma_start3A_277 : memref<1x120x128xf32, #tpu.memory_space<vmem>> -> memref<120x128xf32, #tpu.memory_space<vmem>>
      tpu.enqueue_dma source(%dma_start3A_278 : memref<120x128xf32, #tpu.memory_space<vmem>>) target(%dma_start3A_274 : memref<120x128xf32, #tpu.memory_space<hbm>>) target_semaphore(%run_scoped3A_264 : memref<!tpu.dma_semaphore, #tpu.memory_space<semaphore_mem>>)
      %dma_wait3A_279 = arith.constant 0 : i32
      %dma_wait3A_280 = arith.constant 0 : i32
      %dma_wait3A_281 = tpu.memref_slice %arg9[%run_scoped3A_263, %dma_wait3A_279, %dma_wait3A_280] : memref<2x128x128xf32, #tpu.memory_space<vmem>> -> memref<1x120x128xf32, #tpu.memory_space<vmem>>
      %dma_wait3A_282 = tpu.memref_squeeze %dma_wait3A_281 : memref<1x120x128xf32, #tpu.memory_space<vmem>> -> memref<120x128xf32, #tpu.memory_space<vmem>>
      %dma_wait3A_283 = arith.constant 0 : i32
      %dma_wait3A_284 = tpu.memref_slice %arg6[%arg0, %add3A_262, %dma_wait3A_283] : memref<2x10112x128xf32, #tpu.memory_space<hbm>> -> memref<1x120x128xf32, #tpu.memory_space<hbm>>
      %dma_wait3A_285 = tpu.memref_squeeze %dma_wait3A_284 : memref<1x120x128xf32, #tpu.memory_space<hbm>> -> memref<120x128xf32, #tpu.memory_space<hbm>>
      %dma_wait3A_286 = arith.constant 0 : i32
      %dma_wait3A_287 = tpu.memref_slice %arg6[%arg0, %add3A_262, %dma_wait3A_286] : memref<2x10112x128xf32, #tpu.memory_space<hbm>> -> memref<1x120x128xf32, #tpu.memory_space<hbm>>
      %dma_wait3A_288 = tpu.memref_squeeze %dma_wait3A_287 : memref<1x120x128xf32, #tpu.memory_space<hbm>> -> memref<120x128xf32, #tpu.memory_space<hbm>>
      %dma_wait3A_289 = arith.constant 0 : i32
      %dma_wait3A_290 = arith.constant 0 : i32
      %dma_wait3A_291 = tpu.memref_slice %arg9[%run_scoped3A_263, %dma_wait3A_289, %dma_wait3A_290] : memref<2x128x128xf32, #tpu.memory_space<vmem>> -> memref<1x120x128xf32, #tpu.memory_space<vmem>>
      %dma_wait3A_292 = tpu.memref_squeeze %dma_wait3A_291 : memref<1x120x128xf32, #tpu.memory_space<vmem>> -> memref<120x128xf32, #tpu.memory_space<vmem>>
      tpu.wait_dma2 semaphore(%run_scoped3A_264 : memref<!tpu.dma_semaphore, #tpu.memory_space<semaphore_mem>>) src(%dma_wait3A_292 : memref<120x128xf32, #tpu.memory_space<vmem>>) dst(%dma_wait3A_288 : memref<120x128xf32, #tpu.memory_space<hbm>>)
      tpu.yield
    }) : () -> ()
    return
  }
}

#map = affine_map<(d0, d1) -> (0, 0, 0)>
#map1 = affine_map<(d0, d1) -> (0)>
module attributes {stable_mosaic.version = 14 : i64} {
  func.func @_degree_kernel(%arg0: i32, %arg1: i32, %arg2: memref<32x80x128xi32, #tpu.memory_space<hbm>>, %arg3: memref<32x80x128xi32, #tpu.memory_space<hbm>>, %arg4: memref<128xf32, #tpu.memory_space<hbm>>, %arg5: memref<10112xf32, #tpu.memory_space<hbm>>, %arg6: memref<20224xf32, #tpu.memory_space<hbm>>, %arg7: memref<20224xf32, #tpu.memory_space<hbm>>, %arg8: memref<80x128xi32, #tpu.memory_space<vmem>>, %arg9: memref<80x128xi32, #tpu.memory_space<vmem>>, %arg10: memref<128xf32, #tpu.memory_space<vmem>>, %arg11: memref<632xf32, #tpu.memory_space<vmem>>, %arg12: memref<10112xf32, #tpu.memory_space<vmem_shared>>, %arg13: memref<10112xf32, #tpu.memory_space<vmem_shared>>) attributes {dimension_semantics = [#tpu.dimension_semantics<core_parallel>, #tpu.dimension_semantics<subcore_parallel>], iteration_bounds = array<i64: 2, 16>, scalar_prefetch = 0 : i64, scratch_operands = 6 : i64, tpu.core_type = #tpu.core_type<sc_vector_subcore>, window_params = [{transform_indices = #map}, {transform_indices = #map}, {transform_indices = #map1}, {transform_indices = #map1}, {transform_indices = #map1}, {transform_indices = #map1}]} {
    %mul3A = arith.constant 16 : i32
    %mul3A_0 = arith.muli %arg0, %mul3A : i32
    %add3A = arith.addi %mul3A_0, %arg1 : i32
    %mul3A_1 = arith.constant 632 : i32
    %mul3A_2 = arith.muli %arg1, %mul3A_1 : i32
    "tpu.region"() ({
      %run_scoped3A = tpu.sem_alloc : memref<!tpu.dma_semaphore, #tpu.memory_space<semaphore_mem>>
      %dma_start3A = arith.constant 0 : i32
      %dma_start3A_15 = arith.constant 0 : i32
      %dma_start3A_16 = tpu.memref_slice %arg2[%add3A, %dma_start3A, %dma_start3A_15] : memref<32x80x128xi32, #tpu.memory_space<hbm>> -> memref<1x80x128xi32, #tpu.memory_space<hbm>>
      %dma_start3A_17 = tpu.memref_squeeze %dma_start3A_16 : memref<1x80x128xi32, #tpu.memory_space<hbm>> -> memref<80x128xi32, #tpu.memory_space<hbm>>
      %dma_start3A_18 = arith.constant 0 : i32
      %dma_start3A_19 = arith.constant 0 : i32
      %dma_start3A_20 = tpu.memref_slice %arg2[%add3A, %dma_start3A_18, %dma_start3A_19] : memref<32x80x128xi32, #tpu.memory_space<hbm>> -> memref<1x80x128xi32, #tpu.memory_space<hbm>>
      %dma_start3A_21 = tpu.memref_squeeze %dma_start3A_20 : memref<1x80x128xi32, #tpu.memory_space<hbm>> -> memref<80x128xi32, #tpu.memory_space<hbm>>
      tpu.enqueue_dma source(%dma_start3A_21 : memref<80x128xi32, #tpu.memory_space<hbm>>) target(%arg8 : memref<80x128xi32, #tpu.memory_space<vmem>>) target_semaphore(%run_scoped3A : memref<!tpu.dma_semaphore, #tpu.memory_space<semaphore_mem>>)
      %dma_wait3A = arith.constant 0 : i32
      %dma_wait3A_22 = arith.constant 0 : i32
      %dma_wait3A_23 = tpu.memref_slice %arg2[%add3A, %dma_wait3A, %dma_wait3A_22] : memref<32x80x128xi32, #tpu.memory_space<hbm>> -> memref<1x80x128xi32, #tpu.memory_space<hbm>>
      %dma_wait3A_24 = tpu.memref_squeeze %dma_wait3A_23 : memref<1x80x128xi32, #tpu.memory_space<hbm>> -> memref<80x128xi32, #tpu.memory_space<hbm>>
      %dma_wait3A_25 = arith.constant 0 : i32
      %dma_wait3A_26 = arith.constant 0 : i32
      %dma_wait3A_27 = tpu.memref_slice %arg2[%add3A, %dma_wait3A_25, %dma_wait3A_26] : memref<32x80x128xi32, #tpu.memory_space<hbm>> -> memref<1x80x128xi32, #tpu.memory_space<hbm>>
      %dma_wait3A_28 = tpu.memref_squeeze %dma_wait3A_27 : memref<1x80x128xi32, #tpu.memory_space<hbm>> -> memref<80x128xi32, #tpu.memory_space<hbm>>
      tpu.wait_dma2 semaphore(%run_scoped3A : memref<!tpu.dma_semaphore, #tpu.memory_space<semaphore_mem>>) src(%dma_wait3A_28 : memref<80x128xi32, #tpu.memory_space<hbm>>) dst(%arg8 : memref<80x128xi32, #tpu.memory_space<vmem>>)
      tpu.yield
    }) : () -> ()
    "tpu.region"() ({
      %run_scoped3A = tpu.sem_alloc : memref<!tpu.dma_semaphore, #tpu.memory_space<semaphore_mem>>
      %dma_start3A = arith.constant 0 : i32
      %dma_start3A_15 = arith.constant 0 : i32
      %dma_start3A_16 = tpu.memref_slice %arg3[%add3A, %dma_start3A, %dma_start3A_15] : memref<32x80x128xi32, #tpu.memory_space<hbm>> -> memref<1x80x128xi32, #tpu.memory_space<hbm>>
      %dma_start3A_17 = tpu.memref_squeeze %dma_start3A_16 : memref<1x80x128xi32, #tpu.memory_space<hbm>> -> memref<80x128xi32, #tpu.memory_space<hbm>>
      %dma_start3A_18 = arith.constant 0 : i32
      %dma_start3A_19 = arith.constant 0 : i32
      %dma_start3A_20 = tpu.memref_slice %arg3[%add3A, %dma_start3A_18, %dma_start3A_19] : memref<32x80x128xi32, #tpu.memory_space<hbm>> -> memref<1x80x128xi32, #tpu.memory_space<hbm>>
      %dma_start3A_21 = tpu.memref_squeeze %dma_start3A_20 : memref<1x80x128xi32, #tpu.memory_space<hbm>> -> memref<80x128xi32, #tpu.memory_space<hbm>>
      tpu.enqueue_dma source(%dma_start3A_21 : memref<80x128xi32, #tpu.memory_space<hbm>>) target(%arg9 : memref<80x128xi32, #tpu.memory_space<vmem>>) target_semaphore(%run_scoped3A : memref<!tpu.dma_semaphore, #tpu.memory_space<semaphore_mem>>)
      %dma_wait3A = arith.constant 0 : i32
      %dma_wait3A_22 = arith.constant 0 : i32
      %dma_wait3A_23 = tpu.memref_slice %arg3[%add3A, %dma_wait3A, %dma_wait3A_22] : memref<32x80x128xi32, #tpu.memory_space<hbm>> -> memref<1x80x128xi32, #tpu.memory_space<hbm>>
      %dma_wait3A_24 = tpu.memref_squeeze %dma_wait3A_23 : memref<1x80x128xi32, #tpu.memory_space<hbm>> -> memref<80x128xi32, #tpu.memory_space<hbm>>
      %dma_wait3A_25 = arith.constant 0 : i32
      %dma_wait3A_26 = arith.constant 0 : i32
      %dma_wait3A_27 = tpu.memref_slice %arg3[%add3A, %dma_wait3A_25, %dma_wait3A_26] : memref<32x80x128xi32, #tpu.memory_space<hbm>> -> memref<1x80x128xi32, #tpu.memory_space<hbm>>
      %dma_wait3A_28 = tpu.memref_squeeze %dma_wait3A_27 : memref<1x80x128xi32, #tpu.memory_space<hbm>> -> memref<80x128xi32, #tpu.memory_space<hbm>>
      tpu.wait_dma2 semaphore(%run_scoped3A : memref<!tpu.dma_semaphore, #tpu.memory_space<semaphore_mem>>) src(%dma_wait3A_28 : memref<80x128xi32, #tpu.memory_space<hbm>>) dst(%arg9 : memref<80x128xi32, #tpu.memory_space<vmem>>)
      tpu.yield
    }) : () -> ()
    "tpu.region"() ({
      %run_scoped3A = tpu.sem_alloc : memref<!tpu.dma_semaphore, #tpu.memory_space<semaphore_mem>>
      tpu.enqueue_dma source(%arg4 : memref<128xf32, #tpu.memory_space<hbm>>) target(%arg10 : memref<128xf32, #tpu.memory_space<vmem>>) target_semaphore(%run_scoped3A : memref<!tpu.dma_semaphore, #tpu.memory_space<semaphore_mem>>)
      tpu.wait_dma2 semaphore(%run_scoped3A : memref<!tpu.dma_semaphore, #tpu.memory_space<semaphore_mem>>) src(%arg4 : memref<128xf32, #tpu.memory_space<hbm>>) dst(%arg10 : memref<128xf32, #tpu.memory_space<vmem>>)
      tpu.yield
    }) : () -> ()
    "tpu.region"() ({
      %run_scoped3A = tpu.sem_alloc : memref<!tpu.dma_semaphore, #tpu.memory_space<semaphore_mem>>
      %dma_start3A = tpu.memref_slice %arg5[%mul3A_2] : memref<10112xf32, #tpu.memory_space<hbm>> -> memref<632xf32, #tpu.memory_space<hbm>>
      %dma_start3A_15 = tpu.memref_slice %arg5[%mul3A_2] : memref<10112xf32, #tpu.memory_space<hbm>> -> memref<632xf32, #tpu.memory_space<hbm>>
      tpu.enqueue_dma source(%dma_start3A_15 : memref<632xf32, #tpu.memory_space<hbm>>) target(%arg11 : memref<632xf32, #tpu.memory_space<vmem>>) target_semaphore(%run_scoped3A : memref<!tpu.dma_semaphore, #tpu.memory_space<semaphore_mem>>)
      %dma_wait3A = tpu.memref_slice %arg5[%mul3A_2] : memref<10112xf32, #tpu.memory_space<hbm>> -> memref<632xf32, #tpu.memory_space<hbm>>
      %dma_wait3A_16 = tpu.memref_slice %arg5[%mul3A_2] : memref<10112xf32, #tpu.memory_space<hbm>> -> memref<632xf32, #tpu.memory_space<hbm>>
      tpu.wait_dma2 semaphore(%run_scoped3A : memref<!tpu.dma_semaphore, #tpu.memory_space<semaphore_mem>>) src(%dma_wait3A_16 : memref<632xf32, #tpu.memory_space<hbm>>) dst(%arg11 : memref<632xf32, #tpu.memory_space<vmem>>)
      tpu.yield
    }) : () -> ()
    "tpu.region"() ({
      %run_scoped3A = tpu.sem_alloc : memref<!tpu.dma_semaphore, #tpu.memory_space<semaphore_mem>>
      %dma_start3A = tpu.memref_slice %arg12[%mul3A_2] : memref<10112xf32, #tpu.memory_space<vmem_shared>> -> memref<632xf32, #tpu.memory_space<vmem_shared>>
      %dma_start3A_15 = tpu.memref_slice %arg12[%mul3A_2] : memref<10112xf32, #tpu.memory_space<vmem_shared>> -> memref<632xf32, #tpu.memory_space<vmem_shared>>
      tpu.enqueue_dma source(%arg11 : memref<632xf32, #tpu.memory_space<vmem>>) target(%dma_start3A_15 : memref<632xf32, #tpu.memory_space<vmem_shared>>) target_semaphore(%run_scoped3A : memref<!tpu.dma_semaphore, #tpu.memory_space<semaphore_mem>>)
      %dma_wait3A = tpu.memref_slice %arg12[%mul3A_2] : memref<10112xf32, #tpu.memory_space<vmem_shared>> -> memref<632xf32, #tpu.memory_space<vmem_shared>>
      %dma_wait3A_16 = tpu.memref_slice %arg12[%mul3A_2] : memref<10112xf32, #tpu.memory_space<vmem_shared>> -> memref<632xf32, #tpu.memory_space<vmem_shared>>
      tpu.wait_dma2 semaphore(%run_scoped3A : memref<!tpu.dma_semaphore, #tpu.memory_space<semaphore_mem>>) src(%arg11 : memref<632xf32, #tpu.memory_space<vmem>>) dst(%dma_wait3A_16 : memref<632xf32, #tpu.memory_space<vmem_shared>>)
      tpu.yield
    }) : () -> ()
    "tpu.region"() ({
      %run_scoped3A = tpu.sem_alloc : memref<!tpu.dma_semaphore, #tpu.memory_space<semaphore_mem>>
      %dma_start3A = tpu.memref_slice %arg13[%mul3A_2] : memref<10112xf32, #tpu.memory_space<vmem_shared>> -> memref<632xf32, #tpu.memory_space<vmem_shared>>
      %dma_start3A_15 = tpu.memref_slice %arg13[%mul3A_2] : memref<10112xf32, #tpu.memory_space<vmem_shared>> -> memref<632xf32, #tpu.memory_space<vmem_shared>>
      tpu.enqueue_dma source(%arg11 : memref<632xf32, #tpu.memory_space<vmem>>) target(%dma_start3A_15 : memref<632xf32, #tpu.memory_space<vmem_shared>>) target_semaphore(%run_scoped3A : memref<!tpu.dma_semaphore, #tpu.memory_space<semaphore_mem>>)
      %dma_wait3A = tpu.memref_slice %arg13[%mul3A_2] : memref<10112xf32, #tpu.memory_space<vmem_shared>> -> memref<632xf32, #tpu.memory_space<vmem_shared>>
      %dma_wait3A_16 = tpu.memref_slice %arg13[%mul3A_2] : memref<10112xf32, #tpu.memory_space<vmem_shared>> -> memref<632xf32, #tpu.memory_space<vmem_shared>>
      tpu.wait_dma2 semaphore(%run_scoped3A : memref<!tpu.dma_semaphore, #tpu.memory_space<semaphore_mem>>) src(%arg11 : memref<632xf32, #tpu.memory_space<vmem>>) dst(%dma_wait3A_16 : memref<632xf32, #tpu.memory_space<vmem_shared>>)
      tpu.yield
    }) : () -> ()
    %barrier3A = arith.constant 0 : index
    tpu.barrier barrier_id(%barrier3A)
    %scan3A = arith.constant 0 : i32
    %scan3A_3 = arith.constant 0 : i32
    %scan3A_4 = arith.constant 80 : i32
    %scan3A_5 = arith.addi %scan3A_3, %scan3A_4 : i32
    %scan3A_6 = arith.constant 1 : i32
    scf.for %scan3A_15 = %scan3A_3 to %scan3A_5 step %scan3A_6  : i32 {
      "tpu.region"() ({
        %run_scoped3A = tpu.sem_alloc : memref<!tpu.dma_semaphore, #tpu.memory_space<semaphore_mem>>
        %dma_start3A = arith.constant 0 : i32
        %dma_start3A_16 = tpu.memref_slice %arg8[%scan3A_15, %dma_start3A] : memref<80x128xi32, #tpu.memory_space<vmem>> -> memref<1x128xi32, #tpu.memory_space<vmem>>
        %dma_start3A_17 = tpu.memref_squeeze %dma_start3A_16 : memref<1x128xi32, #tpu.memory_space<vmem>> -> memref<128xi32, #tpu.memory_space<vmem>>
        %dma_start3A_18 = arith.constant 0 : i32
        %dma_start3A_19 = tpu.memref_slice %arg12[%dma_start3A_18] : memref<10112xf32, #tpu.memory_space<vmem_shared>> -> memref<10112xf32, #tpu.memory_space<vmem_shared>>
        tpu.enqueue_indirect_dma source(%arg10 : memref<128xf32, #tpu.memory_space<vmem>>) target(%dma_start3A_19 : memref<10112xf32, #tpu.memory_space<vmem_shared>>) offsets(%dma_start3A_17 : memref<128xi32, #tpu.memory_space<vmem>>) semaphore(%run_scoped3A : memref<!tpu.dma_semaphore, #tpu.memory_space<semaphore_mem>>) {add = true}
        %dma_wait3A = arith.constant 0 : i32
        %dma_wait3A_20 = tpu.memref_slice %arg8[%scan3A_15, %dma_wait3A] : memref<80x128xi32, #tpu.memory_space<vmem>> -> memref<1x128xi32, #tpu.memory_space<vmem>>
        %dma_wait3A_21 = tpu.memref_squeeze %dma_wait3A_20 : memref<1x128xi32, #tpu.memory_space<vmem>> -> memref<128xi32, #tpu.memory_space<vmem>>
        %dma_wait3A_22 = arith.constant 0 : i32
        %dma_wait3A_23 = tpu.memref_slice %arg12[%dma_wait3A_22] : memref<10112xf32, #tpu.memory_space<vmem_shared>> -> memref<10112xf32, #tpu.memory_space<vmem_shared>>
        tpu.wait_indirect_dma semaphore(%run_scoped3A : memref<!tpu.dma_semaphore, #tpu.memory_space<semaphore_mem>>) src(%arg10 : memref<128xf32, #tpu.memory_space<vmem>>) dst(%dma_wait3A_23 : memref<10112xf32, #tpu.memory_space<vmem_shared>>)
        tpu.yield
      }) : () -> ()
      "tpu.region"() ({
        %run_scoped3A = tpu.sem_alloc : memref<!tpu.dma_semaphore, #tpu.memory_space<semaphore_mem>>
        %dma_start3A = arith.constant 0 : i32
        %dma_start3A_16 = tpu.memref_slice %arg9[%scan3A_15, %dma_start3A] : memref<80x128xi32, #tpu.memory_space<vmem>> -> memref<1x128xi32, #tpu.memory_space<vmem>>
        %dma_start3A_17 = tpu.memref_squeeze %dma_start3A_16 : memref<1x128xi32, #tpu.memory_space<vmem>> -> memref<128xi32, #tpu.memory_space<vmem>>
        %dma_start3A_18 = arith.constant 0 : i32
        %dma_start3A_19 = tpu.memref_slice %arg13[%dma_start3A_18] : memref<10112xf32, #tpu.memory_space<vmem_shared>> -> memref<10112xf32, #tpu.memory_space<vmem_shared>>
        tpu.enqueue_indirect_dma source(%arg10 : memref<128xf32, #tpu.memory_space<vmem>>) target(%dma_start3A_19 : memref<10112xf32, #tpu.memory_space<vmem_shared>>) offsets(%dma_start3A_17 : memref<128xi32, #tpu.memory_space<vmem>>) semaphore(%run_scoped3A : memref<!tpu.dma_semaphore, #tpu.memory_space<semaphore_mem>>) {add = true}
        %dma_wait3A = arith.constant 0 : i32
        %dma_wait3A_20 = tpu.memref_slice %arg9[%scan3A_15, %dma_wait3A] : memref<80x128xi32, #tpu.memory_space<vmem>> -> memref<1x128xi32, #tpu.memory_space<vmem>>
        %dma_wait3A_21 = tpu.memref_squeeze %dma_wait3A_20 : memref<1x128xi32, #tpu.memory_space<vmem>> -> memref<128xi32, #tpu.memory_space<vmem>>
        %dma_wait3A_22 = arith.constant 0 : i32
        %dma_wait3A_23 = tpu.memref_slice %arg13[%dma_wait3A_22] : memref<10112xf32, #tpu.memory_space<vmem_shared>> -> memref<10112xf32, #tpu.memory_space<vmem_shared>>
        tpu.wait_indirect_dma semaphore(%run_scoped3A : memref<!tpu.dma_semaphore, #tpu.memory_space<semaphore_mem>>) src(%arg10 : memref<128xf32, #tpu.memory_space<vmem>>) dst(%dma_wait3A_23 : memref<10112xf32, #tpu.memory_space<vmem_shared>>)
        tpu.yield
      }) : () -> ()
    }
    %scan3A_7 = arith.constant 80 : i32
    %barrier3A_8 = arith.constant 0 : index
    tpu.barrier barrier_id(%barrier3A_8)
    "tpu.region"() ({
      %run_scoped3A = tpu.sem_alloc : memref<!tpu.dma_semaphore, #tpu.memory_space<semaphore_mem>>
      %dma_start3A = tpu.memref_slice %arg12[%mul3A_2] : memref<10112xf32, #tpu.memory_space<vmem_shared>> -> memref<632xf32, #tpu.memory_space<vmem_shared>>
      %dma_start3A_15 = tpu.memref_slice %arg12[%mul3A_2] : memref<10112xf32, #tpu.memory_space<vmem_shared>> -> memref<632xf32, #tpu.memory_space<vmem_shared>>
      tpu.enqueue_dma source(%dma_start3A_15 : memref<632xf32, #tpu.memory_space<vmem_shared>>) target(%arg11 : memref<632xf32, #tpu.memory_space<vmem>>) target_semaphore(%run_scoped3A : memref<!tpu.dma_semaphore, #tpu.memory_space<semaphore_mem>>)
      %dma_wait3A = tpu.memref_slice %arg12[%mul3A_2] : memref<10112xf32, #tpu.memory_space<vmem_shared>> -> memref<632xf32, #tpu.memory_space<vmem_shared>>
      %dma_wait3A_16 = tpu.memref_slice %arg12[%mul3A_2] : memref<10112xf32, #tpu.memory_space<vmem_shared>> -> memref<632xf32, #tpu.memory_space<vmem_shared>>
      tpu.wait_dma2 semaphore(%run_scoped3A : memref<!tpu.dma_semaphore, #tpu.memory_space<semaphore_mem>>) src(%dma_wait3A_16 : memref<632xf32, #tpu.memory_space<vmem_shared>>) dst(%arg11 : memref<632xf32, #tpu.memory_space<vmem>>)
      tpu.yield
    }) : () -> ()
    %mul3A_9 = arith.constant 10112 : i32
    %mul3A_10 = arith.muli %arg0, %mul3A_9 : i32
    %add3A_11 = arith.addi %mul3A_10, %mul3A_2 : i32
    "tpu.region"() ({
      %run_scoped3A = tpu.sem_alloc : memref<!tpu.dma_semaphore, #tpu.memory_space<semaphore_mem>>
      %dma_start3A = tpu.memref_slice %arg6[%add3A_11] : memref<20224xf32, #tpu.memory_space<hbm>> -> memref<632xf32, #tpu.memory_space<hbm>>
      %dma_start3A_15 = tpu.memref_slice %arg6[%add3A_11] : memref<20224xf32, #tpu.memory_space<hbm>> -> memref<632xf32, #tpu.memory_space<hbm>>
      tpu.enqueue_dma source(%arg11 : memref<632xf32, #tpu.memory_space<vmem>>) target(%dma_start3A_15 : memref<632xf32, #tpu.memory_space<hbm>>) target_semaphore(%run_scoped3A : memref<!tpu.dma_semaphore, #tpu.memory_space<semaphore_mem>>)
      %dma_wait3A = tpu.memref_slice %arg6[%add3A_11] : memref<20224xf32, #tpu.memory_space<hbm>> -> memref<632xf32, #tpu.memory_space<hbm>>
      %dma_wait3A_16 = tpu.memref_slice %arg6[%add3A_11] : memref<20224xf32, #tpu.memory_space<hbm>> -> memref<632xf32, #tpu.memory_space<hbm>>
      tpu.wait_dma2 semaphore(%run_scoped3A : memref<!tpu.dma_semaphore, #tpu.memory_space<semaphore_mem>>) src(%arg11 : memref<632xf32, #tpu.memory_space<vmem>>) dst(%dma_wait3A_16 : memref<632xf32, #tpu.memory_space<hbm>>)
      tpu.yield
    }) : () -> ()
    "tpu.region"() ({
      %run_scoped3A = tpu.sem_alloc : memref<!tpu.dma_semaphore, #tpu.memory_space<semaphore_mem>>
      %dma_start3A = tpu.memref_slice %arg13[%mul3A_2] : memref<10112xf32, #tpu.memory_space<vmem_shared>> -> memref<632xf32, #tpu.memory_space<vmem_shared>>
      %dma_start3A_15 = tpu.memref_slice %arg13[%mul3A_2] : memref<10112xf32, #tpu.memory_space<vmem_shared>> -> memref<632xf32, #tpu.memory_space<vmem_shared>>
      tpu.enqueue_dma source(%dma_start3A_15 : memref<632xf32, #tpu.memory_space<vmem_shared>>) target(%arg11 : memref<632xf32, #tpu.memory_space<vmem>>) target_semaphore(%run_scoped3A : memref<!tpu.dma_semaphore, #tpu.memory_space<semaphore_mem>>)
      %dma_wait3A = tpu.memref_slice %arg13[%mul3A_2] : memref<10112xf32, #tpu.memory_space<vmem_shared>> -> memref<632xf32, #tpu.memory_space<vmem_shared>>
      %dma_wait3A_16 = tpu.memref_slice %arg13[%mul3A_2] : memref<10112xf32, #tpu.memory_space<vmem_shared>> -> memref<632xf32, #tpu.memory_space<vmem_shared>>
      tpu.wait_dma2 semaphore(%run_scoped3A : memref<!tpu.dma_semaphore, #tpu.memory_space<semaphore_mem>>) src(%dma_wait3A_16 : memref<632xf32, #tpu.memory_space<vmem_shared>>) dst(%arg11 : memref<632xf32, #tpu.memory_space<vmem>>)
      tpu.yield
    }) : () -> ()
    %mul3A_12 = arith.constant 10112 : i32
    %mul3A_13 = arith.muli %arg0, %mul3A_12 : i32
    %add3A_14 = arith.addi %mul3A_13, %mul3A_2 : i32
    "tpu.region"() ({
      %run_scoped3A = tpu.sem_alloc : memref<!tpu.dma_semaphore, #tpu.memory_space<semaphore_mem>>
      %dma_start3A = tpu.memref_slice %arg7[%add3A_14] : memref<20224xf32, #tpu.memory_space<hbm>> -> memref<632xf32, #tpu.memory_space<hbm>>
      %dma_start3A_15 = tpu.memref_slice %arg7[%add3A_14] : memref<20224xf32, #tpu.memory_space<hbm>> -> memref<632xf32, #tpu.memory_space<hbm>>
      tpu.enqueue_dma source(%arg11 : memref<632xf32, #tpu.memory_space<vmem>>) target(%dma_start3A_15 : memref<632xf32, #tpu.memory_space<hbm>>) target_semaphore(%run_scoped3A : memref<!tpu.dma_semaphore, #tpu.memory_space<semaphore_mem>>)
      %dma_wait3A = tpu.memref_slice %arg7[%add3A_14] : memref<20224xf32, #tpu.memory_space<hbm>> -> memref<632xf32, #tpu.memory_space<hbm>>
      %dma_wait3A_16 = tpu.memref_slice %arg7[%add3A_14] : memref<20224xf32, #tpu.memory_space<hbm>> -> memref<632xf32, #tpu.memory_space<hbm>>
      tpu.wait_dma2 semaphore(%run_scoped3A : memref<!tpu.dma_semaphore, #tpu.memory_space<semaphore_mem>>) src(%arg11 : memref<632xf32, #tpu.memory_space<vmem>>) dst(%dma_wait3A_16 : memref<632xf32, #tpu.memory_space<hbm>>)
      tpu.yield
    }) : () -> ()
    return
  }
}

module attributes {stable_mosaic.version = 14 : i64} {
  func.func @_scale_body(%arg0: i32, %arg1: memref<2528x128xf32, #tpu.memory_space<vmem>>, %arg2: memref<2x2528x1xf32, #tpu.memory_space<vmem>>, %arg3: memref<2528x128xf32, #tpu.memory_space<vmem>>) attributes {dimension_semantics = [#tpu.dimension_semantics<arbitrary>], iteration_bounds = array<i64: 4>, scalar_prefetch = 0 : i64, scratch_operands = 0 : i64, tpu.core_type = #tpu.core_type<tc>, window_params = [{transform_indices = @transform_0, window_bounds = array<i64: 2528, 128>}, {transform_indices = @transform_1, window_bounds = array<i64: 2, 2528, 1>}, {transform_indices = @transform_2, window_bounds = array<i64: 2528, 128>}]} {
    %get3A = arith.constant 0 : index
    %get3A_0 = arith.constant 0 : index
    %get3A_1 = arith.constant 0 : index
    %get3A_2 = vector.load %arg2[%get3A, %get3A_0, %get3A_1] : memref<2x2528x1xf32, #tpu.memory_space<vmem>>, vector<1x2528x1xf32>
    %get3A_3 = vector.shape_cast %get3A_2 : vector<1x2528x1xf32> to vector<2528x1xf32>
    %get3A_4 = arith.constant 1 : index
    %get3A_5 = arith.constant 0 : index
    %get3A_6 = arith.constant 0 : index
    %get3A_7 = vector.load %arg2[%get3A_4, %get3A_5, %get3A_6] : memref<2x2528x1xf32, #tpu.memory_space<vmem>>, vector<1x2528x1xf32>
    %get3A_8 = vector.shape_cast %get3A_7 : vector<1x2528x1xf32> to vector<2528x1xf32>
    %add3A = arith.addf %get3A_3, %get3A_8 : vector<2528x1xf32>
    %get3A_9 = arith.constant 0 : index
    %get3A_10 = arith.constant 0 : index
    %get3A_11 = vector.load %arg1[%get3A_9, %get3A_10] : memref<2528x128xf32, #tpu.memory_space<vmem>>, vector<2528x128xf32>
    %max3A = arith.constant 1.000000e+00 : f32
    %max3A_12 = vector.broadcast %max3A : f32 to vector<2528x1xf32>
    %max3A_13 = arith.maximumf %add3A, %max3A_12 : vector<2528x1xf32>
    %rsqrt3A = math.rsqrt %max3A_13 : vector<2528x1xf32>
    %mul3A = vector.broadcast %rsqrt3A : vector<2528x1xf32> to vector<2528x128xf32>
    %mul3A_14 = arith.mulf %get3A_11, %mul3A : vector<2528x128xf32>
    %swap3A = arith.constant 0 : index
    %swap3A_15 = arith.constant 0 : index
    %swap3A_16 = vector.load %arg3[%swap3A, %swap3A_15] : memref<2528x128xf32, #tpu.memory_space<vmem>>, vector<2528x128xf32>
    tpu.vector_store %arg3[%swap3A, %swap3A_15], %mul3A_14 {strides = array<i32>} : memref<2528x128xf32, #tpu.memory_space<vmem>>, vector<2528x128xf32>,
    return
  }
  func.func @transform_0(%arg0: i32) -> (i32, i32) {
    %c0_i32 = arith.constant 0 : i32
    %c0_i32_0 = arith.constant 0 : i32
    return %arg0, %c0_i32 : i32, i32
  }
  func.func @transform_1(%arg0: i32) -> (i32, i32, i32) {
    %c0_i32 = arith.constant 0 : i32
    %c0_i32_0 = arith.constant 0 : i32
    %c0_i32_1 = arith.constant 0 : i32
    return %c0_i32, %arg0, %c0_i32_0 : i32, i32, i32
  }
  func.func @transform_2(%arg0: i32) -> (i32, i32) {
    %c0_i32 = arith.constant 0 : i32
    %c0_i32_0 = arith.constant 0 : i32
    return %arg0, %c0_i32 : i32, i32
  }
}

module attributes {stable_mosaic.version = 14 : i64} {
  func.func @_finish_body(%arg0: i32, %arg1: memref<2x2000x128xf32, #tpu.memory_space<vmem>>, %arg2: memref<2x2000x1xf32, #tpu.memory_space<vmem>>, %arg3: memref<128x128xf32, #tpu.memory_space<vmem>>, %arg4: memref<1x128xf32, #tpu.memory_space<vmem>>, %arg5: memref<2000x128xf32, #tpu.memory_space<vmem>>) attributes {dimension_semantics = [#tpu.dimension_semantics<arbitrary>], iteration_bounds = array<i64: 5>, scalar_prefetch = 0 : i64, scratch_operands = 0 : i64, tpu.core_type = #tpu.core_type<tc>, window_params = [{transform_indices = @transform_0, window_bounds = array<i64: 2, 2000, 128>}, {transform_indices = @transform_1, window_bounds = array<i64: 2, 2000, 1>}, {pipeline_mode = #tpu.pipeline_mode<synchronous>, transform_indices = @transform_2, window_bounds = array<i64: 128, 128>}, {pipeline_mode = #tpu.pipeline_mode<synchronous>, transform_indices = @transform_3, window_bounds = array<i64: 1, 128>}, {transform_indices = @transform_4, window_bounds = array<i64: 2000, 128>}]} {
    %get3A = arith.constant 0 : index
    %get3A_0 = arith.constant 0 : index
    %get3A_1 = arith.constant 0 : index
    %get3A_2 = vector.load %arg1[%get3A, %get3A_0, %get3A_1] : memref<2x2000x128xf32, #tpu.memory_space<vmem>>, vector<1x2000x128xf32>
    %get3A_3 = vector.shape_cast %get3A_2 : vector<1x2000x128xf32> to vector<2000x128xf32>
    %get3A_4 = arith.constant 1 : index
    %get3A_5 = arith.constant 0 : index
    %get3A_6 = arith.constant 0 : index
    %get3A_7 = vector.load %arg1[%get3A_4, %get3A_5, %get3A_6] : memref<2x2000x128xf32, #tpu.memory_space<vmem>>, vector<1x2000x128xf32>
    %get3A_8 = vector.shape_cast %get3A_7 : vector<1x2000x128xf32> to vector<2000x128xf32>
    %add3A = arith.addf %get3A_3, %get3A_8 : vector<2000x128xf32>
    %get3A_9 = arith.constant 0 : index
    %get3A_10 = arith.constant 0 : index
    %get3A_11 = arith.constant 0 : index
    %get3A_12 = vector.load %arg2[%get3A_9, %get3A_10, %get3A_11] : memref<2x2000x1xf32, #tpu.memory_space<vmem>>, vector<1x2000x1xf32>
    %get3A_13 = vector.shape_cast %get3A_12 : vector<1x2000x1xf32> to vector<2000x1xf32>
    %get3A_14 = arith.constant 1 : index
    %get3A_15 = arith.constant 0 : index
    %get3A_16 = arith.constant 0 : index
    %get3A_17 = vector.load %arg2[%get3A_14, %get3A_15, %get3A_16] : memref<2x2000x1xf32, #tpu.memory_space<vmem>>, vector<1x2000x1xf32>
    %get3A_18 = vector.shape_cast %get3A_17 : vector<1x2000x1xf32> to vector<2000x1xf32>
    %add3A_19 = arith.addf %get3A_13, %get3A_18 : vector<2000x1xf32>
    %max3A = arith.constant 1.000000e+00 : f32
    %max3A_20 = vector.broadcast %max3A : f32 to vector<2000x1xf32>
    %max3A_21 = arith.maximumf %add3A_19, %max3A_20 : vector<2000x1xf32>
    %rsqrt3A = math.rsqrt %max3A_21 : vector<2000x1xf32>
    %mul3A = vector.broadcast %rsqrt3A : vector<2000x1xf32> to vector<2000x128xf32>
    %mul3A_22 = arith.mulf %add3A, %mul3A : vector<2000x128xf32>
    %get3A_23 = arith.constant 0 : index
    %get3A_24 = arith.constant 0 : index
    %get3A_25 = vector.load %arg3[%get3A_23, %get3A_24] : memref<128x128xf32, #tpu.memory_space<vmem>>, vector<128x128xf32>
    %dot_general3A = arith.constant dense<0.000000e+00> : vector<2000x128xf32>
    %dot_general3A_26 = tpu.matmul %mul3A_22, %get3A_25, %dot_general3A {dimension_numbers = #tpu.dot_dimension_numbers<[1], [0], [0], [1], [0, 0, 1, 1], [], []>, transpose_lhs_hint = false} : vector<2000x128xf32>, vector<128x128xf32>, vector<2000x128xf32> -> vector<2000x128xf32>
    %get3A_27 = arith.constant 0 : index
    %get3A_28 = arith.constant 0 : index
    %get3A_29 = vector.load %arg4[%get3A_27, %get3A_28] : memref<1x128xf32, #tpu.memory_space<vmem>>, vector<1x128xf32>
    %add3A_30 = vector.broadcast %get3A_29 : vector<1x128xf32> to vector<2000x128xf32>
    %add3A_31 = arith.addf %dot_general3A_26, %add3A_30 : vector<2000x128xf32>
    %swap3A = arith.constant 0 : index
    %swap3A_32 = arith.constant 0 : index
    %swap3A_33 = vector.load %arg5[%swap3A, %swap3A_32] : memref<2000x128xf32, #tpu.memory_space<vmem>>, vector<2000x128xf32>
    tpu.vector_store %arg5[%swap3A, %swap3A_32], %add3A_31 {strides = array<i32>} : memref<2000x128xf32, #tpu.memory_space<vmem>>, vector<2000x128xf32>,
    return
  }
  func.func @transform_0(%arg0: i32) -> (i32, i32, i32) {
    %c0_i32 = arith.constant 0 : i32
    %c0_i32_0 = arith.constant 0 : i32
    %c0_i32_1 = arith.constant 0 : i32
    return %c0_i32, %arg0, %c0_i32_0 : i32, i32, i32
  }
  func.func @transform_1(%arg0: i32) -> (i32, i32, i32) {
    %c0_i32 = arith.constant 0 : i32
    %c0_i32_0 = arith.constant 0 : i32
    %c0_i32_1 = arith.constant 0 : i32
    return %c0_i32, %arg0, %c0_i32_0 : i32, i32, i32
  }
  func.func @transform_2(%arg0: i32) -> (i32, i32) {
    %c0_i32 = arith.constant 0 : i32
    %c0_i32_0 = arith.constant 0 : i32
    %c0_i32_1 = arith.constant 0 : i32
    return %c0_i32, %c0_i32_0 : i32, i32
  }
  func.func @transform_3(%arg0: i32) -> (i32, i32) {
    %c0_i32 = arith.constant 0 : i32
    %c0_i32_0 = arith.constant 0 : i32
    %c0_i32_1 = arith.constant 0 : i32
    return %c0_i32, %c0_i32_0 : i32, i32
  }
  func.func @transform_4(%arg0: i32) -> (i32, i32) {
    %c0_i32 = arith.constant 0 : i32
    %c0_i32_0 = arith.constant 0 : i32
    return %arg0, %c0_i32 : i32, i32
  }
}

</mosaic_0001>

<sc_bundles>
// kernel: kernel.6.cloned.1.call-start
scs
__scs_entry_jumppad:
0x0: {  	(pc) =	sbr.rel $0x88, $3  }
0x1: {  	(tag) =	ssettag $0x0;
	lr =	simm.s32 $0x1  }
0x2: {  	[smem:$0x3F9D] =	sst lr;
	_ =	strace $0xD0000000  }
0x3: {  	_ = 	snop  }
0x4: {  	_ = 	snop  }
0x5: {  	_ = 	snop  }
0x6: {  	_ = 	snop  }
0x7: {  	_ = 	snop  }
__scs_overlays_trampoline_lowered:
0x8: {  	[smem:$0x3FAC] =	sst s0  }
0x9: {  	[smem:$0x3FAD] =	sst s1  }
0xa: {  	[smem:$0x3FAE] =	sst s2  }
0xb: {  	[smem:$0x3FAF] =	sst s3  }
0xc: {  	[smem:$0x3FB0] =	sst s4  }
0xd: {  	[smem:$0x3FB1] =	sst s5  }
0xe: {  	[smem:$0x3FB2] =	sst s6  }
0xf: {  	[smem:$0x3FB3] =	sst s7  }
0x10: {  	[smem:$0x3FB4] =	sst s8  }
0x11: {  	[smem:$0x3FB5] =	sst s9;
	s0 =	simm.s32 @!p0 $0x0  }
0x12: {  	s1 =	sld [smem:$0x3F9B];
	s0 =	simm.s32 @p0 $0x1  }
0x13: {  	[smem:$0x3FB6] =	sst s0;
	s0 =	simm.s32 @!p1 $0x0  }
0x14: {  	s2 =	sld [smem:$0x3F9A];
	s0 =	simm.s32 @p1 $0x1  }
0x15: {  	[smem:$0x3FB7] =	sst s0;
	s0 =	simm.s32 @!p2 $0x0  }
0x16: {  	s3 =	sld [smem:$0x3FDB];
	s0 =	simm.s32 @p2 $0x1  }
0x17: {  	s4 =	simm.s32 $0x1BF5;
	[smem:$0x3FB9] =	sst s0  }
0x18: {  	s0 =	sld [smem:$0x3F9C];
	_ =	swait.ge [sflag:s4], $0x0  }
0x19: {  	s7 =	sld [smem:$0x3F9D]  }
0x1a: {  	s8 =	sadd.s32 $0xFFFFE003, lr  }
0x1b: {  	s9 =	sadd.s32 $0xFFFFFEF7, lr;
	s5 =	simm.s32 $0xFFFFFFFF;
	p2 =	slt.u32 s8, $0xFFFFF086  }
0x1c: {  	p1 =	slt.u32 s9, $0xF7A;
	s5 =	simm.s32 @!p2 $0x0  }
0x1d: {  	s5 =	simm.s32 @p1 $0x1;
	p0 =	seq.s32 s7, s2  }
0x1e: {  	s7 =	smul.u32 @!p0 $0xF7A, s2;
	p2 =	seq.s32 @!p0 s5, $0x0  }
0x1f: {  	s9 =	smul.u32 $0xF7A, s1;
	s8 =	simm.s32 @!p0 $0x1BF5;
	p2 =	por !p2, p0  }
0x20: {  	[sflag:s8] =	ssyncset.s32 @!p0 $0xFFFFF086;
	s6 =	sadd.s32 @!p0 s3, s7;
	s7 =	simm.s32 @!p0 $0x108  }
0x21: {  	s3 =	sadd.s32 s3, s9;
	s6 =	sadd.s32 @!p0 $0x88, s6;
	s7 =	simm.s32 @p2 $0x1082  }
0x22: {  	[simem:s7], [sflag:s8] =	dma.local @!p0 [hbm:s6], $0xF7A  }
0x23: {  	s9 =	sor.u32 $0xD0000000, s2;
	s6 =	simm.s32 $0x108;
	_ =	swait.ge @!p0 [sflag:s8], $0x0  }
0x24: {  	s3 =	sadd.s32 $0x88, s3;
	s6 =	simm.s32 @!p1 $0x1082;
	[sflag:s4] =	ssyncset.s32 $0xFFFFF086  }
0x25: {  	[simem:s6], [sflag:s4] =	dma.local [hbm:s3], $0xF7A  }
0x26: {  	[smem:$0x3F9D] =	sst s1;
	(tag) =	ssettag s2;
	_ =	strace s9  }
0x27: {  	s1 =	sld [smem:$0x3FAD]  }
0x28: {  	s2 =	sld [smem:$0x3FAE]  }
0x29: {  	s4 =	sld [smem:$0x3FB0]  }
0x2a: {  	p0 =	seq.s32 s5, $0x0;
	s5 =	sld [smem:$0x3FB1]  }
0x2b: {  	s6 =	sld [smem:$0x3FB2]  }
0x2c: {  	s7 =	sld [smem:$0x3FB3]  }
0x2d: {  	s3 =	simm.s32 $0x108;
	s8 =	sld [smem:$0x3FB4]  }
0x2e: {  	s3 =	simm.s32 @!p0 $0x1082;
	s9 =	sld [smem:$0x3FB5]  }
0x2f: {  	lr =	sadd.s32 s0, s3;
	s0 =	sld [smem:$0x3FAC]  }
0x30: {  	s3 =	sld [smem:$0x3FAF]  }
0x31: {  	[smem:$0x3FB8] =	sst s10  }
0x32: {  	s10 =	sld [smem:$0x3FB6];
	_ =	sdelay $0x3  }
0x33: {  	p0 =	seq.s32 s10, $0x1;
	s10 =	sld [smem:$0x3FB8];
	_ =	sdelay $0x3  }
0x34: {  	[smem:$0x3FB8] =	sst s10  }
0x35: {  	s10 =	sld [smem:$0x3FB7];
	_ =	sdelay $0x3  }
0x36: {  	p1 =	seq.s32 s10, $0x1;
	s10 =	sld [smem:$0x3FB8];
	_ =	sdelay $0x3  }
0x37: {  	[smem:$0x3FB8] =	sst s10  }
0x38: {  	s10 =	sld [smem:$0x3FB9]  }
0x39: {  	_ = 	snop;
	(pc) =	sbr.ind lr, $3  }
0x3a: {  	_ = 	snop  }
0x3b: {  	_ = 	snop  }
0x3c: {  	p2 =	seq.s32 s10, $0x1;
	s10 =	sld [smem:$0x3FB8]  }
0x3d: {  	_ =	shalt  }
0x3e: {  	_ =	shalt  }
0x3f: {  	_ =	shalt  }
0x40: {  	_ =	shalt  }
0x41: {  	_ =	shalt  }
0x42: {  	_ =	shalt  }
0x43: {  	_ =	shalt  }
0x44: {  	_ =	shalt  }
0x45: {  	_ =	shalt  }
0x46: {  	_ =	shalt  }
0x47: {  	_ =	shalt  }
0x48: {  	_ =	shalt  }
0x49: {  	_ =	shalt  }
0x4a: {  	_ =	shalt  }
0x4b: {  	_ =	shalt  }
0x4c: {  	_ =	shalt  }
0x4d: {  	_ =	shalt  }
0x4e: {  	_ =	shalt  }
0x4f: {  	_ =	shalt  }
0x50: {  	_ =	shalt  }
0x51: {  	_ =	shalt  }
0x52: {  	_ =	shalt  }
0x53: {  	_ =	shalt  }
0x54: {  	_ =	shalt  }
0x55: {  	_ =	shalt  }
0x56: {  	_ =	shalt  }
0x57: {  	_ =	shalt  }
0x58: {  	_ =	shalt  }
0x59: {  	_ =	shalt  }
0x5a: {  	_ =	shalt  }
0x5b: {  	_ =	shalt  }
0x5c: {  	_ =	shalt  }
0x5d: {  	_ =	shalt  }
0x5e: {  	_ =	shalt  }
0x5f: {  	_ =	shalt  }
0x60: {  	_ =	shalt  }
0x61: {  	_ =	shalt  }
0x62: {  	_ =	shalt  }
0x63: {  	_ =	shalt  }
0x64: {  	_ =	shalt  }
0x65: {  	_ =	shalt  }
0x66: {  	_ =	shalt  }
0x67: {  	_ =	shalt  }
0x68: {  	_ =	shalt  }
0x69: {  	_ =	shalt  }
0x6a: {  	_ =	shalt  }
0x6b: {  	_ =	shalt  }
0x6c: {  	_ =	shalt  }
0x6d: {  	_ =	shalt  }
0x6e: {  	_ =	shalt  }
0x6f: {  	_ =	shalt  }
0x70: {  	_ =	shalt  }
0x71: {  	_ =	shalt  }
0x72: {  	_ =	shalt  }
0x73: {  	_ =	shalt  }
0x74: {  	_ =	shalt  }
0x75: {  	_ =	shalt  }
0x76: {  	_ =	shalt  }
0x77: {  	_ =	shalt  }
0x78: {  	_ =	shalt  }
0x79: {  	_ =	shalt  }
0x7a: {  	_ =	shalt  }
0x7b: {  	_ =	shalt  }
0x7c: {  	_ =	shalt  }
0x7d: {  	_ =	shalt  }
0x7e: {  	_ =	shalt  }
0x7f: {  	_ =	shalt  }
0x80: {  	_ =	shalt  }
0x81: {  	_ =	shalt  }
0x82: {  	_ =	shalt  }
0x83: {  	_ =	shalt  }
0x84: {  	_ =	shalt  }
0x85: {  	_ =	shalt  }
0x86: {  	_ =	shalt  }
0x87: {  	_ =	shalt  }
.Lfunc_end0:
.L_simem_size_0:
called_computation_lowered:
.L_overlay_start_0:
0x88: {  	s2 =	sld [smem:$0x3FD9]  }
0x89: {  	s3 =	sld [smem:$0x3FFE];
	_ =	sdelay $0x1  }
0x8a: {  	s1 =	srdreg.scid  }
0x8b: {  	s0 =	sand.u32 $0x1, s1  }
0x8c: {  	s17 =	sshll.u32 s0, $0xA;
	s2 =	sadd.s32 s3, s2  }
0x8d: {  	s2 =	sadd.s32 s2, s17  }
0x8e: {  	[smem:$0x3FC4] =	sst s2  }
0x8f: {  	_ = 	snop  }
0x90: {  	s2 =	sld [smem:$0x3FD0];
	(tm) =	ssettm $0x1  }
0x91: {  	s18 =	sld [smem:$0x3FFB];
	_ =	sdelay $0x3  }
0x92: {  	_ =	strace s18  }
0x93: {  	s3 =	sld [smem:$0x3FFC];
	_ =	sdelay $0x3  }
0x94: {  	_ =	strace s3  }
0x95: {  	s3 =	sld [smem:$0x3FFD];
	_ =	sdelay $0x3  }
0x96: {  	_ =	strace s3  }
0x97: {  	_ =	strace $0x8FFFFFFF  }
0x98: {  	s19 =	sld [smem:$0x3FDB];
	_ =	sdelay $0x1  }
0x99: {  	s4 =	simm.s32 $_scs_section_size  }
0x9a: {  	s5 =	simm.s32 $_size__tile_overlayer_lowered;
	s6 =	simm.s32 $_tile_overlayer_lowered  }
0x9b: {  	s22 =	simm.s32 $0x1BFF;
	s21 =	sshll.u32 s6, $0x1;
	s3 =	sadd.s32 s4, s19  }
0x9c: {  	s7 =	simm.s32 $0x0;
	s20 =	sshll.u32 s5, $0x1;
	s5 =	sadd.s32 s21, s3  }
0x9d: {  	[timem:s7], [sflag:s22] =	dma.local [hbm:s5], s20  }
0x9e: {  	_ =	swait.ge [sflag:s22], s20  }
0x9f: {  	s4 =	ssub.s32 $0x0, s20;
	[sflag:s22] =	ssyncset.done $0x0  }
0xa0: {  	[sflag:s22] =	ssyncadd.s32 s4;
	_ =	sdelay $0x1  }
0xa1: {  	s23 =	simm.s32 $0x1B8B  }
0xa2: {  	_ =	swait.ge [sflag:s23], $0x1  }
0xa3: {  	[sflag:s23] =	ssyncset.done $0x0  }
0xa4: {  	s25 =	simm.s32 $0x1B8E;
	s24 =	sld [smem:$0x3FFE];
	[sflag:s23] =	ssyncadd.s32 $0xFFFFFFFF  }
0xa5: {  	s26 =	simm.s32 $execute0_lowered;
	[smem:$0x3FD2] =	sst s25  }
0xa6: {  	s5 =	sshll.u32 s26, $0x1;
	_ =	strace $0x80000046;
	[dreg:$0x1] =	wrdreg $0xFFFFFFFF  }
0xa7: {  	s28 =	simm.s32 $_size_execute0_lowered;
	s3 =	sadd.s32 s3, s5;
	[dreg:$0x0] =	wrdreg $0x0  }
0xa8: {  	s5 =	sshll.u32 s28, $0x1;
	[dreg:$0x2] =	wrdreg s3  }
0xa9: {  	[dreg:$0x3] =	wrdreg s5  }
0xaa: {  	[dreg:$0x4] =	wrdreg $0xC0  }
0xab: {  	_ =	task [dreg:s7], $0x5FFFF  }
0xac: {  	[dreg:$0x1] =	wrdreg $0xFFFFFFFF  }
0xad: {  	[dreg:$0x0] =	wrdreg $0x60  }
0xae: {  	[dreg:$0x2] =	wrdreg s2  }
0xaf: {  	[dreg:$0x3] =	wrdreg s24  }
0xb0: {  	[dreg:$0x4] =	wrdreg $0x53000  }
0xb1: {  	[dreg:$0x5] =	wrdreg $0x55780  }
0xb2: {  	[dreg:$0x6] =	wrdreg $0x9  }
0xb3: {  	_ =	task.clear_ibuf [dreg:s7], $0x7FFFF;
	_ =	strace $0x90000046  }
0xb4: {  	s29 =	simm.s32 $0x9;
	_ =	strace $0x80000048  }
0xb5: {  	_ =	swait.ge [sflag:s29], $0x1  }
0xb6: {  	[sflag:s29] =	ssyncadd.s32 $0xFFFFFFFF  }
0xb7: {  	_ =	strace $0x90000048  }
0xb8: {  	_ =	sfence  }
0xb9: {  	s30 =	sld [smem:$0x0];
	_ =	sdelay $0x2  }
0xba: {  	s31 =	sshll.u32 s1, $0xD;
	s1 =	sshrl.u32 s1, $0x2  }
0xbb: {  	s3 =	sand.u32 $0x4000, s31;
	s1 =	sadd.s32 s1, s30  }
0xbc: {  	s0 =	sor.u32 s3, s0;
	s1 =	sshll.u32 s1, $0x11  }
0xbd: {  	s0 =	sor.u32 s1, s0  }
0xbe: {  	s0 =	sadd.s32 $0x8F2B, s0  }
0xbf: {  	[sflag:s0] =	ssyncadd.remote.s32 $0x1  }
0xc0: {  	_ =	sfence.sel $0xFFFF  }
0xc1: {  	[dreg:$0x0] =	wrdreg $0xFFFFFFFF;
	(pc) =	sbr.abs _section_cstart, $3  }
0xc2: {  	[dreg:$0x1] =	wrdreg $0xFFFFFFFF  }
0xc3: {  	_ =	task.clear_ibuf [dreg:s7], $0x2FFFF;
	_ =	strace $0x9FFFFFFF  }
0xc4: {  	(tm) =	ssettm $0x7FFFFFFF  }
0xc5: {  	_ =	shalt  }
tec
execute0_lowered:
.L_overlay_start_1:
0x0: {  	(tag) =	ssettag $0x1  }
0x1: {  	s6 =	rddreg [dreg:$0x0]  }
0x2: {  	s8 =	rddreg [dreg:$0x1]  }
0x3: {  	s0 =	srdreg.scid;
	s2 =	rddreg [dreg:$0x2]  }
0x4: {  	s3 =	rddreg [dreg:$0x3];
	s4 =	simm.s32 $0x0;
	s16 =	simm.s32 $0x5000  }
0x5: {  	s17 =	simm.s32 $0x5080;
	s18 =	simm.s32 $0x80;
	s19 =	simm.s32 $0x0  }
0x6: {  	s7 =	sand.u32 $0x1, s0;
	s0 =	stileid.u32;
	[smem:$0x7FF] =	sst s4  }
0x7: {  	s5 =	sadd.s32 $0xBE00, s8;
	s1 =	sshll.u32 s7, $0x4;
	s10 =	smul.u32 $0x278, s0  }
0x8: {  	s11 =	smul.u32 $0x2780, s7;
	s7 =	ssub.s32 $0x2, s7;
	s1 =	sor.u32 s0, s1  }
0x9: {  	s31 =	sshrl.u32 s7, $0x1;
	s9 =	smul.u32 $0x500, s1;
	s1 =	rddreg [dreg:$0x4]  }
0xa: {  	_ =	strace $0x80000047;
	s11 =	sadd.s32 s10, s11;
	s13 =	sshrl.u32 s10, $0x3  }
0xb: {  	s15 =	ssub.s32 s7, s31;
	s11 =	sshrl.u32 s11, $0x3;
	s13 =	sadd.s32 s13, s8  }
0xc: {  	s12 =	sadd.s32 s9, s8;
	s14 =	sadd.s32 s11, s8;
	s6 =	sadd.s32 s6, s9  }
0xd: {  	s8 =	sadd.s32 $0xB800, s13;
	s9 =	sadd.s32 s10, s2;
	s10 =	sadd.s32 s10, s3  }
0xe: {  	s13 =	smax.u32 s15, $0x1;
	s15 =	simm.s32 $0x2800;
	s7 =	sadd.s32 $0x1800, s12  }
0xf: {  	s11 =	sadd.s32 $0xC000, s14;
	s12 =	sadd.s32 $0xCA00, s14;
	s14 =	simm.s32 $0x1  }
.LBB2_1:
0x10: {  	[tilespmem:s4], [sflag:$0x1] =	stream.linear.gather [hbm4b:s6+s4], $0x2800, $0x38;
	[tilespmem:$0x57F0] =	vst v63  }
0x11: {  	_ =	swait.ge [sflag:s14], $0x2800  }
0x12: {  	[sflag:s14] =	ssyncset.done $0x0  }
0x13: {  	[sflag:s14] =	ssyncadd.s32 $0xFFFFD800  }
0x14: {  	[tilespmem:s15], [sflag:$0x1] =	stream.linear.gather [hbm4b:s7+s4], $0x2800, $0x38;
	[tilespmem:$0x57F0] =	vst v63  }
0x15: {  	_ =	swait.ge [sflag:s14], $0x2800  }
0x16: {  	[sflag:s14] =	ssyncset.done $0x0  }
0x17: {  	[sflag:s14] =	ssyncadd.s32 $0xFFFFD800  }
0x18: {  	[tilespmem:s16], [sflag:$0x1] =	stream.linear.gather [hbm4b:s5+s4], $0x80, $0x38;
	[tilespmem:$0x57F0] =	vst v63  }
0x19: {  	_ =	swait.ge [sflag:s14], $0x80  }
0x1a: {  	[sflag:s14] =	ssyncset.done $0x0  }
0x1b: {  	[sflag:s14] =	ssyncadd.s32 $0xFFFFFF80  }
0x1c: {  	[tilespmem:s17], [sflag:$0x1] =	stream.linear.gather [hbm4b:s8+s4], $0x278, $0x38;
	[tilespmem:$0x57F0] =	vst v63  }
0x1d: {  	_ =	swait.ge [sflag:s14], $0x278  }
0x1e: {  	[sflag:s14] =	ssyncset.done $0x0  }
0x1f: {  	[sflag:s14] =	ssyncadd.s32 $0xFFFFFD88  }
0x20: {  	[spmem:s9] =	stream.linear.scatter [tilespmem:s17], [sflag:$0x1], $0x278, $0x38;
	[tilespmem:$0x57F0] =	vst v63  }
0x21: {  	_ =	swait.ge [sflag:s14], $0x278  }
0x22: {  	[sflag:s14] =	ssyncset.done $0x0  }
0x23: {  	[sflag:s14] =	ssyncadd.s32 $0xFFFFFD88  }
0x24: {  	[spmem:s10] =	stream.linear.scatter [tilespmem:s17], [sflag:$0x1], $0x278, $0x38;
	[tilespmem:$0x57F0] =	vst v63  }
0x25: {  	_ =	swait.ge [sflag:s14], $0x278  }
0x26: {  	[sflag:s14] =	ssyncset.done $0x0  }
0x27: {  	[sflag:s14] =	ssyncadd.s32 $0xFFFFFD88  }
0x28: {  	s20 =	simm.s32 $0x0;
	[bflag:$0x0] =	sbarrier.arrive $0xFFFF  }
0x29: {  	[spmem:s2] =	stream.indirect.scatter.add.f32 [tilespmem:s16], [sflag:$0x1], $0x1, s20, s18, $0xb8;
	[tilespmem:$0x57F0] =	vst v63  }
0x2a: {  	_ =	swait.ge [sflag:s14], $0x80  }
0x2b: {  	[sflag:s14] =	ssyncset.done $0x0  }
0x2c: {  	s31 =	simm.s32 $0x2800;
	[sflag:s14] =	ssyncadd.s32 $0xFFFFFF80  }
0x2d: {  	[spmem:s3] =	stream.indirect.scatter.add.f32 [tilespmem:s16], [sflag:$0x1], $0x1, s31, s18, $0xb8;
	[tilespmem:$0x57F0] =	vst v63  }
0x2e: {  	_ =	swait.ge [sflag:s14], $0x80  }
0x2f: {  	s21 =	simm.s32 $0x400;
	s20 =	simm.s32 $0x200;
	[sflag:s14] =	ssyncset.done $0x0  }
.LBB2_2:
0x30: {  	s22 =	sshra.s32 s20, $0x2  }
0x31: {  	[sflag:s14] =	ssyncadd.s32 $0xFFFFFF80;
	s20 =	smov.u32 s21;
	s23 =	sadd.s32 $0x200, s21  }
0x32: {  	[spmem:s2] =	stream.indirect.scatter.add.f32 [tilespmem:s16], [sflag:$0x1], $0x1, s22, s18, $0xb8;
	[tilespmem:$0x57F0] =	vst v63  }
0x33: {  	p0 =	sne.s32 s21, $0x9E00;
	_ =	swait.ge [sflag:s14], $0x80  }
.Ltmp0:
0x34: {  	[sflag:s14] =	ssyncset.done $0x0;
	(pc) =	sbr.rel @p0 .LBB2_2-.Ltmp0, $4  }
0x35: {  	s21 =	sadd.s32 $0x2800, s22;
	[sflag:s14] =	ssyncadd.s32 $0xFFFFFF80  }
0x36: {  	[spmem:s3] =	stream.indirect.scatter.add.f32 [tilespmem:s16], [sflag:$0x1], $0x1, s21, s18, $0xb8;
	[tilespmem:$0x57F0] =	vst v63  }
0x37: {  	_ =	swait.ge [sflag:s14], $0x80  }
0x38: {  	s21 =	smov.u32 s23;
	[sflag:s14] =	ssyncset.done $0x0  }
0x39: {  	s20 =	sshra.s32 s20, $0x2;
	[sflag:s14] =	ssyncadd.s32 $0xFFFFFF80  }
0x3a: {  	[spmem:s2] =	stream.indirect.scatter.add.f32 [tilespmem:s16], [sflag:$0x1], $0x1, s20, s18, $0xb8;
	[tilespmem:$0x57F0] =	vst v63  }
0x3b: {  	_ =	swait.ge [sflag:s14], $0x80  }
0x3c: {  	[sflag:s14] =	ssyncset.done $0x0  }
0x3d: {  	s20 =	sadd.s32 $0x2800, s20;
	[sflag:s14] =	ssyncadd.s32 $0xFFFFFF80  }
0x3e: {  	[spmem:s3] =	stream.indirect.scatter.add.f32 [tilespmem:s16], [sflag:$0x1], $0x1, s20, s18, $0xb8;
	[tilespmem:$0x57F0] =	vst v63  }
0x3f: {  	_ =	swait.ge [sflag:s14], $0x80  }
0x40: {  	[sflag:s14] =	ssyncset.done $0x0  }
0x41: {  	[sflag:s14] =	ssyncadd.s32 $0xFFFFFF80  }
0x42: {  	[bflag:$0x0] =	sbarrier.arrive $0xFFFF  }
0x43: {  	[tilespmem:s17], [sflag:$0x1] =	stream.linear.gather [spmem:s9], $0x278, $0x38;
	[tilespmem:$0x57F0] =	vst v63  }
0x44: {  	_ =	swait.ge [sflag:s14], $0x278  }
0x45: {  	[sflag:s14] =	ssyncset.done $0x0  }
0x46: {  	[sflag:s14] =	ssyncadd.s32 $0xFFFFFD88  }
0x47: {  	[hbm4b:s11+s4] =	stream.linear.scatter [tilespmem:s17], [sflag:$0x1], $0x278, $0x38;
	[tilespmem:$0x57F0] =	vst v63  }
0x48: {  	_ =	swait.ge [sflag:s14], $0x278  }
0x49: {  	[sflag:s14] =	ssyncset.done $0x0  }
0x4a: {  	[sflag:s14] =	ssyncadd.s32 $0xFFFFFD88  }
0x4b: {  	[tilespmem:s17], [sflag:$0x1] =	stream.linear.gather [spmem:s10], $0x278, $0x38;
	[tilespmem:$0x57F0] =	vst v63  }
0x4c: {  	s19 =	sadd.s32 $0x1, s19;
	_ =	swait.ge [sflag:s14], $0x278  }
0x4d: {  	p0 =	sne.s32 s19, s13;
	[sflag:s14] =	ssyncset.done $0x0  }
.Ltmp1:
0x4e: {  	[sflag:s14] =	ssyncadd.s32 $0xFFFFFD88;
	(pc) =	sbr.rel @p0 .LBB2_1-.Ltmp1, $4  }
0x4f: {  	[hbm4b:s12+s4] =	stream.linear.scatter [tilespmem:s17], [sflag:$0x1], $0x278, $0x38;
	[tilespmem:$0x57F0] =	vst v63  }
0x50: {  	_ =	swait.ge [sflag:s14], $0x278  }
0x51: {  	[sflag:s14] =	ssyncset.done $0x0  }
0x52: {  	[sflag:s14] =	ssyncadd.s32 $0xFFFFFD88  }
0x53: {  	_ =	sfence.sel $0x180000  }
0x54: {  	[bflag:$0x0] =	sbarrier.arrive $0xFFFF  }
0x55: {  	p0 =	sne.s32 s0, $0x0;
	_ =	strace $0x90000047  }
0x56: {  	s0 =	sadd.s32 @!p0 $0x100000, s1;
	[bflag:$0x2] =	sbarrier.arrive $0xFFFF  }
0x57: {  	[sflag:s0] =	ssyncadd.tile.s32 @!p0 $0x1;
	_ =	shalt  }
.Lfunc_end2:
_tile_overlayer_lowered:
.L_overlay_start_2:
0x58: {  	(tag) =	ssettag $0x2  }
0x59: {  	s0 =	rddreg [dreg:$0x0];
	s2 =	stileid.u32  }
0x5a: {  	s1 =	rddreg [dreg:$0x1];
	p0 =	sne.s32 s2, $0x0  }
0x5b: {  	s3 =	rddreg [dreg:$0x2];
	[bflag:$0x3] =	sbarrier.arrive $0xFFFF;
	s2 =	simm.s32 @!p0 $0x1C01  }
0x5c: {  	[timem:s3], [sflag:s2] =	dma.local @!p0 [hbm:s0], s1  }
0x5d: {  	s0 =	simm.s32 @!p0 $0x1  }
0x5e: {  	_ =	swait.ge @!p0 [sflag:s0], s1  }
0x5f: {  	s1 =	ssub.s32 @!p0 $0x0, s1;
	[sflag:s0] =	ssyncset.done @!p0 $0x0  }
0x60: {  	[sflag:s0] =	ssyncadd.s32 @!p0 s1  }
0x61: {  	[bflag:$0x3] =	sbarrier.arrive $0xFFFF  }
0x62: {  	_ =	shalt  }

// kernel: kernel.9.cloned.1.call-start
scs
__scs_entry_jumppad:
0x0: {  	(pc) =	sbr.rel $0x88, $3  }
0x1: {  	(tag) =	ssettag $0x0;
	lr =	simm.s32 $0x1  }
0x2: {  	[smem:$0x3F9D] =	sst lr;
	_ =	strace $0xD0000000  }
0x3: {  	_ = 	snop  }
0x4: {  	_ = 	snop  }
0x5: {  	_ = 	snop  }
0x6: {  	_ = 	snop  }
0x7: {  	_ = 	snop  }
__scs_overlays_trampoline_lowered:
0x8: {  	[smem:$0x3FAC] =	sst s0  }
0x9: {  	[smem:$0x3FAD] =	sst s1  }
0xa: {  	[smem:$0x3FAE] =	sst s2  }
0xb: {  	[smem:$0x3FAF] =	sst s3  }
0xc: {  	[smem:$0x3FB0] =	sst s4  }
0xd: {  	[smem:$0x3FB1] =	sst s5  }
0xe: {  	[smem:$0x3FB2] =	sst s6  }
0xf: {  	[smem:$0x3FB3] =	sst s7  }
0x10: {  	[smem:$0x3FB4] =	sst s8  }
0x11: {  	[smem:$0x3FB5] =	sst s9;
	s0 =	simm.s32 @!p0 $0x0  }
0x12: {  	s1 =	sld [smem:$0x3F9B];
	s0 =	simm.s32 @p0 $0x1  }
0x13: {  	[smem:$0x3FB6] =	sst s0;
	s0 =	simm.s32 @!p1 $0x0  }
0x14: {  	s2 =	sld [smem:$0x3F9A];
	s0 =	simm.s32 @p1 $0x1  }
0x15: {  	[smem:$0x3FB7] =	sst s0;
	s0 =	simm.s32 @!p2 $0x0  }
0x16: {  	s3 =	sld [smem:$0x3FDB];
	s0 =	simm.s32 @p2 $0x1  }
0x17: {  	s4 =	simm.s32 $0x1BF5;
	[smem:$0x3FB9] =	sst s0  }
0x18: {  	s0 =	sld [smem:$0x3F9C];
	_ =	swait.ge [sflag:s4], $0x0  }
0x19: {  	s7 =	sld [smem:$0x3F9D]  }
0x1a: {  	s8 =	sadd.s32 $0xFFFFE003, lr  }
0x1b: {  	s9 =	sadd.s32 $0xFFFFFEF7, lr;
	s5 =	simm.s32 $0xFFFFFFFF;
	p2 =	slt.u32 s8, $0xFFFFF086  }
0x1c: {  	p1 =	slt.u32 s9, $0xF7A;
	s5 =	simm.s32 @!p2 $0x0  }
0x1d: {  	s5 =	simm.s32 @p1 $0x1;
	p0 =	seq.s32 s7, s2  }
0x1e: {  	s7 =	smul.u32 @!p0 $0xF7A, s2;
	p2 =	seq.s32 @!p0 s5, $0x0  }
0x1f: {  	s9 =	smul.u32 $0xF7A, s1;
	s8 =	simm.s32 @!p0 $0x1BF5;
	p2 =	por !p2, p0  }
0x20: {  	[sflag:s8] =	ssyncset.s32 @!p0 $0xFFFFF086;
	s6 =	sadd.s32 @!p0 s3, s7;
	s7 =	simm.s32 @!p0 $0x108  }
0x21: {  	s3 =	sadd.s32 s3, s9;
	s6 =	sadd.s32 @!p0 $0x88, s6;
	s7 =	simm.s32 @p2 $0x1082  }
0x22: {  	[simem:s7], [sflag:s8] =	dma.local @!p0 [hbm:s6], $0xF7A  }
0x23: {  	s9 =	sor.u32 $0xD0000000, s2;
	s6 =	simm.s32 $0x108;
	_ =	swait.ge @!p0 [sflag:s8], $0x0  }
0x24: {  	s3 =	sadd.s32 $0x88, s3;
	s6 =	simm.s32 @!p1 $0x1082;
	[sflag:s4] =	ssyncset.s32 $0xFFFFF086  }
0x25: {  	[simem:s6], [sflag:s4] =	dma.local [hbm:s3], $0xF7A  }
0x26: {  	[smem:$0x3F9D] =	sst s1;
	(tag) =	ssettag s2;
	_ =	strace s9  }
0x27: {  	s1 =	sld [smem:$0x3FAD]  }
0x28: {  	s2 =	sld [smem:$0x3FAE]  }
0x29: {  	s4 =	sld [smem:$0x3FB0]  }
0x2a: {  	p0 =	seq.s32 s5, $0x0;
	s5 =	sld [smem:$0x3FB1]  }
0x2b: {  	s6 =	sld [smem:$0x3FB2]  }
0x2c: {  	s7 =	sld [smem:$0x3FB3]  }
0x2d: {  	s3 =	simm.s32 $0x108;
	s8 =	sld [smem:$0x3FB4]  }
0x2e: {  	s3 =	simm.s32 @!p0 $0x1082;
	s9 =	sld [smem:$0x3FB5]  }
0x2f: {  	lr =	sadd.s32 s0, s3;
	s0 =	sld [smem:$0x3FAC]  }
0x30: {  	s3 =	sld [smem:$0x3FAF]  }
0x31: {  	[smem:$0x3FB8] =	sst s10  }
0x32: {  	s10 =	sld [smem:$0x3FB6];
	_ =	sdelay $0x3  }
0x33: {  	p0 =	seq.s32 s10, $0x1;
	s10 =	sld [smem:$0x3FB8];
	_ =	sdelay $0x3  }
0x34: {  	[smem:$0x3FB8] =	sst s10  }
0x35: {  	s10 =	sld [smem:$0x3FB7];
	_ =	sdelay $0x3  }
0x36: {  	p1 =	seq.s32 s10, $0x1;
	s10 =	sld [smem:$0x3FB8];
	_ =	sdelay $0x3  }
0x37: {  	[smem:$0x3FB8] =	sst s10  }
0x38: {  	s10 =	sld [smem:$0x3FB9]  }
0x39: {  	_ = 	snop;
	(pc) =	sbr.ind lr, $3  }
0x3a: {  	_ = 	snop  }
0x3b: {  	_ = 	snop  }
0x3c: {  	p2 =	seq.s32 s10, $0x1;
	s10 =	sld [smem:$0x3FB8]  }
0x3d: {  	_ =	shalt  }
0x3e: {  	_ =	shalt  }
0x3f: {  	_ =	shalt  }
0x40: {  	_ =	shalt  }
0x41: {  	_ =	shalt  }
0x42: {  	_ =	shalt  }
0x43: {  	_ =	shalt  }
0x44: {  	_ =	shalt  }
0x45: {  	_ =	shalt  }
0x46: {  	_ =	shalt  }
0x47: {  	_ =	shalt  }
0x48: {  	_ =	shalt  }
0x49: {  	_ =	shalt  }
0x4a: {  	_ =	shalt  }
0x4b: {  	_ =	shalt  }
0x4c: {  	_ =	shalt  }
0x4d: {  	_ =	shalt  }
0x4e: {  	_ =	shalt  }
0x4f: {  	_ =	shalt  }
0x50: {  	_ =	shalt  }
0x51: {  	_ =	shalt  }
0x52: {  	_ =	shalt  }
0x53: {  	_ =	shalt  }
0x54: {  	_ =	shalt  }
0x55: {  	_ =	shalt  }
0x56: {  	_ =	shalt  }
0x57: {  	_ =	shalt  }
0x58: {  	_ =	shalt  }
0x59: {  	_ =	shalt  }
0x5a: {  	_ =	shalt  }
0x5b: {  	_ =	shalt  }
0x5c: {  	_ =	shalt  }
0x5d: {  	_ =	shalt  }
0x5e: {  	_ =	shalt  }
0x5f: {  	_ =	shalt  }
0x60: {  	_ =	shalt  }
0x61: {  	_ =	shalt  }
0x62: {  	_ =	shalt  }
0x63: {  	_ =	shalt  }
0x64: {  	_ =	shalt  }
0x65: {  	_ =	shalt  }
0x66: {  	_ =	shalt  }
0x67: {  	_ =	shalt  }
0x68: {  	_ =	shalt  }
0x69: {  	_ =	shalt  }
0x6a: {  	_ =	shalt  }
0x6b: {  	_ =	shalt  }
0x6c: {  	_ =	shalt  }
0x6d: {  	_ =	shalt  }
0x6e: {  	_ =	shalt  }
0x6f: {  	_ =	shalt  }
0x70: {  	_ =	shalt  }
0x71: {  	_ =	shalt  }
0x72: {  	_ =	shalt  }
0x73: {  	_ =	shalt  }
0x74: {  	_ =	shalt  }
0x75: {  	_ =	shalt  }
0x76: {  	_ =	shalt  }
0x77: {  	_ =	shalt  }
0x78: {  	_ =	shalt  }
0x79: {  	_ =	shalt  }
0x7a: {  	_ =	shalt  }
0x7b: {  	_ =	shalt  }
0x7c: {  	_ =	shalt  }
0x7d: {  	_ =	shalt  }
0x7e: {  	_ =	shalt  }
0x7f: {  	_ =	shalt  }
0x80: {  	_ =	shalt  }
0x81: {  	_ =	shalt  }
0x82: {  	_ =	shalt  }
0x83: {  	_ =	shalt  }
0x84: {  	_ =	shalt  }
0x85: {  	_ =	shalt  }
0x86: {  	_ =	shalt  }
0x87: {  	_ =	shalt  }
.Lfunc_end0:
.L_simem_size_0:
called_computation.1_lowered:
.L_overlay_start_0:
0x88: {  	s2 =	sld [smem:$0x3FD9]  }
0x89: {  	s3 =	sld [smem:$0x3FFE];
	_ =	sdelay $0x1  }
0x8a: {  	s1 =	srdreg.scid  }
0x8b: {  	s0 =	sand.u32 $0x1, s1  }
0x8c: {  	s17 =	sshll.u32 s0, $0xA;
	s2 =	sadd.s32 s3, s2  }
0x8d: {  	s2 =	sadd.s32 s2, s17  }
0x8e: {  	[smem:$0x3FC4] =	sst s2  }
0x8f: {  	_ = 	snop  }
0x90: {  	s2 =	sld [smem:$0x3FD0];
	(tm) =	ssettm $0x1  }
0x91: {  	s18 =	sld [smem:$0x3FFB];
	_ =	sdelay $0x3  }
0x92: {  	_ =	strace s18  }
0x93: {  	s3 =	sld [smem:$0x3FFC];
	_ =	sdelay $0x3  }
0x94: {  	_ =	strace s3  }
0x95: {  	s3 =	sld [smem:$0x3FFD];
	_ =	sdelay $0x3  }
0x96: {  	_ =	strace s3  }
0x97: {  	_ =	strace $0x8FFFFFFF  }
0x98: {  	s19 =	sld [smem:$0x3FDB];
	_ =	sdelay $0x1  }
0x99: {  	s4 =	simm.s32 $_scs_section_size  }
0x9a: {  	s5 =	simm.s32 $_size__tile_overlayer_lowered;
	s6 =	simm.s32 $_tile_overlayer_lowered  }
0x9b: {  	s22 =	simm.s32 $0x1BFF;
	s21 =	sshll.u32 s6, $0x1;
	s3 =	sadd.s32 s4, s19  }
0x9c: {  	s7 =	simm.s32 $0x0;
	s20 =	sshll.u32 s5, $0x1;
	s5 =	sadd.s32 s21, s3  }
0x9d: {  	[timem:s7], [sflag:s22] =	dma.local [hbm:s5], s20  }
0x9e: {  	_ =	swait.ge [sflag:s22], s20  }
0x9f: {  	s4 =	ssub.s32 $0x0, s20;
	[sflag:s22] =	ssyncset.done $0x0  }
0xa0: {  	[sflag:s22] =	ssyncadd.s32 s4;
	_ =	sdelay $0x1  }
0xa1: {  	s23 =	simm.s32 $0x1B8B  }
0xa2: {  	_ =	swait.ge [sflag:s23], $0x1  }
0xa3: {  	[sflag:s23] =	ssyncset.done $0x0  }
0xa4: {  	s25 =	simm.s32 $0x1B8E;
	s24 =	sld [smem:$0x3FFE];
	[sflag:s23] =	ssyncadd.s32 $0xFFFFFFFF  }
0xa5: {  	s26 =	simm.s32 $execute0_lowered;
	[smem:$0x3FD2] =	sst s25  }
0xa6: {  	s5 =	sshll.u32 s26, $0x1;
	_ =	strace $0x80000049;
	[dreg:$0x1] =	wrdreg $0xFFFFFFFF  }
0xa7: {  	s28 =	simm.s32 $_size_execute0_lowered;
	s3 =	sadd.s32 s3, s5;
	[dreg:$0x0] =	wrdreg $0x0  }
0xa8: {  	s5 =	sshll.u32 s28, $0x1;
	[dreg:$0x2] =	wrdreg s3  }
0xa9: {  	[dreg:$0x3] =	wrdreg s5  }
0xaa: {  	[dreg:$0x4] =	wrdreg $0xC0  }
0xab: {  	_ =	task [dreg:s7], $0x5FFFF  }
0xac: {  	[dreg:$0x1] =	wrdreg $0xFFFFFFFF  }
0xad: {  	[dreg:$0x0] =	wrdreg $0x60  }
0xae: {  	[dreg:$0x2] =	wrdreg s24  }
0xaf: {  	[dreg:$0x3] =	wrdreg s2  }
0xb0: {  	[dreg:$0x4] =	wrdreg $0xA8000  }
0xb1: {  	[dreg:$0x5] =	wrdreg $0x9  }
0xb2: {  	_ =	task.clear_ibuf [dreg:s7], $0x6FFFF;
	_ =	strace $0x90000049  }
0xb3: {  	s29 =	simm.s32 $0x9;
	_ =	strace $0x8000004B  }
0xb4: {  	_ =	swait.ge [sflag:s29], $0x1  }
0xb5: {  	[sflag:s29] =	ssyncadd.s32 $0xFFFFFFFF  }
0xb6: {  	_ =	strace $0x9000004B  }
0xb7: {  	_ =	sfence  }
0xb8: {  	s30 =	sld [smem:$0x0];
	_ =	sdelay $0x2  }
0xb9: {  	s31 =	sshll.u32 s1, $0xD;
	s1 =	sshrl.u32 s1, $0x2  }
0xba: {  	s3 =	sand.u32 $0x4000, s31;
	s1 =	sadd.s32 s1, s30  }
0xbb: {  	s0 =	sor.u32 s3, s0;
	s1 =	sshll.u32 s1, $0x11  }
0xbc: {  	s0 =	sor.u32 s1, s0  }
0xbd: {  	s0 =	sadd.s32 $0x8F2B, s0  }
0xbe: {  	[sflag:s0] =	ssyncadd.remote.s32 $0x1  }
0xbf: {  	_ =	sfence.sel $0xFFFF  }
0xc0: {  	[dreg:$0x0] =	wrdreg $0xFFFFFFFF;
	(pc) =	sbr.abs _section_cstart, $3  }
0xc1: {  	[dreg:$0x1] =	wrdreg $0xFFFFFFFF  }
0xc2: {  	_ =	task.clear_ibuf [dreg:s7], $0x2FFFF;
	_ =	strace $0x9FFFFFFF  }
0xc3: {  	(tm) =	ssettm $0x7FFFFFFF  }
tec
execute0_lowered:
.L_overlay_start_1:
0x0: {  	(tag) =	ssettag $0x1  }
0x1: {  	s0 =	rddreg [dreg:$0x0]  }
0x2: {  	s3 =	rddreg [dreg:$0x1]  }
0x3: {  	s1 =	rddreg [dreg:$0x2];
	s2 =	simm.s32 $0x0  }
0x4: {  	s5 =	srdreg.scid;
	s14 =	stileid.u32;
	s28 =	simm.s32 $0x1400  }
0x5: {  	s29 =	simm.s32 $0x80;
	s30 =	simm.s32 $0x6800;
	s31 =	simm.s32 $0x1  }
0x6: {  	[smem:$0x7FF] =	sst s2;
	s4 =	sadd.s32 $0xD400, s0;
	s9 =	smul.u32 $0x278, s14  }
0x7: {  	s7 =	sadd.s32 $0x1800, s0;
	s5 =	sand.u32 $0x1, s5;
	s12 =	smul.u32 $0x13C00, s14  }
0x8: {  	s11 =	sadd.s32 $0x34C00, s0;
	s13 =	smul.u32 $0x4F000, s14;
	s0 =	sadd.s32 $0x5C400, s0  }
0x9: {  	_ =	strace $0x8000004A;
	s6 =	ssub.s32 $0x2, s5;
	s10 =	sshll.u32 s5, $0x4  }
0xa: {  	s5 =	smul.u32 $0x13C000, s5;
	s8 =	sshrl.u32 s6, $0x1;
	s10 =	sor.u32 s14, s10  }
0xb: {  	s17 =	sshrl.u32 s12, $0x3;
	s18 =	sshrl.u32 s13, $0x2;
	s19 =	sadd.s32 $0x80, s9  }
0xc: {  	s21 =	sadd.s32 $0x100, s9;
	s22 =	sadd.s32 $0x180, s9;
	s9 =	sadd.s32 $0x200, s9  }
0xd: {  	s24 =	ssub.s32 s6, s8;
	s6 =	sadd.s32 s11, s17;
	s20 =	sshll.u32 s19, $0x4  }
0xe: {  	s13 =	sshll.u32 s19, $0x7;
	s14 =	sshll.u32 s21, $0x4;
	s15 =	smul.u32 $0x2800, s10  }
0xf: {  	s19 =	sshll.u32 s22, $0x7;
	s16 =	sshll.u32 s9, $0x4;
	s9 =	sshll.u32 s9, $0x7  }
0x10: {  	[dreg:$0x4] =	wrdreg s6;
	s6 =	sadd.s32 s18, s1;
	s8 =	sadd.s32 s11, s20  }
0x11: {  	s18 =	sshll.u32 s21, $0x7;
	s14 =	sadd.s32 s11, s14;
	s17 =	sadd.s32 s19, s1  }
0x12: {  	s24 =	smax.u32 s24, $0x1;
	[dreg:$0x6] =	wrdreg s14;
	s14 =	sshll.u32 s22, $0x4  }
0x13: {  	[dreg:$0x5] =	wrdreg s8;
	s8 =	sadd.s32 s13, s1;
	s14 =	sadd.s32 s11, s14  }
0x14: {  	s15 =	sshrl.u32 s15, $0x3;
	s11 =	sadd.s32 s11, s16;
	[dreg:$0x7] =	wrdreg s14  }
0x15: {  	s10 =	sadd.s32 s18, s1;
	s23 =	sadd.s32 s3, s15;
	[dreg:$0x8] =	wrdreg s11  }
0x16: {  	s25 =	sadd.s32 s7, s15;
	s26 =	sadd.s32 $0x280, s15;
	[dreg:$0x9] =	wrdreg s23  }
0x17: {  	[dreg:$0xa] =	wrdreg s25;
	s15 =	sadd.s32 s3, s26;
	s16 =	sadd.s32 s7, s26  }
0x18: {  	s11 =	sadd.s32 s12, s5;
	s12 =	sadd.s32 s5, s13;
	s13 =	sadd.s32 s5, s18  }
0x19: {  	s14 =	sadd.s32 s5, s19;
	s5 =	sadd.s32 s5, s9;
	s18 =	sadd.s32 s9, s1  }
0x1a: {  	s3 =	simm.s32 $0x2;
	s7 =	simm.s32 $0x2700;
	s9 =	simm.s32 $0x2780  }
0x1b: {  	s22 =	sshrl.u32 s11, $0x3;
	s23 =	sshrl.u32 s12, $0x3;
	s25 =	sshrl.u32 s13, $0x3  }
0x1c: {  	s26 =	sshrl.u32 s14, $0x3;
	s5 =	sshrl.u32 s5, $0x3;
	s11 =	simm.s32 $0x0  }
0x1d: {  	s19 =	sadd.s32 s0, s22;
	s20 =	sadd.s32 s0, s23;
	s21 =	sadd.s32 s0, s25  }
0x1e: {  	s22 =	sadd.s32 s0, s26;
	s23 =	sadd.s32 s0, s5;
	s25 =	simm.s32 $0x2800  }
0x1f: {  	s26 =	simm.s32 $0x5;
	s0 =	simm.s32 $0x3;
	s5 =	simm.s32 $0x4  }
.LBB2_1:
0x20: {  	s12 =	rddreg [dreg:$0x4]  }
0x21: {  	[tilespmem:s25], [sflag:$0x5] =	stream.linear.gather [hbm4b:s12+s2], $0x4000, $0x38;
	[tilespmem:$0x1E400] =	vst v63  }
0x22: {  	_ =	swait.ge [sflag:s26], $0x4000  }
0x23: {  	[sflag:s26] =	ssyncset.done $0x0  }
0x24: {  	[sflag:s26] =	ssyncadd.s32 $0xFFFFC000  }
0x25: {  	[spmem:s6] =	stream.linear.scatter [tilespmem:s25], [sflag:$0x5], $0x4000, $0x38;
	[tilespmem:$0x1E400] =	vst v63  }
0x26: {  	_ =	swait.ge [sflag:s26], $0x4000  }
0x27: {  	[sflag:s26] =	ssyncset.done $0x0  }
0x28: {  	s14 =	rddreg [dreg:$0x5];
	[sflag:s26] =	ssyncadd.s32 $0xFFFFC000  }
0x29: {  	[tilespmem:s25], [sflag:$0x5] =	stream.linear.gather [hbm4b:s14+s2], $0x4000, $0x38;
	[tilespmem:$0x1E400] =	vst v63  }
0x2a: {  	_ =	swait.ge [sflag:s26], $0x4000  }
0x2b: {  	[sflag:s26] =	ssyncset.done $0x0  }
0x2c: {  	[sflag:s26] =	ssyncadd.s32 $0xFFFFC000  }
0x2d: {  	[spmem:s8] =	stream.linear.scatter [tilespmem:s25], [sflag:$0x5], $0x4000, $0x38;
	[tilespmem:$0x1E400] =	vst v63  }
0x2e: {  	_ =	swait.ge [sflag:s26], $0x4000  }
0x2f: {  	[sflag:s26] =	ssyncset.done $0x0  }
0x30: {  	s13 =	rddreg [dreg:$0x6];
	[sflag:s26] =	ssyncadd.s32 $0xFFFFC000  }
0x31: {  	[tilespmem:s25], [sflag:$0x5] =	stream.linear.gather [hbm4b:s13+s2], $0x4000, $0x38;
	[tilespmem:$0x1E400] =	vst v63  }
0x32: {  	_ =	swait.ge [sflag:s26], $0x4000  }
0x33: {  	[sflag:s26] =	ssyncset.done $0x0  }
0x34: {  	[sflag:s26] =	ssyncadd.s32 $0xFFFFC000  }
0x35: {  	[spmem:s10] =	stream.linear.scatter [tilespmem:s25], [sflag:$0x5], $0x4000, $0x38;
	[tilespmem:$0x1E400] =	vst v63  }
0x36: {  	_ =	swait.ge [sflag:s26], $0x4000  }
0x37: {  	[sflag:s26] =	ssyncset.done $0x0  }
0x38: {  	s14 =	rddreg [dreg:$0x7];
	[sflag:s26] =	ssyncadd.s32 $0xFFFFC000  }
0x39: {  	[tilespmem:s25], [sflag:$0x5] =	stream.linear.gather [hbm4b:s14+s2], $0x4000, $0x38;
	[tilespmem:$0x1E400] =	vst v63  }
0x3a: {  	_ =	swait.ge [sflag:s26], $0x4000  }
0x3b: {  	[sflag:s26] =	ssyncset.done $0x0  }
0x3c: {  	[sflag:s26] =	ssyncadd.s32 $0xFFFFC000  }
0x3d: {  	[spmem:s17] =	stream.linear.scatter [tilespmem:s25], [sflag:$0x5], $0x4000, $0x38;
	[tilespmem:$0x1E400] =	vst v63  }
0x3e: {  	_ =	swait.ge [sflag:s26], $0x4000  }
0x3f: {  	[sflag:s26] =	ssyncset.done $0x0  }
0x40: {  	s13 =	rddreg [dreg:$0x8];
	[sflag:s26] =	ssyncadd.s32 $0xFFFFC000  }
0x41: {  	[tilespmem:s25], [sflag:$0x5] =	stream.linear.gather [hbm4b:s13+s2], $0x3C00, $0x38;
	[tilespmem:$0x1E400] =	vst v63  }
0x42: {  	_ =	swait.ge [sflag:s26], $0x3C00  }
0x43: {  	[sflag:s26] =	ssyncset.done $0x0  }
0x44: {  	[sflag:s26] =	ssyncadd.s32 $0xFFFFC400  }
0x45: {  	[spmem:s18] =	stream.linear.scatter [tilespmem:s25], [sflag:$0x5], $0x3C00, $0x38;
	[tilespmem:$0x1E400] =	vst v63  }
0x46: {  	_ =	swait.ge [sflag:s26], $0x3C00  }
0x47: {  	[sflag:s26] =	ssyncset.done $0x0  }
0x48: {  	[sflag:s26] =	ssyncadd.s32 $0xFFFFC400  }
0x49: {  	[bflag:$0x0] =	sbarrier.arrive $0xFFFF  }
0x4a: {  	s14 =	rddreg [dreg:$0x9]  }
0x4b: {  	[tilespmem:s2], [sflag:$0x5] =	stream.linear.gather [hbm4b:s14+s2], $0x1400, $0x38;
	[tilespmem:$0x1E400] =	vst v63  }
0x4c: {  	_ =	swait.ge [sflag:s26], $0x1400  }
0x4d: {  	[sflag:s26] =	ssyncset.done $0x0  }
0x4e: {  	s13 =	rddreg [dreg:$0xa];
	[sflag:s26] =	ssyncadd.s32 $0xFFFFEC00  }
0x4f: {  	[tilespmem:s28], [sflag:$0x5] =	stream.linear.gather [hbm4b:s13+s2], $0x1400, $0x38;
	[tilespmem:$0x1E400] =	vst v63  }
0x50: {  	_ =	swait.ge [sflag:s26], $0x1400  }
0x51: {  	[sflag:s26] =	ssyncset.done $0x0  }
0x52: {  	[sflag:s26] =	ssyncadd.s32 $0xFFFFEC00  }
0x53: {  	[tilespmem:s25], [sflag:$0x1] =	stream.indirect.gather [hbm4b:s4+s29], $0x80, s2, s29, $0xb8;
	[tilespmem:$0x1E400] =	vst v63  }
0x54: {  	_ = 	snop  }
0x55: {  	[tilespmem:s30], [sflag:$0x2] =	stream.indirect.gather [hbm4b:s4+s29], $0x80, s29, s29, $0xb8;
	[tilespmem:$0x1E400] =	vst v63  }
0x56: {  	_ =	swait.ge [sflag:s31], $0x4000  }
0x57: {  	[sflag:s31] =	ssyncset.done $0x0  }
0x58: {  	s14 =	simm.s32 $0x1400;
	[sflag:s31] =	ssyncadd.s32 $0xFFFFC000  }
0x59: {  	[spmem:s1] =	stream.indirect.scatter.add.f32 [tilespmem:s25], [sflag:$0x3], $0x80, s14, s29, $0xb8;
	[tilespmem:$0x1E400] =	vst v63  }
0x5a: {  	_ =	swait.ge [sflag:s0], $0x4000  }
0x5b: {  	[sflag:s0] =	ssyncset.done $0x0  }
0x5c: {  	s13 =	simm.s32 $0x100;
	[sflag:s0] =	ssyncadd.s32 $0xFFFFC000  }
0x5d: {  	[tilespmem:s25], [sflag:$0x1] =	stream.indirect.gather [hbm4b:s4+s29], $0x80, s13, s29, $0xb8;
	[tilespmem:$0x1E400] =	vst v63  }
0x5e: {  	_ =	swait.ge [sflag:s3], $0x4000  }
0x5f: {  	[sflag:s3] =	ssyncset.done $0x0  }
0x60: {  	s14 =	simm.s32 $0x1480;
	[sflag:s3] =	ssyncadd.s32 $0xFFFFC000  }
0x61: {  	[spmem:s1] =	stream.indirect.scatter.add.f32 [tilespmem:s30], [sflag:$0x4], $0x80, s14, s29, $0xb8;
	[tilespmem:$0x1E400] =	vst v63  }
0x62: {  	_ =	swait.ge [sflag:s5], $0x4000  }
0x63: {  	[sflag:s5] =	ssyncset.done $0x0  }
0x64: {  	s12 =	simm.s32 $0x400;
	s13 =	simm.s32 $0x180;
	[sflag:s5] =	ssyncadd.s32 $0xFFFFC000  }
.LBB2_2:
0x65: {  	[tilespmem:s30], [sflag:$0x2] =	stream.indirect.gather [hbm4b:s4+s29], $0x80, s13, s29, $0xb8;
	[tilespmem:$0x1E400] =	vst v63  }
0x66: {  	s13 =	smov.u32 s12  }
0x67: {  	p0 =	sne.s32 s12, $0x4800;
	s12 =	sadd.s32 $0x400, s12;
	_ =	swait.ge [sflag:s31], $0x4000  }
0x68: {  	s13 =	sshra.s32 s13, $0x2;
	[sflag:s31] =	ssyncset.done $0x0  }
0x69: {  	s14 =	sadd.s32 $0x1400, s13;
	[sflag:s31] =	ssyncadd.s32 $0xFFFFC000  }
0x6a: {  	[spmem:s1] =	stream.indirect.scatter.add.f32 [tilespmem:s25], [sflag:$0x3], $0x80, s14, s29, $0xb8;
	[tilespmem:$0x1E400] =	vst v63  }
0x6b: {  	_ =	swait.ge [sflag:s0], $0x4000  }
0x6c: {  	[sflag:s0] =	ssyncset.done $0x0  }
0x6d: {  	s14 =	sadd.s32 $0x100, s13;
	[sflag:s0] =	ssyncadd.s32 $0xFFFFC000  }
0x6e: {  	[tilespmem:s25], [sflag:$0x1] =	stream.indirect.gather [hbm4b:s4+s29], $0x80, s14, s29, $0xb8;
	[tilespmem:$0x1E400] =	vst v63  }
0x6f: {  	_ =	swait.ge [sflag:s3], $0x4000  }
0x70: {  	[sflag:s3] =	ssyncset.done $0x0  }
.Ltmp0:
0x71: {  	s14 =	sadd.s32 $0x1480, s13;
	[sflag:s3] =	ssyncadd.s32 $0xFFFFC000;
	(pc) =	sbr.rel @p0 .LBB2_2-.Ltmp0, $4  }
0x72: {  	[spmem:s1] =	stream.indirect.scatter.add.f32 [tilespmem:s30], [sflag:$0x4], $0x80, s14, s29, $0xb8;
	[tilespmem:$0x1E400] =	vst v63  }
0x73: {  	_ =	swait.ge [sflag:s5], $0x4000  }
0x74: {  	[sflag:s5] =	ssyncset.done $0x0  }
0x75: {  	s13 =	sadd.s32 $0x180, s13;
	[sflag:s5] =	ssyncadd.s32 $0xFFFFC000  }
0x76: {  	[tilespmem:s30], [sflag:$0x2] =	stream.indirect.gather [hbm4b:s4+s29], $0x80, s13, s29, $0xb8;
	[tilespmem:$0x1E400] =	vst v63  }
0x77: {  	_ =	swait.ge [sflag:s31], $0x4000  }
0x78: {  	[sflag:s31] =	ssyncset.done $0x0  }
0x79: {  	[sflag:s31] =	ssyncadd.s32 $0xFFFFC000  }
0x7a: {  	[spmem:s1] =	stream.indirect.scatter.add.f32 [tilespmem:s25], [sflag:$0x3], $0x80, s7, s29, $0xb8;
	[tilespmem:$0x1E400] =	vst v63  }
0x7b: {  	_ =	swait.ge [sflag:s0], $0x4000  }
0x7c: {  	[sflag:s0] =	ssyncset.done $0x0  }
0x7d: {  	[sflag:s0] =	ssyncadd.s32 $0xFFFFC000  }
0x7e: {  	_ =	swait.ge [sflag:s3], $0x4000  }
0x7f: {  	[sflag:s3] =	ssyncset.done $0x0  }
0x80: {  	[sflag:s3] =	ssyncadd.s32 $0xFFFFC000  }
0x81: {  	[spmem:s1] =	stream.indirect.scatter.add.f32 [tilespmem:s30], [sflag:$0x4], $0x80, s9, s29, $0xb8;
	[tilespmem:$0x1E400] =	vst v63  }
0x82: {  	_ =	swait.ge [sflag:s5], $0x4000  }
0x83: {  	[sflag:s5] =	ssyncset.done $0x0  }
0x84: {  	s12 =	simm.s32 $0x0;
	[sflag:s5] =	ssyncadd.s32 $0xFFFFC000  }
0x85: {  	[tilespmem:s12], [sflag:$0x5] =	stream.linear.gather [hbm4b:s15+s12], $0x1400, $0x38;
	[tilespmem:$0x1E400] =	vst v63  }
0x86: {  	_ =	swait.ge [sflag:s26], $0x1400  }
0x87: {  	[sflag:s26] =	ssyncset.done $0x0  }
0x88: {  	[sflag:s26] =	ssyncadd.s32 $0xFFFFEC00  }
0x89: {  	[tilespmem:s28], [sflag:$0x5] =	stream.linear.gather [hbm4b:s16+s12], $0x1400, $0x38;
	[tilespmem:$0x1E400] =	vst v63  }
0x8a: {  	_ =	swait.ge [sflag:s26], $0x1400  }
0x8b: {  	[sflag:s26] =	ssyncset.done $0x0  }
0x8c: {  	[sflag:s26] =	ssyncadd.s32 $0xFFFFEC00  }
0x8d: {  	[tilespmem:s25], [sflag:$0x1] =	stream.indirect.gather [hbm4b:s4+s29], $0x80, s12, s29, $0xb8;
	[tilespmem:$0x1E400] =	vst v63  }
0x8e: {  	_ = 	snop  }
0x8f: {  	[tilespmem:s30], [sflag:$0x2] =	stream.indirect.gather [hbm4b:s4+s29], $0x80, s29, s29, $0xb8;
	[tilespmem:$0x1E400] =	vst v63  }
0x90: {  	_ =	swait.ge [sflag:s31], $0x4000  }
0x91: {  	[sflag:s31] =	ssyncset.done $0x0  }
0x92: {  	s14 =	simm.s32 $0x1400;
	[sflag:s31] =	ssyncadd.s32 $0xFFFFC000  }
0x93: {  	[spmem:s1] =	stream.indirect.scatter.add.f32 [tilespmem:s25], [sflag:$0x3], $0x80, s14, s29, $0xb8;
	[tilespmem:$0x1E400] =	vst v63  }
0x94: {  	_ =	swait.ge [sflag:s0], $0x4000  }
0x95: {  	[sflag:s0] =	ssyncset.done $0x0  }
0x96: {  	s13 =	simm.s32 $0x100;
	[sflag:s0] =	ssyncadd.s32 $0xFFFFC000  }
0x97: {  	[tilespmem:s25], [sflag:$0x1] =	stream.indirect.gather [hbm4b:s4+s29], $0x80, s13, s29, $0xb8;
	[tilespmem:$0x1E400] =	vst v63  }
0x98: {  	_ =	swait.ge [sflag:s3], $0x4000  }
0x99: {  	[sflag:s3] =	ssyncset.done $0x0  }
0x9a: {  	s14 =	simm.s32 $0x1480;
	[sflag:s3] =	ssyncadd.s32 $0xFFFFC000  }
0x9b: {  	[spmem:s1] =	stream.indirect.scatter.add.f32 [tilespmem:s30], [sflag:$0x4], $0x80, s14, s29, $0xb8;
	[tilespmem:$0x1E400] =	vst v63  }
0x9c: {  	_ =	swait.ge [sflag:s5], $0x4000  }
0x9d: {  	[sflag:s5] =	ssyncset.done $0x0  }
0x9e: {  	s12 =	simm.s32 $0x400;
	s13 =	simm.s32 $0x180;
	[sflag:s5] =	ssyncadd.s32 $0xFFFFC000  }
.LBB2_4:
0x9f: {  	[tilespmem:s30], [sflag:$0x2] =	stream.indirect.gather [hbm4b:s4+s29], $0x80, s13, s29, $0xb8;
	[tilespmem:$0x1E400] =	vst v63  }
0xa0: {  	s13 =	smov.u32 s12  }
0xa1: {  	p0 =	sne.s32 s12, $0x4800;
	s12 =	sadd.s32 $0x400, s12;
	_ =	swait.ge [sflag:s31], $0x4000  }
0xa2: {  	s13 =	sshra.s32 s13, $0x2;
	[sflag:s31] =	ssyncset.done $0x0  }
0xa3: {  	s14 =	sadd.s32 $0x1400, s13;
	[sflag:s31] =	ssyncadd.s32 $0xFFFFC000  }
0xa4: {  	[spmem:s1] =	stream.indirect.scatter.add.f32 [tilespmem:s25], [sflag:$0x3], $0x80, s14, s29, $0xb8;
	[tilespmem:$0x1E400] =	vst v63  }
0xa5: {  	_ =	swait.ge [sflag:s0], $0x4000  }
0xa6: {  	[sflag:s0] =	ssyncset.done $0x0  }
0xa7: {  	s14 =	sadd.s32 $0x100, s13;
	[sflag:s0] =	ssyncadd.s32 $0xFFFFC000  }
0xa8: {  	[tilespmem:s25], [sflag:$0x1] =	stream.indirect.gather [hbm4b:s4+s29], $0x80, s14, s29, $0xb8;
	[tilespmem:$0x1E400] =	vst v63  }
0xa9: {  	_ =	swait.ge [sflag:s3], $0x4000  }
0xaa: {  	[sflag:s3] =	ssyncset.done $0x0  }
.Ltmp1:
0xab: {  	s14 =	sadd.s32 $0x1480, s13;
	[sflag:s3] =	ssyncadd.s32 $0xFFFFC000;
	(pc) =	sbr.rel @p0 .LBB2_4-.Ltmp1, $4  }
0xac: {  	[spmem:s1] =	stream.indirect.scatter.add.f32 [tilespmem:s30], [sflag:$0x4], $0x80, s14, s29, $0xb8;
	[tilespmem:$0x1E400] =	vst v63  }
0xad: {  	_ =	swait.ge [sflag:s5], $0x4000  }
0xae: {  	[sflag:s5] =	ssyncset.done $0x0  }
0xaf: {  	s13 =	sadd.s32 $0x180, s13;
	[sflag:s5] =	ssyncadd.s32 $0xFFFFC000  }
0xb0: {  	[tilespmem:s30], [sflag:$0x2] =	stream.indirect.gather [hbm4b:s4+s29], $0x80, s13, s29, $0xb8;
	[tilespmem:$0x1E400] =	vst v63  }
0xb1: {  	_ =	swait.ge [sflag:s31], $0x4000  }
0xb2: {  	[sflag:s31] =	ssyncset.done $0x0  }
0xb3: {  	[sflag:s31] =	ssyncadd.s32 $0xFFFFC000  }
0xb4: {  	[spmem:s1] =	stream.indirect.scatter.add.f32 [tilespmem:s25], [sflag:$0x3], $0x80, s7, s29, $0xb8;
	[tilespmem:$0x1E400] =	vst v63  }
0xb5: {  	_ =	swait.ge [sflag:s0], $0x4000  }
0xb6: {  	[sflag:s0] =	ssyncset.done $0x0  }
0xb7: {  	[sflag:s0] =	ssyncadd.s32 $0xFFFFC000  }
0xb8: {  	_ =	swait.ge [sflag:s3], $0x4000  }
0xb9: {  	[sflag:s3] =	ssyncset.done $0x0  }
0xba: {  	[sflag:s3] =	ssyncadd.s32 $0xFFFFC000  }
0xbb: {  	[spmem:s1] =	stream.indirect.scatter.add.f32 [tilespmem:s30], [sflag:$0x4], $0x80, s9, s29, $0xb8;
	[tilespmem:$0x1E400] =	vst v63  }
0xbc: {  	_ =	swait.ge [sflag:s5], $0x4000  }
0xbd: {  	[sflag:s5] =	ssyncset.done $0x0  }
0xbe: {  	[sflag:s5] =	ssyncadd.s32 $0xFFFFC000  }
0xbf: {  	[bflag:$0x0] =	sbarrier.arrive $0xFFFF  }
0xc0: {  	[tilespmem:s25], [sflag:$0x5] =	stream.linear.gather [spmem:s6], $0x4000, $0x38;
	[tilespmem:$0x1E400] =	vst v63  }
0xc1: {  	_ =	swait.ge [sflag:s26], $0x4000  }
0xc2: {  	[sflag:s26] =	ssyncset.done $0x0  }
0xc3: {  	[sflag:s26] =	ssyncadd.s32 $0xFFFFC000  }
0xc4: {  	[hbm4b:s19+s2] =	stream.linear.scatter [tilespmem:s25], [sflag:$0x5], $0x4000, $0x38;
	[tilespmem:$0x1E400] =	vst v63  }
0xc5: {  	_ =	swait.ge [sflag:s26], $0x4000  }
0xc6: {  	[sflag:s26] =	ssyncset.done $0x0  }
0xc7: {  	[sflag:s26] =	ssyncadd.s32 $0xFFFFC000  }
0xc8: {  	[tilespmem:s25], [sflag:$0x5] =	stream.linear.gather [spmem:s8], $0x4000, $0x38;
	[tilespmem:$0x1E400] =	vst v63  }
0xc9: {  	_ =	swait.ge [sflag:s26], $0x4000  }
0xca: {  	[sflag:s26] =	ssyncset.done $0x0  }
0xcb: {  	[sflag:s26] =	ssyncadd.s32 $0xFFFFC000  }
0xcc: {  	[hbm4b:s20+s2] =	stream.linear.scatter [tilespmem:s25], [sflag:$0x5], $0x4000, $0x38;
	[tilespmem:$0x1E400] =	vst v63  }
0xcd: {  	_ =	swait.ge [sflag:s26], $0x4000  }
0xce: {  	[sflag:s26] =	ssyncset.done $0x0  }
0xcf: {  	[sflag:s26] =	ssyncadd.s32 $0xFFFFC000  }
0xd0: {  	[tilespmem:s25], [sflag:$0x5] =	stream.linear.gather [spmem:s10], $0x4000, $0x38;
	[tilespmem:$0x1E400] =	vst v63  }
0xd1: {  	_ =	swait.ge [sflag:s26], $0x4000  }
0xd2: {  	[sflag:s26] =	ssyncset.done $0x0  }
0xd3: {  	[sflag:s26] =	ssyncadd.s32 $0xFFFFC000  }
0xd4: {  	[hbm4b:s21+s2] =	stream.linear.scatter [tilespmem:s25], [sflag:$0x5], $0x4000, $0x38;
	[tilespmem:$0x1E400] =	vst v63  }
0xd5: {  	_ =	swait.ge [sflag:s26], $0x4000  }
0xd6: {  	[sflag:s26] =	ssyncset.done $0x0  }
0xd7: {  	[sflag:s26] =	ssyncadd.s32 $0xFFFFC000  }
0xd8: {  	[tilespmem:s25], [sflag:$0x5] =	stream.linear.gather [spmem:s17], $0x4000, $0x38;
	[tilespmem:$0x1E400] =	vst v63  }
0xd9: {  	_ =	swait.ge [sflag:s26], $0x4000  }
0xda: {  	[sflag:s26] =	ssyncset.done $0x0  }
0xdb: {  	[sflag:s26] =	ssyncadd.s32 $0xFFFFC000  }
0xdc: {  	[hbm4b:s22+s2] =	stream.linear.scatter [tilespmem:s25], [sflag:$0x5], $0x4000, $0x38;
	[tilespmem:$0x1E400] =	vst v63  }
0xdd: {  	_ =	swait.ge [sflag:s26], $0x4000  }
0xde: {  	[sflag:s26] =	ssyncset.done $0x0  }
0xdf: {  	[sflag:s26] =	ssyncadd.s32 $0xFFFFC000  }
0xe0: {  	[tilespmem:s25], [sflag:$0x5] =	stream.linear.gather [spmem:s18], $0x3C00, $0x38;
	[tilespmem:$0x1E400] =	vst v63  }
0xe1: {  	s11 =	sadd.s32 $0x1, s11;
	_ =	swait.ge [sflag:s26], $0x3C00  }
0xe2: {  	p0 =	sne.s32 s11, s24;
	[sflag:s26] =	ssyncset.done $0x0  }
.Ltmp2:
0xe3: {  	[sflag:s26] =	ssyncadd.s32 $0xFFFFC400;
	(pc) =	sbr.rel @p0 .LBB2_1-.Ltmp2, $4  }
0xe4: {  	[hbm4b:s23+s2] =	stream.linear.scatter [tilespmem:s25], [sflag:$0x5], $0x3C00, $0x38;
	[tilespmem:$0x1E400] =	vst v63  }
0xe5: {  	_ =	swait.ge [sflag:s26], $0x3C00  }
0xe6: {  	[sflag:s26] =	ssyncset.done $0x0  }
0xe7: {  	[sflag:s26] =	ssyncadd.s32 $0xFFFFC400  }
0xe8: {  	_ =	sfence.sel $0x180000  }
0xe9: {  	[bflag:$0x0] =	sbarrier.arrive $0xFFFF  }
0xea: {  	_ =	strace $0x9000004A  }
0xeb: {  	s0 =	stileid.u32;
	[bflag:$0x2] =	sbarrier.arrive $0xFFFF  }
0xec: {  	p0 =	sne.s32 s0, $0x0;
	s0 =	rddreg [dreg:$0x3]  }
0xed: {  	s0 =	sadd.s32 @!p0 $0x100000, s0  }
0xee: {  	[sflag:s0] =	ssyncadd.tile.s32 @!p0 $0x1;
	_ =	shalt  }
.Lfunc_end2:
_tile_overlayer_lowered:
.L_overlay_start_2:
0xef: {  	(tag) =	ssettag $0x2  }
0xf0: {  	s0 =	rddreg [dreg:$0x0];
	s2 =	stileid.u32  }
0xf1: {  	s1 =	rddreg [dreg:$0x1];
	p0 =	sne.s32 s2, $0x0  }
0xf2: {  	s3 =	rddreg [dreg:$0x2];
	[bflag:$0x3] =	sbarrier.arrive $0xFFFF;
	s2 =	simm.s32 @!p0 $0x1C05  }
0xf3: {  	[timem:s3], [sflag:s2] =	dma.local @!p0 [hbm:s0], s1  }
0xf4: {  	s0 =	simm.s32 @!p0 $0x5  }
0xf5: {  	_ =	swait.ge @!p0 [sflag:s0], s1  }
0xf6: {  	s1 =	ssub.s32 @!p0 $0x0, s1;
	[sflag:s0] =	ssyncset.done @!p0 $0x0  }
0xf7: {  	[sflag:s0] =	ssyncadd.s32 @!p0 s1  }
0xf8: {  	[bflag:$0x3] =	sbarrier.arrive $0xFFFF  }
0xf9: {  	_ =	shalt  }

</sc_bundles>
